<compile_context>
chip_gen: v7x
topology: tpu7x:2x2x1
jax: 0.10.2.dev20260603
libtpu: 0.0.44.dev20260713+nightly
codegen_flags: <defaults>
</compile_context>

<pallas_src>
import functools

import jax
import jax.numpy as jnp
from jax import lax
from jax.experimental import pallas as pl
from jax.experimental.pallas import tpu as pltpu
from jax.experimental.pallas import tpu_sc as plsc

B = 16384
HID = 1024
NC, NS, L = 2, 16, 16
NW = NC * NS
CHUNK = 128
GROUPS = 84
GSTRIDE = 64
TROWS = GROUPS * GSTRIDE

NSLICE = 1
SB = B // NSLICE
BW = SB // NW
NJ = BW // CHUNK

TILE = 1024
GRID = SB // TILE


@functools.cache
def _sc_gather_kernel():
    mesh = plsc.VectorSubcoreMesh(core_axis_name="c", subcore_axis_name="s")

    @functools.partial(
        pl.kernel,
        mesh=mesh,
        out_type=jax.ShapeDtypeStruct((SB, 128), jnp.float32),
        scratch_types=[
            pltpu.VMEM((NJ, CHUNK), jnp.int32),
            pltpu.VMEM((NJ, CHUNK), jnp.int32),
            pltpu.VMEM((NJ, CHUNK), jnp.int32),
            pltpu.VMEM((NJ, CHUNK), jnp.int32),
            pltpu.VMEM((NJ, CHUNK), jnp.int32),
            pltpu.VMEM((BW, 128), jnp.float32),
            pltpu.SemaphoreType.DMA,
        ],
    )
    def _sc_gather(i0_hbm, i1_hbm, i2_hbm, i3_hbm, table_hbm, x_hbm,
                   idx0_v, idx1_v, idx2_v, idx3_v, cidx_v, rows_v, sem):
        wid = lax.axis_index("s") * NC + lax.axis_index("c")
        pltpu.sync_copy(i0_hbm.at[wid], idx0_v)
        pltpu.sync_copy(i1_hbm.at[wid], idx1_v)
        pltpu.sync_copy(i2_hbm.at[wid], idx2_v)
        pltpu.sync_copy(i3_hbm.at[wid], idx3_v)
        for j in range(NJ):
            for k in range(CHUNK // L):
                s = pl.ds(k * L, L)
                cidx_v[j, s] = ((idx0_v[j, s] * 12 + idx1_v[j, s]) * GSTRIDE
                                + idx2_v[j, s] * 8 + idx3_v[j, s])
        copies = []
        for j in range(NJ):
            copies.append(pltpu.async_copy(
                table_hbm.at[cidx_v.at[j]],
                rows_v.at[pl.ds(j * CHUNK, CHUNK)], sem))
        for c in copies:
            c.wait()
        pltpu.sync_copy(rows_v, x_hbm.at[pl.ds(wid * BW, BW)])

    return _sc_gather


def _table_body(dowp_ref, monthp_ref, out_ref):
    g = lax.broadcasted_iota(jnp.int32, (GROUPS, 1), 0)
    a = g // 12
    b = g - a * 12
    j16 = lax.broadcasted_iota(jnp.int32, (1, 16), 1)
    oh_a = (a == j16).astype(jnp.bfloat16)
    oh_b = (b == j16).astype(jnp.bfloat16)
    base = (jnp.dot(oh_a, dowp_ref[...], preferred_element_type=jnp.float32)
            + jnp.dot(oh_b, monthp_ref[...],
                      preferred_element_type=jnp.float32))
    q = lax.broadcasted_iota(jnp.int32, (GSTRIDE, 1), 0)
    f2 = (q >> 3).astype(jnp.float32)
    f3 = (q & 7).astype(jnp.float32)
    c = lax.broadcasted_iota(jnp.int32, (GSTRIDE, 128), 1)
    pat = (jnp.where(c == 32, f2, 0.0)
           + jnp.where(c == 33, f3, 0.0)
           + jnp.where(c == 34, 1.0, 0.0))
    for gg in range(GROUPS):
        out_ref[pl.ds(gg * GSTRIDE, GSTRIDE), :] = base[gg:gg + 1, :] + pat


def _table_call(dowp, monthp):
    full = lambda s: pl.BlockSpec(s, lambda: (0, 0))
    return pl.pallas_call(
        _table_body,
        in_specs=[full((16, 128)), full((16, 128))],
        out_specs=full((TROWS, 128)),
        out_shape=jax.ShapeDtypeStruct((TROWS, 128), jnp.float32),
    )(dowp, monthp)


def _mlp_body(*refs):
    x_ref, w1_ref, w2_ref, b2_ref = refs[:4]
    out_ref = refs[-1]
    h = jnp.dot(x_ref[...].astype(jnp.bfloat16), w1_ref[...],
                preferred_element_type=jnp.float32)
    h = 0.5 * h * (1.0 + lax.tanh(0.5 * h))
    out = jnp.dot(h.astype(jnp.bfloat16), w2_ref[...],
                  preferred_element_type=jnp.float32)
    out_ref[...] = out + b2_ref[...]


def _mlp_call(x, w1p, w2, b2r, carry, slice_idx):
    full = lambda s: pl.BlockSpec(s, lambda i: (0, 0))
    off = slice_idx * GRID
    in_specs = [
        pl.BlockSpec((TILE, 128), lambda i: (i, 0)),
        full((128, HID)),
        full((HID, HID)),
        full((1, HID)),
    ]
    args = [x, w1p, w2, b2r]
    aliases = {}
    if carry is not None:
        in_specs.append(pl.BlockSpec(memory_space=pl.ANY))
        args.append(carry)
        aliases = {4: 0}
    return pl.pallas_call(
        _mlp_body,
        grid=(GRID,),
        in_specs=in_specs,
        out_specs=pl.BlockSpec((TILE, HID), lambda i, off=off: (i + off, 0)),
        out_shape=jax.ShapeDtypeStruct((B, HID), jnp.float32),
        input_output_aliases=aliases,
    )(*args)


def kernel(cal, dow_emb, month_emb, W1, b1, W2, b2):
    cal = cal.astype(jnp.int32)
    idx = cal.reshape(NSLICE, NW, NJ, CHUNK, 4)

    dowp = jnp.pad(dow_emb, ((0, 9), (0, 112))).astype(jnp.bfloat16)
    monthp = jnp.pad(month_emb, ((0, 4), (16, 96))).astype(jnp.bfloat16)
    table = _table_call(dowp, monthp)

    sc = _sc_gather_kernel()
    xs = [sc(idx[k, ..., 0], idx[k, ..., 1], idx[k, ..., 2], idx[k, ..., 3],
             table) for k in range(NSLICE)]

    w1p = jnp.concatenate(
        [W1, b1.reshape(1, HID), jnp.zeros((128 - 35, HID), jnp.float32)],
        axis=0).astype(jnp.bfloat16)
    w2c = W2.astype(jnp.bfloat16)
    b2r = b2.reshape(1, HID)

    out = None
    for k in range(NSLICE):
        out = _mlp_call(xs[k], w1p, w2c, b2r, out, k)
    return out

# --- scband reference (transcript-rebuilt; emitter-appended) ---
"""Pipeline reference for scband-calendar-embedding-84387517432051 (READ-ONLY COPY).

The authoritative reference and input builder live on the scoring server;
editing this copy changes nothing except your own understanding.
"""

import jax, jax.numpy as jnp
import numpy as np

BASE_CH = 256
HID = BASE_CH * 4

def setup_inputs(seed: int = 0) -> dict:
    key = jax.random.key(seed)
    ks = jax.random.split(key, 8)
    cal = jax.random.randint(ks[0], (16384, 4), 0, 7, dtype=jnp.int64)
    dow_emb = jax.random.normal(ks[1], (7, 16), dtype=jnp.float32)
    month_emb = jax.random.normal(ks[2], (12, 16), dtype=jnp.float32)
    lim1 = 1.0 / np.sqrt(34.0)
    W1 = jax.random.uniform(ks[3], (34, HID), dtype=jnp.float32, minval=-lim1, maxval=lim1)
    b1 = jax.random.uniform(ks[4], (HID,), dtype=jnp.float32, minval=-lim1, maxval=lim1)
    lim2 = 1.0 / np.sqrt(float(HID))
    W2 = jax.random.uniform(ks[5], (HID, HID), dtype=jnp.float32, minval=-lim2, maxval=lim2)
    b2 = jax.random.uniform(ks[6], (HID,), dtype=jnp.float32, minval=-lim2, maxval=lim2)
    return {"cal": cal, "dow_emb": dow_emb, "month_emb": month_emb, "W1": W1, "b1": b1, "W2": W2, "b2": b2}

def reference(cal, dow_emb, month_emb, W1, b1, W2, b2):
    dow = jnp.take(dow_emb, cal[:, 0], axis=0)
    month = jnp.take(month_emb, cal[:, 1], axis=0)
    binary = cal[:, 2:].astype(jnp.float32)
    h = jnp.concatenate([dow, month, binary], axis=-1)
    h = h @ W1 + b1
    h = h * jax.nn.sigmoid(h)  # SiLU
    out = h @ W2 + b2
    return out

if __name__ == "__main__":
    import jax
    _d = setup_inputs()
    print(jax.jit(kernel)(*tuple(_d.values())))

</pallas_src>

<mosaic_0001>
#map = affine_map<(d0, d1) -> (0, 0, 0)>
#map1 = affine_map<(d0, d1) -> (0, 0)>
module attributes {stable_mosaic.version = 14 : i64} {
  func.func @_sc_gather(%arg0: i32, %arg1: i32, %arg2: memref<32x4x128xi32, #tpu.memory_space<hbm>>, %arg3: memref<32x4x128xi32, #tpu.memory_space<hbm>>, %arg4: memref<32x4x128xi32, #tpu.memory_space<hbm>>, %arg5: memref<32x4x128xi32, #tpu.memory_space<hbm>>, %arg6: memref<5376x128xf32, #tpu.memory_space<hbm>>, %arg7: memref<16384x128xf32, #tpu.memory_space<hbm>>, %arg8: memref<4x128xi32, #tpu.memory_space<vmem>>, %arg9: memref<4x128xi32, #tpu.memory_space<vmem>>, %arg10: memref<4x128xi32, #tpu.memory_space<vmem>>, %arg11: memref<4x128xi32, #tpu.memory_space<vmem>>, %arg12: memref<4x128xi32, #tpu.memory_space<vmem>>, %arg13: memref<512x128xf32, #tpu.memory_space<vmem>>, %arg14: memref<!tpu.dma_semaphore, #tpu.memory_space<semaphore_mem>>) attributes {dimension_semantics = [#tpu.dimension_semantics<core_parallel>, #tpu.dimension_semantics<subcore_parallel>], iteration_bounds = array<i64: 2, 16>, scalar_prefetch = 0 : i64, scratch_operands = 7 : i64, tpu.core_type = #tpu.core_type<sc_vector_subcore>, window_params = [{transform_indices = #map}, {transform_indices = #map}, {transform_indices = #map}, {transform_indices = #map}, {transform_indices = #map1}, {transform_indices = #map1}]} {
    %mul3A = arith.constant 2 : i32
    %mul3A_0 = arith.muli %arg1, %mul3A : i32
    %add3A = arith.addi %mul3A_0, %arg0 : i32
    "tpu.region"() ({
      %run_scoped3A = tpu.sem_alloc : memref<!tpu.dma_semaphore, #tpu.memory_space<semaphore_mem>>
      %dma_start3A_1295 = arith.constant 0 : i32
      %dma_start3A_1296 = arith.constant 0 : i32
      %dma_start3A_1297 = tpu.memref_slice %arg2[%add3A, %dma_start3A_1295, %dma_start3A_1296] : memref<32x4x128xi32, #tpu.memory_space<hbm>> -> memref<1x4x128xi32, #tpu.memory_space<hbm>>
      %dma_start3A_1298 = tpu.memref_squeeze %dma_start3A_1297 : memref<1x4x128xi32, #tpu.memory_space<hbm>> -> memref<4x128xi32, #tpu.memory_space<hbm>>
      %dma_start3A_1299 = arith.constant 0 : i32
      %dma_start3A_1300 = arith.constant 0 : i32
      %dma_start3A_1301 = tpu.memref_slice %arg2[%add3A, %dma_start3A_1299, %dma_start3A_1300] : memref<32x4x128xi32, #tpu.memory_space<hbm>> -> memref<1x4x128xi32, #tpu.memory_space<hbm>>
      %dma_start3A_1302 = tpu.memref_squeeze %dma_start3A_1301 : memref<1x4x128xi32, #tpu.memory_space<hbm>> -> memref<4x128xi32, #tpu.memory_space<hbm>>
      tpu.enqueue_dma source(%dma_start3A_1302 : memref<4x128xi32, #tpu.memory_space<hbm>>) target(%arg8 : memref<4x128xi32, #tpu.memory_space<vmem>>) target_semaphore(%run_scoped3A : memref<!tpu.dma_semaphore, #tpu.memory_space<semaphore_mem>>)
      %dma_wait3A_1303 = arith.constant 0 : i32
      %dma_wait3A_1304 = arith.constant 0 : i32
      %dma_wait3A_1305 = tpu.memref_slice %arg2[%add3A, %dma_wait3A_1303, %dma_wait3A_1304] : memref<32x4x128xi32, #tpu.memory_space<hbm>> -> memref<1x4x128xi32, #tpu.memory_space<hbm>>
      %dma_wait3A_1306 = tpu.memref_squeeze %dma_wait3A_1305 : memref<1x4x128xi32, #tpu.memory_space<hbm>> -> memref<4x128xi32, #tpu.memory_space<hbm>>
      %dma_wait3A_1307 = arith.constant 0 : i32
      %dma_wait3A_1308 = arith.constant 0 : i32
      %dma_wait3A_1309 = tpu.memref_slice %arg2[%add3A, %dma_wait3A_1307, %dma_wait3A_1308] : memref<32x4x128xi32, #tpu.memory_space<hbm>> -> memref<1x4x128xi32, #tpu.memory_space<hbm>>
      %dma_wait3A_1310 = tpu.memref_squeeze %dma_wait3A_1309 : memref<1x4x128xi32, #tpu.memory_space<hbm>> -> memref<4x128xi32, #tpu.memory_space<hbm>>
      tpu.wait_dma2 semaphore(%run_scoped3A : memref<!tpu.dma_semaphore, #tpu.memory_space<semaphore_mem>>) src(%dma_wait3A_1310 : memref<4x128xi32, #tpu.memory_space<hbm>>) dst(%arg8 : memref<4x128xi32, #tpu.memory_space<vmem>>)
      tpu.yield
    }) : () -> ()
    "tpu.region"() ({
      %run_scoped3A = tpu.sem_alloc : memref<!tpu.dma_semaphore, #tpu.memory_space<semaphore_mem>>
      %dma_start3A_1295 = arith.constant 0 : i32
      %dma_start3A_1296 = arith.constant 0 : i32
      %dma_start3A_1297 = tpu.memref_slice %arg3[%add3A, %dma_start3A_1295, %dma_start3A_1296] : memref<32x4x128xi32, #tpu.memory_space<hbm>> -> memref<1x4x128xi32, #tpu.memory_space<hbm>>
      %dma_start3A_1298 = tpu.memref_squeeze %dma_start3A_1297 : memref<1x4x128xi32, #tpu.memory_space<hbm>> -> memref<4x128xi32, #tpu.memory_space<hbm>>
      %dma_start3A_1299 = arith.constant 0 : i32
      %dma_start3A_1300 = arith.constant 0 : i32
      %dma_start3A_1301 = tpu.memref_slice %arg3[%add3A, %dma_start3A_1299, %dma_start3A_1300] : memref<32x4x128xi32, #tpu.memory_space<hbm>> -> memref<1x4x128xi32, #tpu.memory_space<hbm>>
      %dma_start3A_1302 = tpu.memref_squeeze %dma_start3A_1301 : memref<1x4x128xi32, #tpu.memory_space<hbm>> -> memref<4x128xi32, #tpu.memory_space<hbm>>
      tpu.enqueue_dma source(%dma_start3A_1302 : memref<4x128xi32, #tpu.memory_space<hbm>>) target(%arg9 : memref<4x128xi32, #tpu.memory_space<vmem>>) target_semaphore(%run_scoped3A : memref<!tpu.dma_semaphore, #tpu.memory_space<semaphore_mem>>)
      %dma_wait3A_1303 = arith.constant 0 : i32
      %dma_wait3A_1304 = arith.constant 0 : i32
      %dma_wait3A_1305 = tpu.memref_slice %arg3[%add3A, %dma_wait3A_1303, %dma_wait3A_1304] : memref<32x4x128xi32, #tpu.memory_space<hbm>> -> memref<1x4x128xi32, #tpu.memory_space<hbm>>
      %dma_wait3A_1306 = tpu.memref_squeeze %dma_wait3A_1305 : memref<1x4x128xi32, #tpu.memory_space<hbm>> -> memref<4x128xi32, #tpu.memory_space<hbm>>
      %dma_wait3A_1307 = arith.constant 0 : i32
      %dma_wait3A_1308 = arith.constant 0 : i32
      %dma_wait3A_1309 = tpu.memref_slice %arg3[%add3A, %dma_wait3A_1307, %dma_wait3A_1308] : memref<32x4x128xi32, #tpu.memory_space<hbm>> -> memref<1x4x128xi32, #tpu.memory_space<hbm>>
      %dma_wait3A_1310 = tpu.memref_squeeze %dma_wait3A_1309 : memref<1x4x128xi32, #tpu.memory_space<hbm>> -> memref<4x128xi32, #tpu.memory_space<hbm>>
      tpu.wait_dma2 semaphore(%run_scoped3A : memref<!tpu.dma_semaphore, #tpu.memory_space<semaphore_mem>>) src(%dma_wait3A_1310 : memref<4x128xi32, #tpu.memory_space<hbm>>) dst(%arg9 : memref<4x128xi32, #tpu.memory_space<vmem>>)
      tpu.yield
    }) : () -> ()
    "tpu.region"() ({
      %run_scoped3A = tpu.sem_alloc : memref<!tpu.dma_semaphore, #tpu.memory_space<semaphore_mem>>
      %dma_start3A_1295 = arith.constant 0 : i32
      %dma_start3A_1296 = arith.constant 0 : i32
      %dma_start3A_1297 = tpu.memref_slice %arg4[%add3A, %dma_start3A_1295, %dma_start3A_1296] : memref<32x4x128xi32, #tpu.memory_space<hbm>> -> memref<1x4x128xi32, #tpu.memory_space<hbm>>
      %dma_start3A_1298 = tpu.memref_squeeze %dma_start3A_1297 : memref<1x4x128xi32, #tpu.memory_space<hbm>> -> memref<4x128xi32, #tpu.memory_space<hbm>>
      %dma_start3A_1299 = arith.constant 0 : i32
      %dma_start3A_1300 = arith.constant 0 : i32
      %dma_start3A_1301 = tpu.memref_slice %arg4[%add3A, %dma_start3A_1299, %dma_start3A_1300] : memref<32x4x128xi32, #tpu.memory_space<hbm>> -> memref<1x4x128xi32, #tpu.memory_space<hbm>>
      %dma_start3A_1302 = tpu.memref_squeeze %dma_start3A_1301 : memref<1x4x128xi32, #tpu.memory_space<hbm>> -> memref<4x128xi32, #tpu.memory_space<hbm>>
      tpu.enqueue_dma source(%dma_start3A_1302 : memref<4x128xi32, #tpu.memory_space<hbm>>) target(%arg10 : memref<4x128xi32, #tpu.memory_space<vmem>>) target_semaphore(%run_scoped3A : memref<!tpu.dma_semaphore, #tpu.memory_space<semaphore_mem>>)
      %dma_wait3A_1303 = arith.constant 0 : i32
      %dma_wait3A_1304 = arith.constant 0 : i32
      %dma_wait3A_1305 = tpu.memref_slice %arg4[%add3A, %dma_wait3A_1303, %dma_wait3A_1304] : memref<32x4x128xi32, #tpu.memory_space<hbm>> -> memref<1x4x128xi32, #tpu.memory_space<hbm>>
      %dma_wait3A_1306 = tpu.memref_squeeze %dma_wait3A_1305 : memref<1x4x128xi32, #tpu.memory_space<hbm>> -> memref<4x128xi32, #tpu.memory_space<hbm>>
      %dma_wait3A_1307 = arith.constant 0 : i32
      %dma_wait3A_1308 = arith.constant 0 : i32
      %dma_wait3A_1309 = tpu.memref_slice %arg4[%add3A, %dma_wait3A_1307, %dma_wait3A_1308] : memref<32x4x128xi32, #tpu.memory_space<hbm>> -> memref<1x4x128xi32, #tpu.memory_space<hbm>>
      %dma_wait3A_1310 = tpu.memref_squeeze %dma_wait3A_1309 : memref<1x4x128xi32, #tpu.memory_space<hbm>> -> memref<4x128xi32, #tpu.memory_space<hbm>>
      tpu.wait_dma2 semaphore(%run_scoped3A : memref<!tpu.dma_semaphore, #tpu.memory_space<semaphore_mem>>) src(%dma_wait3A_1310 : memref<4x128xi32, #tpu.memory_space<hbm>>) dst(%arg10 : memref<4x128xi32, #tpu.memory_space<vmem>>)
      tpu.yield
    }) : () -> ()
    "tpu.region"() ({
      %run_scoped3A = tpu.sem_alloc : memref<!tpu.dma_semaphore, #tpu.memory_space<semaphore_mem>>
      %dma_start3A_1295 = arith.constant 0 : i32
      %dma_start3A_1296 = arith.constant 0 : i32
      %dma_start3A_1297 = tpu.memref_slice %arg5[%add3A, %dma_start3A_1295, %dma_start3A_1296] : memref<32x4x128xi32, #tpu.memory_space<hbm>> -> memref<1x4x128xi32, #tpu.memory_space<hbm>>
      %dma_start3A_1298 = tpu.memref_squeeze %dma_start3A_1297 : memref<1x4x128xi32, #tpu.memory_space<hbm>> -> memref<4x128xi32, #tpu.memory_space<hbm>>
      %dma_start3A_1299 = arith.constant 0 : i32
      %dma_start3A_1300 = arith.constant 0 : i32
      %dma_start3A_1301 = tpu.memref_slice %arg5[%add3A, %dma_start3A_1299, %dma_start3A_1300] : memref<32x4x128xi32, #tpu.memory_space<hbm>> -> memref<1x4x128xi32, #tpu.memory_space<hbm>>
      %dma_start3A_1302 = tpu.memref_squeeze %dma_start3A_1301 : memref<1x4x128xi32, #tpu.memory_space<hbm>> -> memref<4x128xi32, #tpu.memory_space<hbm>>
      tpu.enqueue_dma source(%dma_start3A_1302 : memref<4x128xi32, #tpu.memory_space<hbm>>) target(%arg11 : memref<4x128xi32, #tpu.memory_space<vmem>>) target_semaphore(%run_scoped3A : memref<!tpu.dma_semaphore, #tpu.memory_space<semaphore_mem>>)
      %dma_wait3A_1303 = arith.constant 0 : i32
      %dma_wait3A_1304 = arith.constant 0 : i32
      %dma_wait3A_1305 = tpu.memref_slice %arg5[%add3A, %dma_wait3A_1303, %dma_wait3A_1304] : memref<32x4x128xi32, #tpu.memory_space<hbm>> -> memref<1x4x128xi32, #tpu.memory_space<hbm>>
      %dma_wait3A_1306 = tpu.memref_squeeze %dma_wait3A_1305 : memref<1x4x128xi32, #tpu.memory_space<hbm>> -> memref<4x128xi32, #tpu.memory_space<hbm>>
      %dma_wait3A_1307 = arith.constant 0 : i32
      %dma_wait3A_1308 = arith.constant 0 : i32
      %dma_wait3A_1309 = tpu.memref_slice %arg5[%add3A, %dma_wait3A_1307, %dma_wait3A_1308] : memref<32x4x128xi32, #tpu.memory_space<hbm>> -> memref<1x4x128xi32, #tpu.memory_space<hbm>>
      %dma_wait3A_1310 = tpu.memref_squeeze %dma_wait3A_1309 : memref<1x4x128xi32, #tpu.memory_space<hbm>> -> memref<4x128xi32, #tpu.memory_space<hbm>>
      tpu.wait_dma2 semaphore(%run_scoped3A : memref<!tpu.dma_semaphore, #tpu.memory_space<semaphore_mem>>) src(%dma_wait3A_1310 : memref<4x128xi32, #tpu.memory_space<hbm>>) dst(%arg11 : memref<4x128xi32, #tpu.memory_space<vmem>>)
      tpu.yield
    }) : () -> ()
    %get3A = arith.constant 0 : i32
    %get3A_1 = arith.index_cast %get3A : i32 to index
    %get3A_2 = arith.constant 0 : index
    %get3A_3 = tpu.vector_load %arg8[%get3A_1, %get3A_2] {strides = array<i32>} : memref<4x128xi32, #tpu.memory_space<vmem>>, vector<1x16xi32>,
    %get3A_4 = vector.shape_cast %get3A_3 : vector<1x16xi32> to vector<16xi32>
    %mul3A_5 = arith.constant 12 : i32
    %mul3A_6 = vector.broadcast %mul3A_5 : i32 to vector<16xi32>
    %mul3A_7 = arith.muli %get3A_4, %mul3A_6 : vector<16xi32>
    %get3A_8 = arith.constant 0 : i32
    %get3A_9 = arith.index_cast %get3A_8 : i32 to index
    %get3A_10 = arith.constant 0 : index
    %get3A_11 = tpu.vector_load %arg9[%get3A_9, %get3A_10] {strides = array<i32>} : memref<4x128xi32, #tpu.memory_space<vmem>>, vector<1x16xi32>,
    %get3A_12 = vector.shape_cast %get3A_11 : vector<1x16xi32> to vector<16xi32>
    %add3A_13 = arith.addi %mul3A_7, %get3A_12 : vector<16xi32>
    %mul3A_14 = arith.constant 64 : i32
    %mul3A_15 = vector.broadcast %mul3A_14 : i32 to vector<16xi32>
    %mul3A_16 = arith.muli %add3A_13, %mul3A_15 : vector<16xi32>
    %get3A_17 = arith.constant 0 : i32
    %get3A_18 = arith.index_cast %get3A_17 : i32 to index
    %get3A_19 = arith.constant 0 : index
    %get3A_20 = tpu.vector_load %arg10[%get3A_18, %get3A_19] {strides = array<i32>} : memref<4x128xi32, #tpu.memory_space<vmem>>, vector<1x16xi32>,
    %get3A_21 = vector.shape_cast %get3A_20 : vector<1x16xi32> to vector<16xi32>
    %mul3A_22 = arith.constant 8 : i32
    %mul3A_23 = vector.broadcast %mul3A_22 : i32 to vector<16xi32>
    %mul3A_24 = arith.muli %get3A_21, %mul3A_23 : vector<16xi32>
    %add3A_25 = arith.addi %mul3A_16, %mul3A_24 : vector<16xi32>
    %get3A_26 = arith.constant 0 : i32
    %get3A_27 = arith.index_cast %get3A_26 : i32 to index
    %get3A_28 = arith.constant 0 : index
    %get3A_29 = tpu.vector_load %arg11[%get3A_27, %get3A_28] {strides = array<i32>} : memref<4x128xi32, #tpu.memory_space<vmem>>, vector<1x16xi32>,
    %get3A_30 = vector.shape_cast %get3A_29 : vector<1x16xi32> to vector<16xi32>
    %add3A_31 = arith.addi %add3A_25, %get3A_30 : vector<16xi32>
    %swap3A = arith.constant 0 : i32
    %swap3A_32 = arith.index_cast %swap3A : i32 to index
    %swap3A_33 = arith.constant 0 : index
    %swap3A_34 = tpu.vector_load %arg12[%swap3A_32, %swap3A_33] {strides = array<i32>} : memref<4x128xi32, #tpu.memory_space<vmem>>, vector<1x16xi32>,
    %swap3A_35 = vector.shape_cast %swap3A_34 : vector<1x16xi32> to vector<16xi32>
    %swap3A_36 = vector.shape_cast %add3A_31 : vector<16xi32> to vector<1x16xi32>
    tpu.vector_store %arg12[%swap3A_32, %swap3A_33], %swap3A_36 {strides = array<i32>} : memref<4x128xi32, #tpu.memory_space<vmem>>, vector<1x16xi32>,
    %get3A_37 = arith.constant 0 : i32
    %get3A_38 = arith.index_cast %get3A_37 : i32 to index
    %get3A_39 = arith.constant 16 : index
    %get3A_40 = tpu.vector_load %arg8[%get3A_38, %get3A_39] {strides = array<i32>} : memref<4x128xi32, #tpu.memory_space<vmem>>, vector<1x16xi32>,
    %get3A_41 = vector.shape_cast %get3A_40 : vector<1x16xi32> to vector<16xi32>
    %mul3A_42 = arith.constant 12 : i32
    %mul3A_43 = vector.broadcast %mul3A_42 : i32 to vector<16xi32>
    %mul3A_44 = arith.muli %get3A_41, %mul3A_43 : vector<16xi32>
    %get3A_45 = arith.constant 0 : i32
    %get3A_46 = arith.index_cast %get3A_45 : i32 to index
    %get3A_47 = arith.constant 16 : index
    %get3A_48 = tpu.vector_load %arg9[%get3A_46, %get3A_47] {strides = array<i32>} : memref<4x128xi32, #tpu.memory_space<vmem>>, vector<1x16xi32>,
    %get3A_49 = vector.shape_cast %get3A_48 : vector<1x16xi32> to vector<16xi32>
    %add3A_50 = arith.addi %mul3A_44, %get3A_49 : vector<16xi32>
    %mul3A_51 = arith.constant 64 : i32
    %mul3A_52 = vector.broadcast %mul3A_51 : i32 to vector<16xi32>
    %mul3A_53 = arith.muli %add3A_50, %mul3A_52 : vector<16xi32>
    %get3A_54 = arith.constant 0 : i32
    %get3A_55 = arith.index_cast %get3A_54 : i32 to index
    %get3A_56 = arith.constant 16 : index
    %get3A_57 = tpu.vector_load %arg10[%get3A_55, %get3A_56] {strides = array<i32>} : memref<4x128xi32, #tpu.memory_space<vmem>>, vector<1x16xi32>,
    %get3A_58 = vector.shape_cast %get3A_57 : vector<1x16xi32> to vector<16xi32>
    %mul3A_59 = arith.constant 8 : i32
    %mul3A_60 = vector.broadcast %mul3A_59 : i32 to vector<16xi32>
    %mul3A_61 = arith.muli %get3A_58, %mul3A_60 : vector<16xi32>
    %add3A_62 = arith.addi %mul3A_53, %mul3A_61 : vector<16xi32>
    %get3A_63 = arith.constant 0 : i32
    %get3A_64 = arith.index_cast %get3A_63 : i32 to index
    %get3A_65 = arith.constant 16 : index
    %get3A_66 = tpu.vector_load %arg11[%get3A_64, %get3A_65] {strides = array<i32>} : memref<4x128xi32, #tpu.memory_space<vmem>>, vector<1x16xi32>,
    %get3A_67 = vector.shape_cast %get3A_66 : vector<1x16xi32> to vector<16xi32>
    %add3A_68 = arith.addi %add3A_62, %get3A_67 : vector<16xi32>
    %swap3A_69 = arith.constant 0 : i32
    %swap3A_70 = arith.index_cast %swap3A_69 : i32 to index
    %swap3A_71 = arith.constant 16 : index
    %swap3A_72 = tpu.vector_load %arg12[%swap3A_70, %swap3A_71] {strides = array<i32>} : memref<4x128xi32, #tpu.memory_space<vmem>>, vector<1x16xi32>,
    %swap3A_73 = vector.shape_cast %swap3A_72 : vector<1x16xi32> to vector<16xi32>
    %swap3A_74 = vector.shape_cast %add3A_68 : vector<16xi32> to vector<1x16xi32>
    tpu.vector_store %arg12[%swap3A_70, %swap3A_71], %swap3A_74 {strides = array<i32>} : memref<4x128xi32, #tpu.memory_space<vmem>>, vector<1x16xi32>,
    %get3A_75 = arith.constant 0 : i32
    %get3A_76 = arith.index_cast %get3A_75 : i32 to index
    %get3A_77 = arith.constant 32 : index
    %get3A_78 = tpu.vector_load %arg8[%get3A_76, %get3A_77] {strides = array<i32>} : memref<4x128xi32, #tpu.memory_space<vmem>>, vector<1x16xi32>,
    %get3A_79 = vector.shape_cast %get3A_78 : vector<1x16xi32> to vector<16xi32>
    %mul3A_80 = arith.constant 12 : i32
    %mul3A_81 = vector.broadcast %mul3A_80 : i32 to vector<16xi32>
    %mul3A_82 = arith.muli %get3A_79, %mul3A_81 : vector<16xi32>
    %get3A_83 = arith.constant 0 : i32
    %get3A_84 = arith.index_cast %get3A_83 : i32 to index
    %get3A_85 = arith.constant 32 : index
    %get3A_86 = tpu.vector_load %arg9[%get3A_84, %get3A_85] {strides = array<i32>} : memref<4x128xi32, #tpu.memory_space<vmem>>, vector<1x16xi32>,
    %get3A_87 = vector.shape_cast %get3A_86 : vector<1x16xi32> to vector<16xi32>
    %add3A_88 = arith.addi %mul3A_82, %get3A_87 : vector<16xi32>
    %mul3A_89 = arith.constant 64 : i32
    %mul3A_90 = vector.broadcast %mul3A_89 : i32 to vector<16xi32>
    %mul3A_91 = arith.muli %add3A_88, %mul3A_90 : vector<16xi32>
    %get3A_92 = arith.constant 0 : i32
    %get3A_93 = arith.index_cast %get3A_92 : i32 to index
    %get3A_94 = arith.constant 32 : index
    %get3A_95 = tpu.vector_load %arg10[%get3A_93, %get3A_94] {strides = array<i32>} : memref<4x128xi32, #tpu.memory_space<vmem>>, vector<1x16xi32>,
    %get3A_96 = vector.shape_cast %get3A_95 : vector<1x16xi32> to vector<16xi32>
    %mul3A_97 = arith.constant 8 : i32
    %mul3A_98 = vector.broadcast %mul3A_97 : i32 to vector<16xi32>
    %mul3A_99 = arith.muli %get3A_96, %mul3A_98 : vector<16xi32>
    %add3A_100 = arith.addi %mul3A_91, %mul3A_99 : vector<16xi32>
    %get3A_101 = arith.constant 0 : i32
    %get3A_102 = arith.index_cast %get3A_101 : i32 to index
    %get3A_103 = arith.constant 32 : index
    %get3A_104 = tpu.vector_load %arg11[%get3A_102, %get3A_103] {strides = array<i32>} : memref<4x128xi32, #tpu.memory_space<vmem>>, vector<1x16xi32>,
    %get3A_105 = vector.shape_cast %get3A_104 : vector<1x16xi32> to vector<16xi32>
    %add3A_106 = arith.addi %add3A_100, %get3A_105 : vector<16xi32>
    %swap3A_107 = arith.constant 0 : i32
    %swap3A_108 = arith.index_cast %swap3A_107 : i32 to index
    %swap3A_109 = arith.constant 32 : index
    %swap3A_110 = tpu.vector_load %arg12[%swap3A_108, %swap3A_109] {strides = array<i32>} : memref<4x128xi32, #tpu.memory_space<vmem>>, vector<1x16xi32>,
    %swap3A_111 = vector.shape_cast %swap3A_110 : vector<1x16xi32> to vector<16xi32>
    %swap3A_112 = vector.shape_cast %add3A_106 : vector<16xi32> to vector<1x16xi32>
    tpu.vector_store %arg12[%swap3A_108, %swap3A_109], %swap3A_112 {strides = array<i32>} : memref<4x128xi32, #tpu.memory_space<vmem>>, vector<1x16xi32>,
    %get3A_113 = arith.constant 0 : i32
    %get3A_114 = arith.index_cast %get3A_113 : i32 to index
    %get3A_115 = arith.constant 48 : index
    %get3A_116 = tpu.vector_load %arg8[%get3A_114, %get3A_115] {strides = array<i32>} : memref<4x128xi32, #tpu.memory_space<vmem>>, vector<1x16xi32>,
    %get3A_117 = vector.shape_cast %get3A_116 : vector<1x16xi32> to vector<16xi32>
    %mul3A_118 = arith.constant 12 : i32
    %mul3A_119 = vector.broadcast %mul3A_118 : i32 to vector<16xi32>
    %mul3A_120 = arith.muli %get3A_117, %mul3A_119 : vector<16xi32>
    %get3A_121 = arith.constant 0 : i32
    %get3A_122 = arith.index_cast %get3A_121 : i32 to index
    %get3A_123 = arith.constant 48 : index
    %get3A_124 = tpu.vector_load %arg9[%get3A_122, %get3A_123] {strides = array<i32>} : memref<4x128xi32, #tpu.memory_space<vmem>>, vector<1x16xi32>,
    %get3A_125 = vector.shape_cast %get3A_124 : vector<1x16xi32> to vector<16xi32>
    %add3A_126 = arith.addi %mul3A_120, %get3A_125 : vector<16xi32>
    %mul3A_127 = arith.constant 64 : i32
    %mul3A_128 = vector.broadcast %mul3A_127 : i32 to vector<16xi32>
    %mul3A_129 = arith.muli %add3A_126, %mul3A_128 : vector<16xi32>
    %get3A_130 = arith.constant 0 : i32
    %get3A_131 = arith.index_cast %get3A_130 : i32 to index
    %get3A_132 = arith.constant 48 : index
    %get3A_133 = tpu.vector_load %arg10[%get3A_131, %get3A_132] {strides = array<i32>} : memref<4x128xi32, #tpu.memory_space<vmem>>, vector<1x16xi32>,
    %get3A_134 = vector.shape_cast %get3A_133 : vector<1x16xi32> to vector<16xi32>
    %mul3A_135 = arith.constant 8 : i32
    %mul3A_136 = vector.broadcast %mul3A_135 : i32 to vector<16xi32>
    %mul3A_137 = arith.muli %get3A_134, %mul3A_136 : vector<16xi32>
    %add3A_138 = arith.addi %mul3A_129, %mul3A_137 : vector<16xi32>
    %get3A_139 = arith.constant 0 : i32
    %get3A_140 = arith.index_cast %get3A_139 : i32 to index
    %get3A_141 = arith.constant 48 : index
    %get3A_142 = tpu.vector_load %arg11[%get3A_140, %get3A_141] {strides = array<i32>} : memref<4x128xi32, #tpu.memory_space<vmem>>, vector<1x16xi32>,
    %get3A_143 = vector.shape_cast %get3A_142 : vector<1x16xi32> to vector<16xi32>
    %add3A_144 = arith.addi %add3A_138, %get3A_143 : vector<16xi32>
    %swap3A_145 = arith.constant 0 : i32
    %swap3A_146 = arith.index_cast %swap3A_145 : i32 to index
    %swap3A_147 = arith.constant 48 : index
    %swap3A_148 = tpu.vector_load %arg12[%swap3A_146, %swap3A_147] {strides = array<i32>} : memref<4x128xi32, #tpu.memory_space<vmem>>, vector<1x16xi32>,
    %swap3A_149 = vector.shape_cast %swap3A_148 : vector<1x16xi32> to vector<16xi32>
    %swap3A_150 = vector.shape_cast %add3A_144 : vector<16xi32> to vector<1x16xi32>
    tpu.vector_store %arg12[%swap3A_146, %swap3A_147], %swap3A_150 {strides = array<i32>} : memref<4x128xi32, #tpu.memory_space<vmem>>, vector<1x16xi32>,
    %get3A_151 = arith.constant 0 : i32
    %get3A_152 = arith.index_cast %get3A_151 : i32 to index
    %get3A_153 = arith.constant 64 : index
    %get3A_154 = tpu.vector_load %arg8[%get3A_152, %get3A_153] {strides = array<i32>} : memref<4x128xi32, #tpu.memory_space<vmem>>, vector<1x16xi32>,
    %get3A_155 = vector.shape_cast %get3A_154 : vector<1x16xi32> to vector<16xi32>
    %mul3A_156 = arith.constant 12 : i32
    %mul3A_157 = vector.broadcast %mul3A_156 : i32 to vector<16xi32>
    %mul3A_158 = arith.muli %get3A_155, %mul3A_157 : vector<16xi32>
    %get3A_159 = arith.constant 0 : i32
    %get3A_160 = arith.index_cast %get3A_159 : i32 to index
    %get3A_161 = arith.constant 64 : index
    %get3A_162 = tpu.vector_load %arg9[%get3A_160, %get3A_161] {strides = array<i32>} : memref<4x128xi32, #tpu.memory_space<vmem>>, vector<1x16xi32>,
    %get3A_163 = vector.shape_cast %get3A_162 : vector<1x16xi32> to vector<16xi32>
    %add3A_164 = arith.addi %mul3A_158, %get3A_163 : vector<16xi32>
    %mul3A_165 = arith.constant 64 : i32
    %mul3A_166 = vector.broadcast %mul3A_165 : i32 to vector<16xi32>
    %mul3A_167 = arith.muli %add3A_164, %mul3A_166 : vector<16xi32>
    %get3A_168 = arith.constant 0 : i32
    %get3A_169 = arith.index_cast %get3A_168 : i32 to index
    %get3A_170 = arith.constant 64 : index
    %get3A_171 = tpu.vector_load %arg10[%get3A_169, %get3A_170] {strides = array<i32>} : memref<4x128xi32, #tpu.memory_space<vmem>>, vector<1x16xi32>,
    %get3A_172 = vector.shape_cast %get3A_171 : vector<1x16xi32> to vector<16xi32>
    %mul3A_173 = arith.constant 8 : i32
    %mul3A_174 = vector.broadcast %mul3A_173 : i32 to vector<16xi32>
    %mul3A_175 = arith.muli %get3A_172, %mul3A_174 : vector<16xi32>
    %add3A_176 = arith.addi %mul3A_167, %mul3A_175 : vector<16xi32>
    %get3A_177 = arith.constant 0 : i32
    %get3A_178 = arith.index_cast %get3A_177 : i32 to index
    %get3A_179 = arith.constant 64 : index
    %get3A_180 = tpu.vector_load %arg11[%get3A_178, %get3A_179] {strides = array<i32>} : memref<4x128xi32, #tpu.memory_space<vmem>>, vector<1x16xi32>,
    %get3A_181 = vector.shape_cast %get3A_180 : vector<1x16xi32> to vector<16xi32>
    %add3A_182 = arith.addi %add3A_176, %get3A_181 : vector<16xi32>
    %swap3A_183 = arith.constant 0 : i32
    %swap3A_184 = arith.index_cast %swap3A_183 : i32 to index
    %swap3A_185 = arith.constant 64 : index
    %swap3A_186 = tpu.vector_load %arg12[%swap3A_184, %swap3A_185] {strides = array<i32>} : memref<4x128xi32, #tpu.memory_space<vmem>>, vector<1x16xi32>,
    %swap3A_187 = vector.shape_cast %swap3A_186 : vector<1x16xi32> to vector<16xi32>
    %swap3A_188 = vector.shape_cast %add3A_182 : vector<16xi32> to vector<1x16xi32>
    tpu.vector_store %arg12[%swap3A_184, %swap3A_185], %swap3A_188 {strides = array<i32>} : memref<4x128xi32, #tpu.memory_space<vmem>>, vector<1x16xi32>,
    %get3A_189 = arith.constant 0 : i32
    %get3A_190 = arith.index_cast %get3A_189 : i32 to index
    %get3A_191 = arith.constant 80 : index
    %get3A_192 = tpu.vector_load %arg8[%get3A_190, %get3A_191] {strides = array<i32>} : memref<4x128xi32, #tpu.memory_space<vmem>>, vector<1x16xi32>,
    %get3A_193 = vector.shape_cast %get3A_192 : vector<1x16xi32> to vector<16xi32>
    %mul3A_194 = arith.constant 12 : i32
    %mul3A_195 = vector.broadcast %mul3A_194 : i32 to vector<16xi32>
    %mul3A_196 = arith.muli %get3A_193, %mul3A_195 : vector<16xi32>
    %get3A_197 = arith.constant 0 : i32
    %get3A_198 = arith.index_cast %get3A_197 : i32 to index
    %get3A_199 = arith.constant 80 : index
    %get3A_200 = tpu.vector_load %arg9[%get3A_198, %get3A_199] {strides = array<i32>} : memref<4x128xi32, #tpu.memory_space<vmem>>, vector<1x16xi32>,
    %get3A_201 = vector.shape_cast %get3A_200 : vector<1x16xi32> to vector<16xi32>
    %add3A_202 = arith.addi %mul3A_196, %get3A_201 : vector<16xi32>
    %mul3A_203 = arith.constant 64 : i32
    %mul3A_204 = vector.broadcast %mul3A_203 : i32 to vector<16xi32>
    %mul3A_205 = arith.muli %add3A_202, %mul3A_204 : vector<16xi32>
    %get3A_206 = arith.constant 0 : i32
    %get3A_207 = arith.index_cast %get3A_206 : i32 to index
    %get3A_208 = arith.constant 80 : index
    %get3A_209 = tpu.vector_load %arg10[%get3A_207, %get3A_208] {strides = array<i32>} : memref<4x128xi32, #tpu.memory_space<vmem>>, vector<1x16xi32>,
    %get3A_210 = vector.shape_cast %get3A_209 : vector<1x16xi32> to vector<16xi32>
    %mul3A_211 = arith.constant 8 : i32
    %mul3A_212 = vector.broadcast %mul3A_211 : i32 to vector<16xi32>
    %mul3A_213 = arith.muli %get3A_210, %mul3A_212 : vector<16xi32>
    %add3A_214 = arith.addi %mul3A_205, %mul3A_213 : vector<16xi32>
    %get3A_215 = arith.constant 0 : i32
    %get3A_216 = arith.index_cast %get3A_215 : i32 to index
    %get3A_217 = arith.constant 80 : index
    %get3A_218 = tpu.vector_load %arg11[%get3A_216, %get3A_217] {strides = array<i32>} : memref<4x128xi32, #tpu.memory_space<vmem>>, vector<1x16xi32>,
    %get3A_219 = vector.shape_cast %get3A_218 : vector<1x16xi32> to vector<16xi32>
    %add3A_220 = arith.addi %add3A_214, %get3A_219 : vector<16xi32>
    %swap3A_221 = arith.constant 0 : i32
    %swap3A_222 = arith.index_cast %swap3A_221 : i32 to index
    %swap3A_223 = arith.constant 80 : index
    %swap3A_224 = tpu.vector_load %arg12[%swap3A_222, %swap3A_223] {strides = array<i32>} : memref<4x128xi32, #tpu.memory_space<vmem>>, vector<1x16xi32>,
    %swap3A_225 = vector.shape_cast %swap3A_224 : vector<1x16xi32> to vector<16xi32>
    %swap3A_226 = vector.shape_cast %add3A_220 : vector<16xi32> to vector<1x16xi32>
    tpu.vector_store %arg12[%swap3A_222, %swap3A_223], %swap3A_226 {strides = array<i32>} : memref<4x128xi32, #tpu.memory_space<vmem>>, vector<1x16xi32>,
    %get3A_227 = arith.constant 0 : i32
    %get3A_228 = arith.index_cast %get3A_227 : i32 to index
    %get3A_229 = arith.constant 96 : index
    %get3A_230 = tpu.vector_load %arg8[%get3A_228, %get3A_229] {strides = array<i32>} : memref<4x128xi32, #tpu.memory_space<vmem>>, vector<1x16xi32>,
    %get3A_231 = vector.shape_cast %get3A_230 : vector<1x16xi32> to vector<16xi32>
    %mul3A_232 = arith.constant 12 : i32
    %mul3A_233 = vector.broadcast %mul3A_232 : i32 to vector<16xi32>
    %mul3A_234 = arith.muli %get3A_231, %mul3A_233 : vector<16xi32>
    %get3A_235 = arith.constant 0 : i32
    %get3A_236 = arith.index_cast %get3A_235 : i32 to index
    %get3A_237 = arith.constant 96 : index
    %get3A_238 = tpu.vector_load %arg9[%get3A_236, %get3A_237] {strides = array<i32>} : memref<4x128xi32, #tpu.memory_space<vmem>>, vector<1x16xi32>,
    %get3A_239 = vector.shape_cast %get3A_238 : vector<1x16xi32> to vector<16xi32>
    %add3A_240 = arith.addi %mul3A_234, %get3A_239 : vector<16xi32>
    %mul3A_241 = arith.constant 64 : i32
    %mul3A_242 = vector.broadcast %mul3A_241 : i32 to vector<16xi32>
    %mul3A_243 = arith.muli %add3A_240, %mul3A_242 : vector<16xi32>
    %get3A_244 = arith.constant 0 : i32
    %get3A_245 = arith.index_cast %get3A_244 : i32 to index
    %get3A_246 = arith.constant 96 : index
    %get3A_247 = tpu.vector_load %arg10[%get3A_245, %get3A_246] {strides = array<i32>} : memref<4x128xi32, #tpu.memory_space<vmem>>, vector<1x16xi32>,
    %get3A_248 = vector.shape_cast %get3A_247 : vector<1x16xi32> to vector<16xi32>
    %mul3A_249 = arith.constant 8 : i32
    %mul3A_250 = vector.broadcast %mul3A_249 : i32 to vector<16xi32>
    %mul3A_251 = arith.muli %get3A_248, %mul3A_250 : vector<16xi32>
    %add3A_252 = arith.addi %mul3A_243, %mul3A_251 : vector<16xi32>
    %get3A_253 = arith.constant 0 : i32
    %get3A_254 = arith.index_cast %get3A_253 : i32 to index
    %get3A_255 = arith.constant 96 : index
    %get3A_256 = tpu.vector_load %arg11[%get3A_254, %get3A_255] {strides = array<i32>} : memref<4x128xi32, #tpu.memory_space<vmem>>, vector<1x16xi32>,
    %get3A_257 = vector.shape_cast %get3A_256 : vector<1x16xi32> to vector<16xi32>
    %add3A_258 = arith.addi %add3A_252, %get3A_257 : vector<16xi32>
    %swap3A_259 = arith.constant 0 : i32
    %swap3A_260 = arith.index_cast %swap3A_259 : i32 to index
    %swap3A_261 = arith.constant 96 : index
    %swap3A_262 = tpu.vector_load %arg12[%swap3A_260, %swap3A_261] {strides = array<i32>} : memref<4x128xi32, #tpu.memory_space<vmem>>, vector<1x16xi32>,
    %swap3A_263 = vector.shape_cast %swap3A_262 : vector<1x16xi32> to vector<16xi32>
    %swap3A_264 = vector.shape_cast %add3A_258 : vector<16xi32> to vector<1x16xi32>
    tpu.vector_store %arg12[%swap3A_260, %swap3A_261], %swap3A_264 {strides = array<i32>} : memref<4x128xi32, #tpu.memory_space<vmem>>, vector<1x16xi32>,
    %get3A_265 = arith.constant 0 : i32
    %get3A_266 = arith.index_cast %get3A_265 : i32 to index
    %get3A_267 = arith.constant 112 : index
    %get3A_268 = tpu.vector_load %arg8[%get3A_266, %get3A_267] {strides = array<i32>} : memref<4x128xi32, #tpu.memory_space<vmem>>, vector<1x16xi32>,
    %get3A_269 = vector.shape_cast %get3A_268 : vector<1x16xi32> to vector<16xi32>
    %mul3A_270 = arith.constant 12 : i32
    %mul3A_271 = vector.broadcast %mul3A_270 : i32 to vector<16xi32>
    %mul3A_272 = arith.muli %get3A_269, %mul3A_271 : vector<16xi32>
    %get3A_273 = arith.constant 0 : i32
    %get3A_274 = arith.index_cast %get3A_273 : i32 to index
    %get3A_275 = arith.constant 112 : index
    %get3A_276 = tpu.vector_load %arg9[%get3A_274, %get3A_275] {strides = array<i32>} : memref<4x128xi32, #tpu.memory_space<vmem>>, vector<1x16xi32>,
    %get3A_277 = vector.shape_cast %get3A_276 : vector<1x16xi32> to vector<16xi32>
    %add3A_278 = arith.addi %mul3A_272, %get3A_277 : vector<16xi32>
    %mul3A_279 = arith.constant 64 : i32
    %mul3A_280 = vector.broadcast %mul3A_279 : i32 to vector<16xi32>
    %mul3A_281 = arith.muli %add3A_278, %mul3A_280 : vector<16xi32>
    %get3A_282 = arith.constant 0 : i32
    %get3A_283 = arith.index_cast %get3A_282 : i32 to index
    %get3A_284 = arith.constant 112 : index
    %get3A_285 = tpu.vector_load %arg10[%get3A_283, %get3A_284] {strides = array<i32>} : memref<4x128xi32, #tpu.memory_space<vmem>>, vector<1x16xi32>,
    %get3A_286 = vector.shape_cast %get3A_285 : vector<1x16xi32> to vector<16xi32>
    %mul3A_287 = arith.constant 8 : i32
    %mul3A_288 = vector.broadcast %mul3A_287 : i32 to vector<16xi32>
    %mul3A_289 = arith.muli %get3A_286, %mul3A_288 : vector<16xi32>
    %add3A_290 = arith.addi %mul3A_281, %mul3A_289 : vector<16xi32>
    %get3A_291 = arith.constant 0 : i32
    %get3A_292 = arith.index_cast %get3A_291 : i32 to index
    %get3A_293 = arith.constant 112 : index
    %get3A_294 = tpu.vector_load %arg11[%get3A_292, %get3A_293] {strides = array<i32>} : memref<4x128xi32, #tpu.memory_space<vmem>>, vector<1x16xi32>,
    %get3A_295 = vector.shape_cast %get3A_294 : vector<1x16xi32> to vector<16xi32>
    %add3A_296 = arith.addi %add3A_290, %get3A_295 : vector<16xi32>
    %swap3A_297 = arith.constant 0 : i32
    %swap3A_298 = arith.index_cast %swap3A_297 : i32 to index
    %swap3A_299 = arith.constant 112 : index
    %swap3A_300 = tpu.vector_load %arg12[%swap3A_298, %swap3A_299] {strides = array<i32>} : memref<4x128xi32, #tpu.memory_space<vmem>>, vector<1x16xi32>,
    %swap3A_301 = vector.shape_cast %swap3A_300 : vector<1x16xi32> to vector<16xi32>
    %swap3A_302 = vector.shape_cast %add3A_296 : vector<16xi32> to vector<1x16xi32>
    tpu.vector_store %arg12[%swap3A_298, %swap3A_299], %swap3A_302 {strides = array<i32>} : memref<4x128xi32, #tpu.memory_space<vmem>>, vector<1x16xi32>,
    %get3A_303 = arith.constant 1 : i32
    %get3A_304 = arith.index_cast %get3A_303 : i32 to index
    %get3A_305 = arith.constant 0 : index
    %get3A_306 = tpu.vector_load %arg8[%get3A_304, %get3A_305] {strides = array<i32>} : memref<4x128xi32, #tpu.memory_space<vmem>>, vector<1x16xi32>,
    %get3A_307 = vector.shape_cast %get3A_306 : vector<1x16xi32> to vector<16xi32>
    %mul3A_308 = arith.constant 12 : i32
    %mul3A_309 = vector.broadcast %mul3A_308 : i32 to vector<16xi32>
    %mul3A_310 = arith.muli %get3A_307, %mul3A_309 : vector<16xi32>
    %get3A_311 = arith.constant 1 : i32
    %get3A_312 = arith.index_cast %get3A_311 : i32 to index
    %get3A_313 = arith.constant 0 : index
    %get3A_314 = tpu.vector_load %arg9[%get3A_312, %get3A_313] {strides = array<i32>} : memref<4x128xi32, #tpu.memory_space<vmem>>, vector<1x16xi32>,
    %get3A_315 = vector.shape_cast %get3A_314 : vector<1x16xi32> to vector<16xi32>
    %add3A_316 = arith.addi %mul3A_310, %get3A_315 : vector<16xi32>
    %mul3A_317 = arith.constant 64 : i32
    %mul3A_318 = vector.broadcast %mul3A_317 : i32 to vector<16xi32>
    %mul3A_319 = arith.muli %add3A_316, %mul3A_318 : vector<16xi32>
    %get3A_320 = arith.constant 1 : i32
    %get3A_321 = arith.index_cast %get3A_320 : i32 to index
    %get3A_322 = arith.constant 0 : index
    %get3A_323 = tpu.vector_load %arg10[%get3A_321, %get3A_322] {strides = array<i32>} : memref<4x128xi32, #tpu.memory_space<vmem>>, vector<1x16xi32>,
    %get3A_324 = vector.shape_cast %get3A_323 : vector<1x16xi32> to vector<16xi32>
    %mul3A_325 = arith.constant 8 : i32
    %mul3A_326 = vector.broadcast %mul3A_325 : i32 to vector<16xi32>
    %mul3A_327 = arith.muli %get3A_324, %mul3A_326 : vector<16xi32>
    %add3A_328 = arith.addi %mul3A_319, %mul3A_327 : vector<16xi32>
    %get3A_329 = arith.constant 1 : i32
    %get3A_330 = arith.index_cast %get3A_329 : i32 to index
    %get3A_331 = arith.constant 0 : index
    %get3A_332 = tpu.vector_load %arg11[%get3A_330, %get3A_331] {strides = array<i32>} : memref<4x128xi32, #tpu.memory_space<vmem>>, vector<1x16xi32>,
    %get3A_333 = vector.shape_cast %get3A_332 : vector<1x16xi32> to vector<16xi32>
    %add3A_334 = arith.addi %add3A_328, %get3A_333 : vector<16xi32>
    %swap3A_335 = arith.constant 1 : i32
    %swap3A_336 = arith.index_cast %swap3A_335 : i32 to index
    %swap3A_337 = arith.constant 0 : index
    %swap3A_338 = tpu.vector_load %arg12[%swap3A_336, %swap3A_337] {strides = array<i32>} : memref<4x128xi32, #tpu.memory_space<vmem>>, vector<1x16xi32>,
    %swap3A_339 = vector.shape_cast %swap3A_338 : vector<1x16xi32> to vector<16xi32>
    %swap3A_340 = vector.shape_cast %add3A_334 : vector<16xi32> to vector<1x16xi32>
    tpu.vector_store %arg12[%swap3A_336, %swap3A_337], %swap3A_340 {strides = array<i32>} : memref<4x128xi32, #tpu.memory_space<vmem>>, vector<1x16xi32>,
    %get3A_341 = arith.constant 1 : i32
    %get3A_342 = arith.index_cast %get3A_341 : i32 to index
    %get3A_343 = arith.constant 16 : index
    %get3A_344 = tpu.vector_load %arg8[%get3A_342, %get3A_343] {strides = array<i32>} : memref<4x128xi32, #tpu.memory_space<vmem>>, vector<1x16xi32>,
    %get3A_345 = vector.shape_cast %get3A_344 : vector<1x16xi32> to vector<16xi32>
    %mul3A_346 = arith.constant 12 : i32
    %mul3A_347 = vector.broadcast %mul3A_346 : i32 to vector<16xi32>
    %mul3A_348 = arith.muli %get3A_345, %mul3A_347 : vector<16xi32>
    %get3A_349 = arith.constant 1 : i32
    %get3A_350 = arith.index_cast %get3A_349 : i32 to index
    %get3A_351 = arith.constant 16 : index
    %get3A_352 = tpu.vector_load %arg9[%get3A_350, %get3A_351] {strides = array<i32>} : memref<4x128xi32, #tpu.memory_space<vmem>>, vector<1x16xi32>,
    %get3A_353 = vector.shape_cast %get3A_352 : vector<1x16xi32> to vector<16xi32>
    %add3A_354 = arith.addi %mul3A_348, %get3A_353 : vector<16xi32>
    %mul3A_355 = arith.constant 64 : i32
    %mul3A_356 = vector.broadcast %mul3A_355 : i32 to vector<16xi32>
    %mul3A_357 = arith.muli %add3A_354, %mul3A_356 : vector<16xi32>
    %get3A_358 = arith.constant 1 : i32
    %get3A_359 = arith.index_cast %get3A_358 : i32 to index
    %get3A_360 = arith.constant 16 : index
    %get3A_361 = tpu.vector_load %arg10[%get3A_359, %get3A_360] {strides = array<i32>} : memref<4x128xi32, #tpu.memory_space<vmem>>, vector<1x16xi32>,
    %get3A_362 = vector.shape_cast %get3A_361 : vector<1x16xi32> to vector<16xi32>
    %mul3A_363 = arith.constant 8 : i32
    %mul3A_364 = vector.broadcast %mul3A_363 : i32 to vector<16xi32>
    %mul3A_365 = arith.muli %get3A_362, %mul3A_364 : vector<16xi32>
    %add3A_366 = arith.addi %mul3A_357, %mul3A_365 : vector<16xi32>
    %get3A_367 = arith.constant 1 : i32
    %get3A_368 = arith.index_cast %get3A_367 : i32 to index
    %get3A_369 = arith.constant 16 : index
    %get3A_370 = tpu.vector_load %arg11[%get3A_368, %get3A_369] {strides = array<i32>} : memref<4x128xi32, #tpu.memory_space<vmem>>, vector<1x16xi32>,
    %get3A_371 = vector.shape_cast %get3A_370 : vector<1x16xi32> to vector<16xi32>
    %add3A_372 = arith.addi %add3A_366, %get3A_371 : vector<16xi32>
    %swap3A_373 = arith.constant 1 : i32
    %swap3A_374 = arith.index_cast %swap3A_373 : i32 to index
    %swap3A_375 = arith.constant 16 : index
    %swap3A_376 = tpu.vector_load %arg12[%swap3A_374, %swap3A_375] {strides = array<i32>} : memref<4x128xi32, #tpu.memory_space<vmem>>, vector<1x16xi32>,
    %swap3A_377 = vector.shape_cast %swap3A_376 : vector<1x16xi32> to vector<16xi32>
    %swap3A_378 = vector.shape_cast %add3A_372 : vector<16xi32> to vector<1x16xi32>
    tpu.vector_store %arg12[%swap3A_374, %swap3A_375], %swap3A_378 {strides = array<i32>} : memref<4x128xi32, #tpu.memory_space<vmem>>, vector<1x16xi32>,
    %get3A_379 = arith.constant 1 : i32
    %get3A_380 = arith.index_cast %get3A_379 : i32 to index
    %get3A_381 = arith.constant 32 : index
    %get3A_382 = tpu.vector_load %arg8[%get3A_380, %get3A_381] {strides = array<i32>} : memref<4x128xi32, #tpu.memory_space<vmem>>, vector<1x16xi32>,
    %get3A_383 = vector.shape_cast %get3A_382 : vector<1x16xi32> to vector<16xi32>
    %mul3A_384 = arith.constant 12 : i32
    %mul3A_385 = vector.broadcast %mul3A_384 : i32 to vector<16xi32>
    %mul3A_386 = arith.muli %get3A_383, %mul3A_385 : vector<16xi32>
    %get3A_387 = arith.constant 1 : i32
    %get3A_388 = arith.index_cast %get3A_387 : i32 to index
    %get3A_389 = arith.constant 32 : index
    %get3A_390 = tpu.vector_load %arg9[%get3A_388, %get3A_389] {strides = array<i32>} : memref<4x128xi32, #tpu.memory_space<vmem>>, vector<1x16xi32>,
    %get3A_391 = vector.shape_cast %get3A_390 : vector<1x16xi32> to vector<16xi32>
    %add3A_392 = arith.addi %mul3A_386, %get3A_391 : vector<16xi32>
    %mul3A_393 = arith.constant 64 : i32
    %mul3A_394 = vector.broadcast %mul3A_393 : i32 to vector<16xi32>
    %mul3A_395 = arith.muli %add3A_392, %mul3A_394 : vector<16xi32>
    %get3A_396 = arith.constant 1 : i32
    %get3A_397 = arith.index_cast %get3A_396 : i32 to index
    %get3A_398 = arith.constant 32 : index
    %get3A_399 = tpu.vector_load %arg10[%get3A_397, %get3A_398] {strides = array<i32>} : memref<4x128xi32, #tpu.memory_space<vmem>>, vector<1x16xi32>,
    %get3A_400 = vector.shape_cast %get3A_399 : vector<1x16xi32> to vector<16xi32>
    %mul3A_401 = arith.constant 8 : i32
    %mul3A_402 = vector.broadcast %mul3A_401 : i32 to vector<16xi32>
    %mul3A_403 = arith.muli %get3A_400, %mul3A_402 : vector<16xi32>
    %add3A_404 = arith.addi %mul3A_395, %mul3A_403 : vector<16xi32>
    %get3A_405 = arith.constant 1 : i32
    %get3A_406 = arith.index_cast %get3A_405 : i32 to index
    %get3A_407 = arith.constant 32 : index
    %get3A_408 = tpu.vector_load %arg11[%get3A_406, %get3A_407] {strides = array<i32>} : memref<4x128xi32, #tpu.memory_space<vmem>>, vector<1x16xi32>,
    %get3A_409 = vector.shape_cast %get3A_408 : vector<1x16xi32> to vector<16xi32>
    %add3A_410 = arith.addi %add3A_404, %get3A_409 : vector<16xi32>
    %swap3A_411 = arith.constant 1 : i32
    %swap3A_412 = arith.index_cast %swap3A_411 : i32 to index
    %swap3A_413 = arith.constant 32 : index
    %swap3A_414 = tpu.vector_load %arg12[%swap3A_412, %swap3A_413] {strides = array<i32>} : memref<4x128xi32, #tpu.memory_space<vmem>>, vector<1x16xi32>,
    %swap3A_415 = vector.shape_cast %swap3A_414 : vector<1x16xi32> to vector<16xi32>
    %swap3A_416 = vector.shape_cast %add3A_410 : vector<16xi32> to vector<1x16xi32>
    tpu.vector_store %arg12[%swap3A_412, %swap3A_413], %swap3A_416 {strides = array<i32>} : memref<4x128xi32, #tpu.memory_space<vmem>>, vector<1x16xi32>,
    %get3A_417 = arith.constant 1 : i32
    %get3A_418 = arith.index_cast %get3A_417 : i32 to index
    %get3A_419 = arith.constant 48 : index
    %get3A_420 = tpu.vector_load %arg8[%get3A_418, %get3A_419] {strides = array<i32>} : memref<4x128xi32, #tpu.memory_space<vmem>>, vector<1x16xi32>,
    %get3A_421 = vector.shape_cast %get3A_420 : vector<1x16xi32> to vector<16xi32>
    %mul3A_422 = arith.constant 12 : i32
    %mul3A_423 = vector.broadcast %mul3A_422 : i32 to vector<16xi32>
    %mul3A_424 = arith.muli %get3A_421, %mul3A_423 : vector<16xi32>
    %get3A_425 = arith.constant 1 : i32
    %get3A_426 = arith.index_cast %get3A_425 : i32 to index
    %get3A_427 = arith.constant 48 : index
    %get3A_428 = tpu.vector_load %arg9[%get3A_426, %get3A_427] {strides = array<i32>} : memref<4x128xi32, #tpu.memory_space<vmem>>, vector<1x16xi32>,
    %get3A_429 = vector.shape_cast %get3A_428 : vector<1x16xi32> to vector<16xi32>
    %add3A_430 = arith.addi %mul3A_424, %get3A_429 : vector<16xi32>
    %mul3A_431 = arith.constant 64 : i32
    %mul3A_432 = vector.broadcast %mul3A_431 : i32 to vector<16xi32>
    %mul3A_433 = arith.muli %add3A_430, %mul3A_432 : vector<16xi32>
    %get3A_434 = arith.constant 1 : i32
    %get3A_435 = arith.index_cast %get3A_434 : i32 to index
    %get3A_436 = arith.constant 48 : index
    %get3A_437 = tpu.vector_load %arg10[%get3A_435, %get3A_436] {strides = array<i32>} : memref<4x128xi32, #tpu.memory_space<vmem>>, vector<1x16xi32>,
    %get3A_438 = vector.shape_cast %get3A_437 : vector<1x16xi32> to vector<16xi32>
    %mul3A_439 = arith.constant 8 : i32
    %mul3A_440 = vector.broadcast %mul3A_439 : i32 to vector<16xi32>
    %mul3A_441 = arith.muli %get3A_438, %mul3A_440 : vector<16xi32>
    %add3A_442 = arith.addi %mul3A_433, %mul3A_441 : vector<16xi32>
    %get3A_443 = arith.constant 1 : i32
    %get3A_444 = arith.index_cast %get3A_443 : i32 to index
    %get3A_445 = arith.constant 48 : index
    %get3A_446 = tpu.vector_load %arg11[%get3A_444, %get3A_445] {strides = array<i32>} : memref<4x128xi32, #tpu.memory_space<vmem>>, vector<1x16xi32>,
    %get3A_447 = vector.shape_cast %get3A_446 : vector<1x16xi32> to vector<16xi32>
    %add3A_448 = arith.addi %add3A_442, %get3A_447 : vector<16xi32>
    %swap3A_449 = arith.constant 1 : i32
    %swap3A_450 = arith.index_cast %swap3A_449 : i32 to index
    %swap3A_451 = arith.constant 48 : index
    %swap3A_452 = tpu.vector_load %arg12[%swap3A_450, %swap3A_451] {strides = array<i32>} : memref<4x128xi32, #tpu.memory_space<vmem>>, vector<1x16xi32>,
    %swap3A_453 = vector.shape_cast %swap3A_452 : vector<1x16xi32> to vector<16xi32>
    %swap3A_454 = vector.shape_cast %add3A_448 : vector<16xi32> to vector<1x16xi32>
    tpu.vector_store %arg12[%swap3A_450, %swap3A_451], %swap3A_454 {strides = array<i32>} : memref<4x128xi32, #tpu.memory_space<vmem>>, vector<1x16xi32>,
    %get3A_455 = arith.constant 1 : i32
    %get3A_456 = arith.index_cast %get3A_455 : i32 to index
    %get3A_457 = arith.constant 64 : index
    %get3A_458 = tpu.vector_load %arg8[%get3A_456, %get3A_457] {strides = array<i32>} : memref<4x128xi32, #tpu.memory_space<vmem>>, vector<1x16xi32>,
    %get3A_459 = vector.shape_cast %get3A_458 : vector<1x16xi32> to vector<16xi32>
    %mul3A_460 = arith.constant 12 : i32
    %mul3A_461 = vector.broadcast %mul3A_460 : i32 to vector<16xi32>
    %mul3A_462 = arith.muli %get3A_459, %mul3A_461 : vector<16xi32>
    %get3A_463 = arith.constant 1 : i32
    %get3A_464 = arith.index_cast %get3A_463 : i32 to index
    %get3A_465 = arith.constant 64 : index
    %get3A_466 = tpu.vector_load %arg9[%get3A_464, %get3A_465] {strides = array<i32>} : memref<4x128xi32, #tpu.memory_space<vmem>>, vector<1x16xi32>,
    %get3A_467 = vector.shape_cast %get3A_466 : vector<1x16xi32> to vector<16xi32>
    %add3A_468 = arith.addi %mul3A_462, %get3A_467 : vector<16xi32>
    %mul3A_469 = arith.constant 64 : i32
    %mul3A_470 = vector.broadcast %mul3A_469 : i32 to vector<16xi32>
    %mul3A_471 = arith.muli %add3A_468, %mul3A_470 : vector<16xi32>
    %get3A_472 = arith.constant 1 : i32
    %get3A_473 = arith.index_cast %get3A_472 : i32 to index
    %get3A_474 = arith.constant 64 : index
    %get3A_475 = tpu.vector_load %arg10[%get3A_473, %get3A_474] {strides = array<i32>} : memref<4x128xi32, #tpu.memory_space<vmem>>, vector<1x16xi32>,
    %get3A_476 = vector.shape_cast %get3A_475 : vector<1x16xi32> to vector<16xi32>
    %mul3A_477 = arith.constant 8 : i32
    %mul3A_478 = vector.broadcast %mul3A_477 : i32 to vector<16xi32>
    %mul3A_479 = arith.muli %get3A_476, %mul3A_478 : vector<16xi32>
    %add3A_480 = arith.addi %mul3A_471, %mul3A_479 : vector<16xi32>
    %get3A_481 = arith.constant 1 : i32
    %get3A_482 = arith.index_cast %get3A_481 : i32 to index
    %get3A_483 = arith.constant 64 : index
    %get3A_484 = tpu.vector_load %arg11[%get3A_482, %get3A_483] {strides = array<i32>} : memref<4x128xi32, #tpu.memory_space<vmem>>, vector<1x16xi32>,
    %get3A_485 = vector.shape_cast %get3A_484 : vector<1x16xi32> to vector<16xi32>
    %add3A_486 = arith.addi %add3A_480, %get3A_485 : vector<16xi32>
    %swap3A_487 = arith.constant 1 : i32
    %swap3A_488 = arith.index_cast %swap3A_487 : i32 to index
    %swap3A_489 = arith.constant 64 : index
    %swap3A_490 = tpu.vector_load %arg12[%swap3A_488, %swap3A_489] {strides = array<i32>} : memref<4x128xi32, #tpu.memory_space<vmem>>, vector<1x16xi32>,
    %swap3A_491 = vector.shape_cast %swap3A_490 : vector<1x16xi32> to vector<16xi32>
    %swap3A_492 = vector.shape_cast %add3A_486 : vector<16xi32> to vector<1x16xi32>
    tpu.vector_store %arg12[%swap3A_488, %swap3A_489], %swap3A_492 {strides = array<i32>} : memref<4x128xi32, #tpu.memory_space<vmem>>, vector<1x16xi32>,
    %get3A_493 = arith.constant 1 : i32
    %get3A_494 = arith.index_cast %get3A_493 : i32 to index
    %get3A_495 = arith.constant 80 : index
    %get3A_496 = tpu.vector_load %arg8[%get3A_494, %get3A_495] {strides = array<i32>} : memref<4x128xi32, #tpu.memory_space<vmem>>, vector<1x16xi32>,
    %get3A_497 = vector.shape_cast %get3A_496 : vector<1x16xi32> to vector<16xi32>
    %mul3A_498 = arith.constant 12 : i32
    %mul3A_499 = vector.broadcast %mul3A_498 : i32 to vector<16xi32>
    %mul3A_500 = arith.muli %get3A_497, %mul3A_499 : vector<16xi32>
    %get3A_501 = arith.constant 1 : i32
    %get3A_502 = arith.index_cast %get3A_501 : i32 to index
    %get3A_503 = arith.constant 80 : index
    %get3A_504 = tpu.vector_load %arg9[%get3A_502, %get3A_503] {strides = array<i32>} : memref<4x128xi32, #tpu.memory_space<vmem>>, vector<1x16xi32>,
    %get3A_505 = vector.shape_cast %get3A_504 : vector<1x16xi32> to vector<16xi32>
    %add3A_506 = arith.addi %mul3A_500, %get3A_505 : vector<16xi32>
    %mul3A_507 = arith.constant 64 : i32
    %mul3A_508 = vector.broadcast %mul3A_507 : i32 to vector<16xi32>
    %mul3A_509 = arith.muli %add3A_506, %mul3A_508 : vector<16xi32>
    %get3A_510 = arith.constant 1 : i32
    %get3A_511 = arith.index_cast %get3A_510 : i32 to index
    %get3A_512 = arith.constant 80 : index
    %get3A_513 = tpu.vector_load %arg10[%get3A_511, %get3A_512] {strides = array<i32>} : memref<4x128xi32, #tpu.memory_space<vmem>>, vector<1x16xi32>,
    %get3A_514 = vector.shape_cast %get3A_513 : vector<1x16xi32> to vector<16xi32>
    %mul3A_515 = arith.constant 8 : i32
    %mul3A_516 = vector.broadcast %mul3A_515 : i32 to vector<16xi32>
    %mul3A_517 = arith.muli %get3A_514, %mul3A_516 : vector<16xi32>
    %add3A_518 = arith.addi %mul3A_509, %mul3A_517 : vector<16xi32>
    %get3A_519 = arith.constant 1 : i32
    %get3A_520 = arith.index_cast %get3A_519 : i32 to index
    %get3A_521 = arith.constant 80 : index
    %get3A_522 = tpu.vector_load %arg11[%get3A_520, %get3A_521] {strides = array<i32>} : memref<4x128xi32, #tpu.memory_space<vmem>>, vector<1x16xi32>,
    %get3A_523 = vector.shape_cast %get3A_522 : vector<1x16xi32> to vector<16xi32>
    %add3A_524 = arith.addi %add3A_518, %get3A_523 : vector<16xi32>
    %swap3A_525 = arith.constant 1 : i32
    %swap3A_526 = arith.index_cast %swap3A_525 : i32 to index
    %swap3A_527 = arith.constant 80 : index
    %swap3A_528 = tpu.vector_load %arg12[%swap3A_526, %swap3A_527] {strides = array<i32>} : memref<4x128xi32, #tpu.memory_space<vmem>>, vector<1x16xi32>,
    %swap3A_529 = vector.shape_cast %swap3A_528 : vector<1x16xi32> to vector<16xi32>
    %swap3A_530 = vector.shape_cast %add3A_524 : vector<16xi32> to vector<1x16xi32>
    tpu.vector_store %arg12[%swap3A_526, %swap3A_527], %swap3A_530 {strides = array<i32>} : memref<4x128xi32, #tpu.memory_space<vmem>>, vector<1x16xi32>,
    %get3A_531 = arith.constant 1 : i32
    %get3A_532 = arith.index_cast %get3A_531 : i32 to index
    %get3A_533 = arith.constant 96 : index
    %get3A_534 = tpu.vector_load %arg8[%get3A_532, %get3A_533] {strides = array<i32>} : memref<4x128xi32, #tpu.memory_space<vmem>>, vector<1x16xi32>,
    %get3A_535 = vector.shape_cast %get3A_534 : vector<1x16xi32> to vector<16xi32>
    %mul3A_536 = arith.constant 12 : i32
    %mul3A_537 = vector.broadcast %mul3A_536 : i32 to vector<16xi32>
    %mul3A_538 = arith.muli %get3A_535, %mul3A_537 : vector<16xi32>
    %get3A_539 = arith.constant 1 : i32
    %get3A_540 = arith.index_cast %get3A_539 : i32 to index
    %get3A_541 = arith.constant 96 : index
    %get3A_542 = tpu.vector_load %arg9[%get3A_540, %get3A_541] {strides = array<i32>} : memref<4x128xi32, #tpu.memory_space<vmem>>, vector<1x16xi32>,
    %get3A_543 = vector.shape_cast %get3A_542 : vector<1x16xi32> to vector<16xi32>
    %add3A_544 = arith.addi %mul3A_538, %get3A_543 : vector<16xi32>
    %mul3A_545 = arith.constant 64 : i32
    %mul3A_546 = vector.broadcast %mul3A_545 : i32 to vector<16xi32>
    %mul3A_547 = arith.muli %add3A_544, %mul3A_546 : vector<16xi32>
    %get3A_548 = arith.constant 1 : i32
    %get3A_549 = arith.index_cast %get3A_548 : i32 to index
    %get3A_550 = arith.constant 96 : index
    %get3A_551 = tpu.vector_load %arg10[%get3A_549, %get3A_550] {strides = array<i32>} : memref<4x128xi32, #tpu.memory_space<vmem>>, vector<1x16xi32>,
    %get3A_552 = vector.shape_cast %get3A_551 : vector<1x16xi32> to vector<16xi32>
    %mul3A_553 = arith.constant 8 : i32
    %mul3A_554 = vector.broadcast %mul3A_553 : i32 to vector<16xi32>
    %mul3A_555 = arith.muli %get3A_552, %mul3A_554 : vector<16xi32>
    %add3A_556 = arith.addi %mul3A_547, %mul3A_555 : vector<16xi32>
    %get3A_557 = arith.constant 1 : i32
    %get3A_558 = arith.index_cast %get3A_557 : i32 to index
    %get3A_559 = arith.constant 96 : index
    %get3A_560 = tpu.vector_load %arg11[%get3A_558, %get3A_559] {strides = array<i32>} : memref<4x128xi32, #tpu.memory_space<vmem>>, vector<1x16xi32>,
    %get3A_561 = vector.shape_cast %get3A_560 : vector<1x16xi32> to vector<16xi32>
    %add3A_562 = arith.addi %add3A_556, %get3A_561 : vector<16xi32>
    %swap3A_563 = arith.constant 1 : i32
    %swap3A_564 = arith.index_cast %swap3A_563 : i32 to index
    %swap3A_565 = arith.constant 96 : index
    %swap3A_566 = tpu.vector_load %arg12[%swap3A_564, %swap3A_565] {strides = array<i32>} : memref<4x128xi32, #tpu.memory_space<vmem>>, vector<1x16xi32>,
    %swap3A_567 = vector.shape_cast %swap3A_566 : vector<1x16xi32> to vector<16xi32>
    %swap3A_568 = vector.shape_cast %add3A_562 : vector<16xi32> to vector<1x16xi32>
    tpu.vector_store %arg12[%swap3A_564, %swap3A_565], %swap3A_568 {strides = array<i32>} : memref<4x128xi32, #tpu.memory_space<vmem>>, vector<1x16xi32>,
    %get3A_569 = arith.constant 1 : i32
    %get3A_570 = arith.index_cast %get3A_569 : i32 to index
    %get3A_571 = arith.constant 112 : index
    %get3A_572 = tpu.vector_load %arg8[%get3A_570, %get3A_571] {strides = array<i32>} : memref<4x128xi32, #tpu.memory_space<vmem>>, vector<1x16xi32>,
    %get3A_573 = vector.shape_cast %get3A_572 : vector<1x16xi32> to vector<16xi32>
    %mul3A_574 = arith.constant 12 : i32
    %mul3A_575 = vector.broadcast %mul3A_574 : i32 to vector<16xi32>
    %mul3A_576 = arith.muli %get3A_573, %mul3A_575 : vector<16xi32>
    %get3A_577 = arith.constant 1 : i32
    %get3A_578 = arith.index_cast %get3A_577 : i32 to index
    %get3A_579 = arith.constant 112 : index
    %get3A_580 = tpu.vector_load %arg9[%get3A_578, %get3A_579] {strides = array<i32>} : memref<4x128xi32, #tpu.memory_space<vmem>>, vector<1x16xi32>,
    %get3A_581 = vector.shape_cast %get3A_580 : vector<1x16xi32> to vector<16xi32>
    %add3A_582 = arith.addi %mul3A_576, %get3A_581 : vector<16xi32>
    %mul3A_583 = arith.constant 64 : i32
    %mul3A_584 = vector.broadcast %mul3A_583 : i32 to vector<16xi32>
    %mul3A_585 = arith.muli %add3A_582, %mul3A_584 : vector<16xi32>
    %get3A_586 = arith.constant 1 : i32
    %get3A_587 = arith.index_cast %get3A_586 : i32 to index
    %get3A_588 = arith.constant 112 : index
    %get3A_589 = tpu.vector_load %arg10[%get3A_587, %get3A_588] {strides = array<i32>} : memref<4x128xi32, #tpu.memory_space<vmem>>, vector<1x16xi32>,
    %get3A_590 = vector.shape_cast %get3A_589 : vector<1x16xi32> to vector<16xi32>
    %mul3A_591 = arith.constant 8 : i32
    %mul3A_592 = vector.broadcast %mul3A_591 : i32 to vector<16xi32>
    %mul3A_593 = arith.muli %get3A_590, %mul3A_592 : vector<16xi32>
    %add3A_594 = arith.addi %mul3A_585, %mul3A_593 : vector<16xi32>
    %get3A_595 = arith.constant 1 : i32
    %get3A_596 = arith.index_cast %get3A_595 : i32 to index
    %get3A_597 = arith.constant 112 : index
    %get3A_598 = tpu.vector_load %arg11[%get3A_596, %get3A_597] {strides = array<i32>} : memref<4x128xi32, #tpu.memory_space<vmem>>, vector<1x16xi32>,
    %get3A_599 = vector.shape_cast %get3A_598 : vector<1x16xi32> to vector<16xi32>
    %add3A_600 = arith.addi %add3A_594, %get3A_599 : vector<16xi32>
    %swap3A_601 = arith.constant 1 : i32
    %swap3A_602 = arith.index_cast %swap3A_601 : i32 to index
    %swap3A_603 = arith.constant 112 : index
    %swap3A_604 = tpu.vector_load %arg12[%swap3A_602, %swap3A_603] {strides = array<i32>} : memref<4x128xi32, #tpu.memory_space<vmem>>, vector<1x16xi32>,
    %swap3A_605 = vector.shape_cast %swap3A_604 : vector<1x16xi32> to vector<16xi32>
    %swap3A_606 = vector.shape_cast %add3A_600 : vector<16xi32> to vector<1x16xi32>
    tpu.vector_store %arg12[%swap3A_602, %swap3A_603], %swap3A_606 {strides = array<i32>} : memref<4x128xi32, #tpu.memory_space<vmem>>, vector<1x16xi32>,
    %get3A_607 = arith.constant 2 : i32
    %get3A_608 = arith.index_cast %get3A_607 : i32 to index
    %get3A_609 = arith.constant 0 : index
    %get3A_610 = tpu.vector_load %arg8[%get3A_608, %get3A_609] {strides = array<i32>} : memref<4x128xi32, #tpu.memory_space<vmem>>, vector<1x16xi32>,
    %get3A_611 = vector.shape_cast %get3A_610 : vector<1x16xi32> to vector<16xi32>
    %mul3A_612 = arith.constant 12 : i32
    %mul3A_613 = vector.broadcast %mul3A_612 : i32 to vector<16xi32>
    %mul3A_614 = arith.muli %get3A_611, %mul3A_613 : vector<16xi32>
    %get3A_615 = arith.constant 2 : i32
    %get3A_616 = arith.index_cast %get3A_615 : i32 to index
    %get3A_617 = arith.constant 0 : index
    %get3A_618 = tpu.vector_load %arg9[%get3A_616, %get3A_617] {strides = array<i32>} : memref<4x128xi32, #tpu.memory_space<vmem>>, vector<1x16xi32>,
    %get3A_619 = vector.shape_cast %get3A_618 : vector<1x16xi32> to vector<16xi32>
    %add3A_620 = arith.addi %mul3A_614, %get3A_619 : vector<16xi32>
    %mul3A_621 = arith.constant 64 : i32
    %mul3A_622 = vector.broadcast %mul3A_621 : i32 to vector<16xi32>
    %mul3A_623 = arith.muli %add3A_620, %mul3A_622 : vector<16xi32>
    %get3A_624 = arith.constant 2 : i32
    %get3A_625 = arith.index_cast %get3A_624 : i32 to index
    %get3A_626 = arith.constant 0 : index
    %get3A_627 = tpu.vector_load %arg10[%get3A_625, %get3A_626] {strides = array<i32>} : memref<4x128xi32, #tpu.memory_space<vmem>>, vector<1x16xi32>,
    %get3A_628 = vector.shape_cast %get3A_627 : vector<1x16xi32> to vector<16xi32>
    %mul3A_629 = arith.constant 8 : i32
    %mul3A_630 = vector.broadcast %mul3A_629 : i32 to vector<16xi32>
    %mul3A_631 = arith.muli %get3A_628, %mul3A_630 : vector<16xi32>
    %add3A_632 = arith.addi %mul3A_623, %mul3A_631 : vector<16xi32>
    %get3A_633 = arith.constant 2 : i32
    %get3A_634 = arith.index_cast %get3A_633 : i32 to index
    %get3A_635 = arith.constant 0 : index
    %get3A_636 = tpu.vector_load %arg11[%get3A_634, %get3A_635] {strides = array<i32>} : memref<4x128xi32, #tpu.memory_space<vmem>>, vector<1x16xi32>,
    %get3A_637 = vector.shape_cast %get3A_636 : vector<1x16xi32> to vector<16xi32>
    %add3A_638 = arith.addi %add3A_632, %get3A_637 : vector<16xi32>
    %swap3A_639 = arith.constant 2 : i32
    %swap3A_640 = arith.index_cast %swap3A_639 : i32 to index
    %swap3A_641 = arith.constant 0 : index
    %swap3A_642 = tpu.vector_load %arg12[%swap3A_640, %swap3A_641] {strides = array<i32>} : memref<4x128xi32, #tpu.memory_space<vmem>>, vector<1x16xi32>,
    %swap3A_643 = vector.shape_cast %swap3A_642 : vector<1x16xi32> to vector<16xi32>
    %swap3A_644 = vector.shape_cast %add3A_638 : vector<16xi32> to vector<1x16xi32>
    tpu.vector_store %arg12[%swap3A_640, %swap3A_641], %swap3A_644 {strides = array<i32>} : memref<4x128xi32, #tpu.memory_space<vmem>>, vector<1x16xi32>,
    %get3A_645 = arith.constant 2 : i32
    %get3A_646 = arith.index_cast %get3A_645 : i32 to index
    %get3A_647 = arith.constant 16 : index
    %get3A_648 = tpu.vector_load %arg8[%get3A_646, %get3A_647] {strides = array<i32>} : memref<4x128xi32, #tpu.memory_space<vmem>>, vector<1x16xi32>,
    %get3A_649 = vector.shape_cast %get3A_648 : vector<1x16xi32> to vector<16xi32>
    %mul3A_650 = arith.constant 12 : i32
    %mul3A_651 = vector.broadcast %mul3A_650 : i32 to vector<16xi32>
    %mul3A_652 = arith.muli %get3A_649, %mul3A_651 : vector<16xi32>
    %get3A_653 = arith.constant 2 : i32
    %get3A_654 = arith.index_cast %get3A_653 : i32 to index
    %get3A_655 = arith.constant 16 : index
    %get3A_656 = tpu.vector_load %arg9[%get3A_654, %get3A_655] {strides = array<i32>} : memref<4x128xi32, #tpu.memory_space<vmem>>, vector<1x16xi32>,
    %get3A_657 = vector.shape_cast %get3A_656 : vector<1x16xi32> to vector<16xi32>
    %add3A_658 = arith.addi %mul3A_652, %get3A_657 : vector<16xi32>
    %mul3A_659 = arith.constant 64 : i32
    %mul3A_660 = vector.broadcast %mul3A_659 : i32 to vector<16xi32>
    %mul3A_661 = arith.muli %add3A_658, %mul3A_660 : vector<16xi32>
    %get3A_662 = arith.constant 2 : i32
    %get3A_663 = arith.index_cast %get3A_662 : i32 to index
    %get3A_664 = arith.constant 16 : index
    %get3A_665 = tpu.vector_load %arg10[%get3A_663, %get3A_664] {strides = array<i32>} : memref<4x128xi32, #tpu.memory_space<vmem>>, vector<1x16xi32>,
    %get3A_666 = vector.shape_cast %get3A_665 : vector<1x16xi32> to vector<16xi32>
    %mul3A_667 = arith.constant 8 : i32
    %mul3A_668 = vector.broadcast %mul3A_667 : i32 to vector<16xi32>
    %mul3A_669 = arith.muli %get3A_666, %mul3A_668 : vector<16xi32>
    %add3A_670 = arith.addi %mul3A_661, %mul3A_669 : vector<16xi32>
    %get3A_671 = arith.constant 2 : i32
    %get3A_672 = arith.index_cast %get3A_671 : i32 to index
    %get3A_673 = arith.constant 16 : index
    %get3A_674 = tpu.vector_load %arg11[%get3A_672, %get3A_673] {strides = array<i32>} : memref<4x128xi32, #tpu.memory_space<vmem>>, vector<1x16xi32>,
    %get3A_675 = vector.shape_cast %get3A_674 : vector<1x16xi32> to vector<16xi32>
    %add3A_676 = arith.addi %add3A_670, %get3A_675 : vector<16xi32>
    %swap3A_677 = arith.constant 2 : i32
    %swap3A_678 = arith.index_cast %swap3A_677 : i32 to index
    %swap3A_679 = arith.constant 16 : index
    %swap3A_680 = tpu.vector_load %arg12[%swap3A_678, %swap3A_679] {strides = array<i32>} : memref<4x128xi32, #tpu.memory_space<vmem>>, vector<1x16xi32>,
    %swap3A_681 = vector.shape_cast %swap3A_680 : vector<1x16xi32> to vector<16xi32>
    %swap3A_682 = vector.shape_cast %add3A_676 : vector<16xi32> to vector<1x16xi32>
    tpu.vector_store %arg12[%swap3A_678, %swap3A_679], %swap3A_682 {strides = array<i32>} : memref<4x128xi32, #tpu.memory_space<vmem>>, vector<1x16xi32>,
    %get3A_683 = arith.constant 2 : i32
    %get3A_684 = arith.index_cast %get3A_683 : i32 to index
    %get3A_685 = arith.constant 32 : index
    %get3A_686 = tpu.vector_load %arg8[%get3A_684, %get3A_685] {strides = array<i32>} : memref<4x128xi32, #tpu.memory_space<vmem>>, vector<1x16xi32>,
    %get3A_687 = vector.shape_cast %get3A_686 : vector<1x16xi32> to vector<16xi32>
    %mul3A_688 = arith.constant 12 : i32
    %mul3A_689 = vector.broadcast %mul3A_688 : i32 to vector<16xi32>
    %mul3A_690 = arith.muli %get3A_687, %mul3A_689 : vector<16xi32>
    %get3A_691 = arith.constant 2 : i32
    %get3A_692 = arith.index_cast %get3A_691 : i32 to index
    %get3A_693 = arith.constant 32 : index
    %get3A_694 = tpu.vector_load %arg9[%get3A_692, %get3A_693] {strides = array<i32>} : memref<4x128xi32, #tpu.memory_space<vmem>>, vector<1x16xi32>,
    %get3A_695 = vector.shape_cast %get3A_694 : vector<1x16xi32> to vector<16xi32>
    %add3A_696 = arith.addi %mul3A_690, %get3A_695 : vector<16xi32>
    %mul3A_697 = arith.constant 64 : i32
    %mul3A_698 = vector.broadcast %mul3A_697 : i32 to vector<16xi32>
    %mul3A_699 = arith.muli %add3A_696, %mul3A_698 : vector<16xi32>
    %get3A_700 = arith.constant 2 : i32
    %get3A_701 = arith.index_cast %get3A_700 : i32 to index
    %get3A_702 = arith.constant 32 : index
    %get3A_703 = tpu.vector_load %arg10[%get3A_701, %get3A_702] {strides = array<i32>} : memref<4x128xi32, #tpu.memory_space<vmem>>, vector<1x16xi32>,
    %get3A_704 = vector.shape_cast %get3A_703 : vector<1x16xi32> to vector<16xi32>
    %mul3A_705 = arith.constant 8 : i32
    %mul3A_706 = vector.broadcast %mul3A_705 : i32 to vector<16xi32>
    %mul3A_707 = arith.muli %get3A_704, %mul3A_706 : vector<16xi32>
    %add3A_708 = arith.addi %mul3A_699, %mul3A_707 : vector<16xi32>
    %get3A_709 = arith.constant 2 : i32
    %get3A_710 = arith.index_cast %get3A_709 : i32 to index
    %get3A_711 = arith.constant 32 : index
    %get3A_712 = tpu.vector_load %arg11[%get3A_710, %get3A_711] {strides = array<i32>} : memref<4x128xi32, #tpu.memory_space<vmem>>, vector<1x16xi32>,
    %get3A_713 = vector.shape_cast %get3A_712 : vector<1x16xi32> to vector<16xi32>
    %add3A_714 = arith.addi %add3A_708, %get3A_713 : vector<16xi32>
    %swap3A_715 = arith.constant 2 : i32
    %swap3A_716 = arith.index_cast %swap3A_715 : i32 to index
    %swap3A_717 = arith.constant 32 : index
    %swap3A_718 = tpu.vector_load %arg12[%swap3A_716, %swap3A_717] {strides = array<i32>} : memref<4x128xi32, #tpu.memory_space<vmem>>, vector<1x16xi32>,
    %swap3A_719 = vector.shape_cast %swap3A_718 : vector<1x16xi32> to vector<16xi32>
    %swap3A_720 = vector.shape_cast %add3A_714 : vector<16xi32> to vector<1x16xi32>
    tpu.vector_store %arg12[%swap3A_716, %swap3A_717], %swap3A_720 {strides = array<i32>} : memref<4x128xi32, #tpu.memory_space<vmem>>, vector<1x16xi32>,
    %get3A_721 = arith.constant 2 : i32
    %get3A_722 = arith.index_cast %get3A_721 : i32 to index
    %get3A_723 = arith.constant 48 : index
    %get3A_724 = tpu.vector_load %arg8[%get3A_722, %get3A_723] {strides = array<i32>} : memref<4x128xi32, #tpu.memory_space<vmem>>, vector<1x16xi32>,
    %get3A_725 = vector.shape_cast %get3A_724 : vector<1x16xi32> to vector<16xi32>
    %mul3A_726 = arith.constant 12 : i32
    %mul3A_727 = vector.broadcast %mul3A_726 : i32 to vector<16xi32>
    %mul3A_728 = arith.muli %get3A_725, %mul3A_727 : vector<16xi32>
    %get3A_729 = arith.constant 2 : i32
    %get3A_730 = arith.index_cast %get3A_729 : i32 to index
    %get3A_731 = arith.constant 48 : index
    %get3A_732 = tpu.vector_load %arg9[%get3A_730, %get3A_731] {strides = array<i32>} : memref<4x128xi32, #tpu.memory_space<vmem>>, vector<1x16xi32>,
    %get3A_733 = vector.shape_cast %get3A_732 : vector<1x16xi32> to vector<16xi32>
    %add3A_734 = arith.addi %mul3A_728, %get3A_733 : vector<16xi32>
    %mul3A_735 = arith.constant 64 : i32
    %mul3A_736 = vector.broadcast %mul3A_735 : i32 to vector<16xi32>
    %mul3A_737 = arith.muli %add3A_734, %mul3A_736 : vector<16xi32>
    %get3A_738 = arith.constant 2 : i32
    %get3A_739 = arith.index_cast %get3A_738 : i32 to index
    %get3A_740 = arith.constant 48 : index
    %get3A_741 = tpu.vector_load %arg10[%get3A_739, %get3A_740] {strides = array<i32>} : memref<4x128xi32, #tpu.memory_space<vmem>>, vector<1x16xi32>,
    %get3A_742 = vector.shape_cast %get3A_741 : vector<1x16xi32> to vector<16xi32>
    %mul3A_743 = arith.constant 8 : i32
    %mul3A_744 = vector.broadcast %mul3A_743 : i32 to vector<16xi32>
    %mul3A_745 = arith.muli %get3A_742, %mul3A_744 : vector<16xi32>
    %add3A_746 = arith.addi %mul3A_737, %mul3A_745 : vector<16xi32>
    %get3A_747 = arith.constant 2 : i32
    %get3A_748 = arith.index_cast %get3A_747 : i32 to index
    %get3A_749 = arith.constant 48 : index
    %get3A_750 = tpu.vector_load %arg11[%get3A_748, %get3A_749] {strides = array<i32>} : memref<4x128xi32, #tpu.memory_space<vmem>>, vector<1x16xi32>,
    %get3A_751 = vector.shape_cast %get3A_750 : vector<1x16xi32> to vector<16xi32>
    %add3A_752 = arith.addi %add3A_746, %get3A_751 : vector<16xi32>
    %swap3A_753 = arith.constant 2 : i32
    %swap3A_754 = arith.index_cast %swap3A_753 : i32 to index
    %swap3A_755 = arith.constant 48 : index
    %swap3A_756 = tpu.vector_load %arg12[%swap3A_754, %swap3A_755] {strides = array<i32>} : memref<4x128xi32, #tpu.memory_space<vmem>>, vector<1x16xi32>,
    %swap3A_757 = vector.shape_cast %swap3A_756 : vector<1x16xi32> to vector<16xi32>
    %swap3A_758 = vector.shape_cast %add3A_752 : vector<16xi32> to vector<1x16xi32>
    tpu.vector_store %arg12[%swap3A_754, %swap3A_755], %swap3A_758 {strides = array<i32>} : memref<4x128xi32, #tpu.memory_space<vmem>>, vector<1x16xi32>,
    %get3A_759 = arith.constant 2 : i32
    %get3A_760 = arith.index_cast %get3A_759 : i32 to index
    %get3A_761 = arith.constant 64 : index
    %get3A_762 = tpu.vector_load %arg8[%get3A_760, %get3A_761] {strides = array<i32>} : memref<4x128xi32, #tpu.memory_space<vmem>>, vector<1x16xi32>,
    %get3A_763 = vector.shape_cast %get3A_762 : vector<1x16xi32> to vector<16xi32>
    %mul3A_764 = arith.constant 12 : i32
    %mul3A_765 = vector.broadcast %mul3A_764 : i32 to vector<16xi32>
    %mul3A_766 = arith.muli %get3A_763, %mul3A_765 : vector<16xi32>
    %get3A_767 = arith.constant 2 : i32
    %get3A_768 = arith.index_cast %get3A_767 : i32 to index
    %get3A_769 = arith.constant 64 : index
    %get3A_770 = tpu.vector_load %arg9[%get3A_768, %get3A_769] {strides = array<i32>} : memref<4x128xi32, #tpu.memory_space<vmem>>, vector<1x16xi32>,
    %get3A_771 = vector.shape_cast %get3A_770 : vector<1x16xi32> to vector<16xi32>
    %add3A_772 = arith.addi %mul3A_766, %get3A_771 : vector<16xi32>
    %mul3A_773 = arith.constant 64 : i32
    %mul3A_774 = vector.broadcast %mul3A_773 : i32 to vector<16xi32>
    %mul3A_775 = arith.muli %add3A_772, %mul3A_774 : vector<16xi32>
    %get3A_776 = arith.constant 2 : i32
    %get3A_777 = arith.index_cast %get3A_776 : i32 to index
    %get3A_778 = arith.constant 64 : index
    %get3A_779 = tpu.vector_load %arg10[%get3A_777, %get3A_778] {strides = array<i32>} : memref<4x128xi32, #tpu.memory_space<vmem>>, vector<1x16xi32>,
    %get3A_780 = vector.shape_cast %get3A_779 : vector<1x16xi32> to vector<16xi32>
    %mul3A_781 = arith.constant 8 : i32
    %mul3A_782 = vector.broadcast %mul3A_781 : i32 to vector<16xi32>
    %mul3A_783 = arith.muli %get3A_780, %mul3A_782 : vector<16xi32>
    %add3A_784 = arith.addi %mul3A_775, %mul3A_783 : vector<16xi32>
    %get3A_785 = arith.constant 2 : i32
    %get3A_786 = arith.index_cast %get3A_785 : i32 to index
    %get3A_787 = arith.constant 64 : index
    %get3A_788 = tpu.vector_load %arg11[%get3A_786, %get3A_787] {strides = array<i32>} : memref<4x128xi32, #tpu.memory_space<vmem>>, vector<1x16xi32>,
    %get3A_789 = vector.shape_cast %get3A_788 : vector<1x16xi32> to vector<16xi32>
    %add3A_790 = arith.addi %add3A_784, %get3A_789 : vector<16xi32>
    %swap3A_791 = arith.constant 2 : i32
    %swap3A_792 = arith.index_cast %swap3A_791 : i32 to index
    %swap3A_793 = arith.constant 64 : index
    %swap3A_794 = tpu.vector_load %arg12[%swap3A_792, %swap3A_793] {strides = array<i32>} : memref<4x128xi32, #tpu.memory_space<vmem>>, vector<1x16xi32>,
    %swap3A_795 = vector.shape_cast %swap3A_794 : vector<1x16xi32> to vector<16xi32>
    %swap3A_796 = vector.shape_cast %add3A_790 : vector<16xi32> to vector<1x16xi32>
    tpu.vector_store %arg12[%swap3A_792, %swap3A_793], %swap3A_796 {strides = array<i32>} : memref<4x128xi32, #tpu.memory_space<vmem>>, vector<1x16xi32>,
    %get3A_797 = arith.constant 2 : i32
    %get3A_798 = arith.index_cast %get3A_797 : i32 to index
    %get3A_799 = arith.constant 80 : index
    %get3A_800 = tpu.vector_load %arg8[%get3A_798, %get3A_799] {strides = array<i32>} : memref<4x128xi32, #tpu.memory_space<vmem>>, vector<1x16xi32>,
    %get3A_801 = vector.shape_cast %get3A_800 : vector<1x16xi32> to vector<16xi32>
    %mul3A_802 = arith.constant 12 : i32
    %mul3A_803 = vector.broadcast %mul3A_802 : i32 to vector<16xi32>
    %mul3A_804 = arith.muli %get3A_801, %mul3A_803 : vector<16xi32>
    %get3A_805 = arith.constant 2 : i32
    %get3A_806 = arith.index_cast %get3A_805 : i32 to index
    %get3A_807 = arith.constant 80 : index
    %get3A_808 = tpu.vector_load %arg9[%get3A_806, %get3A_807] {strides = array<i32>} : memref<4x128xi32, #tpu.memory_space<vmem>>, vector<1x16xi32>,
    %get3A_809 = vector.shape_cast %get3A_808 : vector<1x16xi32> to vector<16xi32>
    %add3A_810 = arith.addi %mul3A_804, %get3A_809 : vector<16xi32>
    %mul3A_811 = arith.constant 64 : i32
    %mul3A_812 = vector.broadcast %mul3A_811 : i32 to vector<16xi32>
    %mul3A_813 = arith.muli %add3A_810, %mul3A_812 : vector<16xi32>
    %get3A_814 = arith.constant 2 : i32
    %get3A_815 = arith.index_cast %get3A_814 : i32 to index
    %get3A_816 = arith.constant 80 : index
    %get3A_817 = tpu.vector_load %arg10[%get3A_815, %get3A_816] {strides = array<i32>} : memref<4x128xi32, #tpu.memory_space<vmem>>, vector<1x16xi32>,
    %get3A_818 = vector.shape_cast %get3A_817 : vector<1x16xi32> to vector<16xi32>
    %mul3A_819 = arith.constant 8 : i32
    %mul3A_820 = vector.broadcast %mul3A_819 : i32 to vector<16xi32>
    %mul3A_821 = arith.muli %get3A_818, %mul3A_820 : vector<16xi32>
    %add3A_822 = arith.addi %mul3A_813, %mul3A_821 : vector<16xi32>
    %get3A_823 = arith.constant 2 : i32
    %get3A_824 = arith.index_cast %get3A_823 : i32 to index
    %get3A_825 = arith.constant 80 : index
    %get3A_826 = tpu.vector_load %arg11[%get3A_824, %get3A_825] {strides = array<i32>} : memref<4x128xi32, #tpu.memory_space<vmem>>, vector<1x16xi32>,
    %get3A_827 = vector.shape_cast %get3A_826 : vector<1x16xi32> to vector<16xi32>
    %add3A_828 = arith.addi %add3A_822, %get3A_827 : vector<16xi32>
    %swap3A_829 = arith.constant 2 : i32
    %swap3A_830 = arith.index_cast %swap3A_829 : i32 to index
    %swap3A_831 = arith.constant 80 : index
    %swap3A_832 = tpu.vector_load %arg12[%swap3A_830, %swap3A_831] {strides = array<i32>} : memref<4x128xi32, #tpu.memory_space<vmem>>, vector<1x16xi32>,
    %swap3A_833 = vector.shape_cast %swap3A_832 : vector<1x16xi32> to vector<16xi32>
    %swap3A_834 = vector.shape_cast %add3A_828 : vector<16xi32> to vector<1x16xi32>
    tpu.vector_store %arg12[%swap3A_830, %swap3A_831], %swap3A_834 {strides = array<i32>} : memref<4x128xi32, #tpu.memory_space<vmem>>, vector<1x16xi32>,
    %get3A_835 = arith.constant 2 : i32
    %get3A_836 = arith.index_cast %get3A_835 : i32 to index
    %get3A_837 = arith.constant 96 : index
    %get3A_838 = tpu.vector_load %arg8[%get3A_836, %get3A_837] {strides = array<i32>} : memref<4x128xi32, #tpu.memory_space<vmem>>, vector<1x16xi32>,
    %get3A_839 = vector.shape_cast %get3A_838 : vector<1x16xi32> to vector<16xi32>
    %mul3A_840 = arith.constant 12 : i32
    %mul3A_841 = vector.broadcast %mul3A_840 : i32 to vector<16xi32>
    %mul3A_842 = arith.muli %get3A_839, %mul3A_841 : vector<16xi32>
    %get3A_843 = arith.constant 2 : i32
    %get3A_844 = arith.index_cast %get3A_843 : i32 to index
    %get3A_845 = arith.constant 96 : index
    %get3A_846 = tpu.vector_load %arg9[%get3A_844, %get3A_845] {strides = array<i32>} : memref<4x128xi32, #tpu.memory_space<vmem>>, vector<1x16xi32>,
    %get3A_847 = vector.shape_cast %get3A_846 : vector<1x16xi32> to vector<16xi32>
    %add3A_848 = arith.addi %mul3A_842, %get3A_847 : vector<16xi32>
    %mul3A_849 = arith.constant 64 : i32
    %mul3A_850 = vector.broadcast %mul3A_849 : i32 to vector<16xi32>
    %mul3A_851 = arith.muli %add3A_848, %mul3A_850 : vector<16xi32>
    %get3A_852 = arith.constant 2 : i32
    %get3A_853 = arith.index_cast %get3A_852 : i32 to index
    %get3A_854 = arith.constant 96 : index
    %get3A_855 = tpu.vector_load %arg10[%get3A_853, %get3A_854] {strides = array<i32>} : memref<4x128xi32, #tpu.memory_space<vmem>>, vector<1x16xi32>,
    %get3A_856 = vector.shape_cast %get3A_855 : vector<1x16xi32> to vector<16xi32>
    %mul3A_857 = arith.constant 8 : i32
    %mul3A_858 = vector.broadcast %mul3A_857 : i32 to vector<16xi32>
    %mul3A_859 = arith.muli %get3A_856, %mul3A_858 : vector<16xi32>
    %add3A_860 = arith.addi %mul3A_851, %mul3A_859 : vector<16xi32>
    %get3A_861 = arith.constant 2 : i32
    %get3A_862 = arith.index_cast %get3A_861 : i32 to index
    %get3A_863 = arith.constant 96 : index
    %get3A_864 = tpu.vector_load %arg11[%get3A_862, %get3A_863] {strides = array<i32>} : memref<4x128xi32, #tpu.memory_space<vmem>>, vector<1x16xi32>,
    %get3A_865 = vector.shape_cast %get3A_864 : vector<1x16xi32> to vector<16xi32>
    %add3A_866 = arith.addi %add3A_860, %get3A_865 : vector<16xi32>
    %swap3A_867 = arith.constant 2 : i32
    %swap3A_868 = arith.index_cast %swap3A_867 : i32 to index
    %swap3A_869 = arith.constant 96 : index
    %swap3A_870 = tpu.vector_load %arg12[%swap3A_868, %swap3A_869] {strides = array<i32>} : memref<4x128xi32, #tpu.memory_space<vmem>>, vector<1x16xi32>,
    %swap3A_871 = vector.shape_cast %swap3A_870 : vector<1x16xi32> to vector<16xi32>
    %swap3A_872 = vector.shape_cast %add3A_866 : vector<16xi32> to vector<1x16xi32>
    tpu.vector_store %arg12[%swap3A_868, %swap3A_869], %swap3A_872 {strides = array<i32>} : memref<4x128xi32, #tpu.memory_space<vmem>>, vector<1x16xi32>,
    %get3A_873 = arith.constant 2 : i32
    %get3A_874 = arith.index_cast %get3A_873 : i32 to index
    %get3A_875 = arith.constant 112 : index
    %get3A_876 = tpu.vector_load %arg8[%get3A_874, %get3A_875] {strides = array<i32>} : memref<4x128xi32, #tpu.memory_space<vmem>>, vector<1x16xi32>,
    %get3A_877 = vector.shape_cast %get3A_876 : vector<1x16xi32> to vector<16xi32>
    %mul3A_878 = arith.constant 12 : i32
    %mul3A_879 = vector.broadcast %mul3A_878 : i32 to vector<16xi32>
    %mul3A_880 = arith.muli %get3A_877, %mul3A_879 : vector<16xi32>
    %get3A_881 = arith.constant 2 : i32
    %get3A_882 = arith.index_cast %get3A_881 : i32 to index
    %get3A_883 = arith.constant 112 : index
    %get3A_884 = tpu.vector_load %arg9[%get3A_882, %get3A_883] {strides = array<i32>} : memref<4x128xi32, #tpu.memory_space<vmem>>, vector<1x16xi32>,
    %get3A_885 = vector.shape_cast %get3A_884 : vector<1x16xi32> to vector<16xi32>
    %add3A_886 = arith.addi %mul3A_880, %get3A_885 : vector<16xi32>
    %mul3A_887 = arith.constant 64 : i32
    %mul3A_888 = vector.broadcast %mul3A_887 : i32 to vector<16xi32>
    %mul3A_889 = arith.muli %add3A_886, %mul3A_888 : vector<16xi32>
    %get3A_890 = arith.constant 2 : i32
    %get3A_891 = arith.index_cast %get3A_890 : i32 to index
    %get3A_892 = arith.constant 112 : index
    %get3A_893 = tpu.vector_load %arg10[%get3A_891, %get3A_892] {strides = array<i32>} : memref<4x128xi32, #tpu.memory_space<vmem>>, vector<1x16xi32>,
    %get3A_894 = vector.shape_cast %get3A_893 : vector<1x16xi32> to vector<16xi32>
    %mul3A_895 = arith.constant 8 : i32
    %mul3A_896 = vector.broadcast %mul3A_895 : i32 to vector<16xi32>
    %mul3A_897 = arith.muli %get3A_894, %mul3A_896 : vector<16xi32>
    %add3A_898 = arith.addi %mul3A_889, %mul3A_897 : vector<16xi32>
    %get3A_899 = arith.constant 2 : i32
    %get3A_900 = arith.index_cast %get3A_899 : i32 to index
    %get3A_901 = arith.constant 112 : index
    %get3A_902 = tpu.vector_load %arg11[%get3A_900, %get3A_901] {strides = array<i32>} : memref<4x128xi32, #tpu.memory_space<vmem>>, vector<1x16xi32>,
    %get3A_903 = vector.shape_cast %get3A_902 : vector<1x16xi32> to vector<16xi32>
    %add3A_904 = arith.addi %add3A_898, %get3A_903 : vector<16xi32>
    %swap3A_905 = arith.constant 2 : i32
    %swap3A_906 = arith.index_cast %swap3A_905 : i32 to index
    %swap3A_907 = arith.constant 112 : index
    %swap3A_908 = tpu.vector_load %arg12[%swap3A_906, %swap3A_907] {strides = array<i32>} : memref<4x128xi32, #tpu.memory_space<vmem>>, vector<1x16xi32>,
    %swap3A_909 = vector.shape_cast %swap3A_908 : vector<1x16xi32> to vector<16xi32>
    %swap3A_910 = vector.shape_cast %add3A_904 : vector<16xi32> to vector<1x16xi32>
    tpu.vector_store %arg12[%swap3A_906, %swap3A_907], %swap3A_910 {strides = array<i32>} : memref<4x128xi32, #tpu.memory_space<vmem>>, vector<1x16xi32>,
    %get3A_911 = arith.constant 3 : i32
    %get3A_912 = arith.index_cast %get3A_911 : i32 to index
    %get3A_913 = arith.constant 0 : index
    %get3A_914 = tpu.vector_load %arg8[%get3A_912, %get3A_913] {strides = array<i32>} : memref<4x128xi32, #tpu.memory_space<vmem>>, vector<1x16xi32>,
    %get3A_915 = vector.shape_cast %get3A_914 : vector<1x16xi32> to vector<16xi32>
    %mul3A_916 = arith.constant 12 : i32
    %mul3A_917 = vector.broadcast %mul3A_916 : i32 to vector<16xi32>
    %mul3A_918 = arith.muli %get3A_915, %mul3A_917 : vector<16xi32>
    %get3A_919 = arith.constant 3 : i32
    %get3A_920 = arith.index_cast %get3A_919 : i32 to index
    %get3A_921 = arith.constant 0 : index
    %get3A_922 = tpu.vector_load %arg9[%get3A_920, %get3A_921] {strides = array<i32>} : memref<4x128xi32, #tpu.memory_space<vmem>>, vector<1x16xi32>,
    %get3A_923 = vector.shape_cast %get3A_922 : vector<1x16xi32> to vector<16xi32>
    %add3A_924 = arith.addi %mul3A_918, %get3A_923 : vector<16xi32>
    %mul3A_925 = arith.constant 64 : i32
    %mul3A_926 = vector.broadcast %mul3A_925 : i32 to vector<16xi32>
    %mul3A_927 = arith.muli %add3A_924, %mul3A_926 : vector<16xi32>
    %get3A_928 = arith.constant 3 : i32
    %get3A_929 = arith.index_cast %get3A_928 : i32 to index
    %get3A_930 = arith.constant 0 : index
    %get3A_931 = tpu.vector_load %arg10[%get3A_929, %get3A_930] {strides = array<i32>} : memref<4x128xi32, #tpu.memory_space<vmem>>, vector<1x16xi32>,
    %get3A_932 = vector.shape_cast %get3A_931 : vector<1x16xi32> to vector<16xi32>
    %mul3A_933 = arith.constant 8 : i32
    %mul3A_934 = vector.broadcast %mul3A_933 : i32 to vector<16xi32>
    %mul3A_935 = arith.muli %get3A_932, %mul3A_934 : vector<16xi32>
    %add3A_936 = arith.addi %mul3A_927, %mul3A_935 : vector<16xi32>
    %get3A_937 = arith.constant 3 : i32
    %get3A_938 = arith.index_cast %get3A_937 : i32 to index
    %get3A_939 = arith.constant 0 : index
    %get3A_940 = tpu.vector_load %arg11[%get3A_938, %get3A_939] {strides = array<i32>} : memref<4x128xi32, #tpu.memory_space<vmem>>, vector<1x16xi32>,
    %get3A_941 = vector.shape_cast %get3A_940 : vector<1x16xi32> to vector<16xi32>
    %add3A_942 = arith.addi %add3A_936, %get3A_941 : vector<16xi32>
    %swap3A_943 = arith.constant 3 : i32
    %swap3A_944 = arith.index_cast %swap3A_943 : i32 to index
    %swap3A_945 = arith.constant 0 : index
    %swap3A_946 = tpu.vector_load %arg12[%swap3A_944, %swap3A_945] {strides = array<i32>} : memref<4x128xi32, #tpu.memory_space<vmem>>, vector<1x16xi32>,
    %swap3A_947 = vector.shape_cast %swap3A_946 : vector<1x16xi32> to vector<16xi32>
    %swap3A_948 = vector.shape_cast %add3A_942 : vector<16xi32> to vector<1x16xi32>
    tpu.vector_store %arg12[%swap3A_944, %swap3A_945], %swap3A_948 {strides = array<i32>} : memref<4x128xi32, #tpu.memory_space<vmem>>, vector<1x16xi32>,
    %get3A_949 = arith.constant 3 : i32
    %get3A_950 = arith.index_cast %get3A_949 : i32 to index
    %get3A_951 = arith.constant 16 : index
    %get3A_952 = tpu.vector_load %arg8[%get3A_950, %get3A_951] {strides = array<i32>} : memref<4x128xi32, #tpu.memory_space<vmem>>, vector<1x16xi32>,
    %get3A_953 = vector.shape_cast %get3A_952 : vector<1x16xi32> to vector<16xi32>
    %mul3A_954 = arith.constant 12 : i32
    %mul3A_955 = vector.broadcast %mul3A_954 : i32 to vector<16xi32>
    %mul3A_956 = arith.muli %get3A_953, %mul3A_955 : vector<16xi32>
    %get3A_957 = arith.constant 3 : i32
    %get3A_958 = arith.index_cast %get3A_957 : i32 to index
    %get3A_959 = arith.constant 16 : index
    %get3A_960 = tpu.vector_load %arg9[%get3A_958, %get3A_959] {strides = array<i32>} : memref<4x128xi32, #tpu.memory_space<vmem>>, vector<1x16xi32>,
    %get3A_961 = vector.shape_cast %get3A_960 : vector<1x16xi32> to vector<16xi32>
    %add3A_962 = arith.addi %mul3A_956, %get3A_961 : vector<16xi32>
    %mul3A_963 = arith.constant 64 : i32
    %mul3A_964 = vector.broadcast %mul3A_963 : i32 to vector<16xi32>
    %mul3A_965 = arith.muli %add3A_962, %mul3A_964 : vector<16xi32>
    %get3A_966 = arith.constant 3 : i32
    %get3A_967 = arith.index_cast %get3A_966 : i32 to index
    %get3A_968 = arith.constant 16 : index
    %get3A_969 = tpu.vector_load %arg10[%get3A_967, %get3A_968] {strides = array<i32>} : memref<4x128xi32, #tpu.memory_space<vmem>>, vector<1x16xi32>,
    %get3A_970 = vector.shape_cast %get3A_969 : vector<1x16xi32> to vector<16xi32>
    %mul3A_971 = arith.constant 8 : i32
    %mul3A_972 = vector.broadcast %mul3A_971 : i32 to vector<16xi32>
    %mul3A_973 = arith.muli %get3A_970, %mul3A_972 : vector<16xi32>
    %add3A_974 = arith.addi %mul3A_965, %mul3A_973 : vector<16xi32>
    %get3A_975 = arith.constant 3 : i32
    %get3A_976 = arith.index_cast %get3A_975 : i32 to index
    %get3A_977 = arith.constant 16 : index
    %get3A_978 = tpu.vector_load %arg11[%get3A_976, %get3A_977] {strides = array<i32>} : memref<4x128xi32, #tpu.memory_space<vmem>>, vector<1x16xi32>,
    %get3A_979 = vector.shape_cast %get3A_978 : vector<1x16xi32> to vector<16xi32>
    %add3A_980 = arith.addi %add3A_974, %get3A_979 : vector<16xi32>
    %swap3A_981 = arith.constant 3 : i32
    %swap3A_982 = arith.index_cast %swap3A_981 : i32 to index
    %swap3A_983 = arith.constant 16 : index
    %swap3A_984 = tpu.vector_load %arg12[%swap3A_982, %swap3A_983] {strides = array<i32>} : memref<4x128xi32, #tpu.memory_space<vmem>>, vector<1x16xi32>,
    %swap3A_985 = vector.shape_cast %swap3A_984 : vector<1x16xi32> to vector<16xi32>
    %swap3A_986 = vector.shape_cast %add3A_980 : vector<16xi32> to vector<1x16xi32>
    tpu.vector_store %arg12[%swap3A_982, %swap3A_983], %swap3A_986 {strides = array<i32>} : memref<4x128xi32, #tpu.memory_space<vmem>>, vector<1x16xi32>,
    %get3A_987 = arith.constant 3 : i32
    %get3A_988 = arith.index_cast %get3A_987 : i32 to index
    %get3A_989 = arith.constant 32 : index
    %get3A_990 = tpu.vector_load %arg8[%get3A_988, %get3A_989] {strides = array<i32>} : memref<4x128xi32, #tpu.memory_space<vmem>>, vector<1x16xi32>,
    %get3A_991 = vector.shape_cast %get3A_990 : vector<1x16xi32> to vector<16xi32>
    %mul3A_992 = arith.constant 12 : i32
    %mul3A_993 = vector.broadcast %mul3A_992 : i32 to vector<16xi32>
    %mul3A_994 = arith.muli %get3A_991, %mul3A_993 : vector<16xi32>
    %get3A_995 = arith.constant 3 : i32
    %get3A_996 = arith.index_cast %get3A_995 : i32 to index
    %get3A_997 = arith.constant 32 : index
    %get3A_998 = tpu.vector_load %arg9[%get3A_996, %get3A_997] {strides = array<i32>} : memref<4x128xi32, #tpu.memory_space<vmem>>, vector<1x16xi32>,
    %get3A_999 = vector.shape_cast %get3A_998 : vector<1x16xi32> to vector<16xi32>
    %add3A_1000 = arith.addi %mul3A_994, %get3A_999 : vector<16xi32>
    %mul3A_1001 = arith.constant 64 : i32
    %mul3A_1002 = vector.broadcast %mul3A_1001 : i32 to vector<16xi32>
    %mul3A_1003 = arith.muli %add3A_1000, %mul3A_1002 : vector<16xi32>
    %get3A_1004 = arith.constant 3 : i32
    %get3A_1005 = arith.index_cast %get3A_1004 : i32 to index
    %get3A_1006 = arith.constant 32 : index
    %get3A_1007 = tpu.vector_load %arg10[%get3A_1005, %get3A_1006] {strides = array<i32>} : memref<4x128xi32, #tpu.memory_space<vmem>>, vector<1x16xi32>,
    %get3A_1008 = vector.shape_cast %get3A_1007 : vector<1x16xi32> to vector<16xi32>
    %mul3A_1009 = arith.constant 8 : i32
    %mul3A_1010 = vector.broadcast %mul3A_1009 : i32 to vector<16xi32>
    %mul3A_1011 = arith.muli %get3A_1008, %mul3A_1010 : vector<16xi32>
    %add3A_1012 = arith.addi %mul3A_1003, %mul3A_1011 : vector<16xi32>
    %get3A_1013 = arith.constant 3 : i32
    %get3A_1014 = arith.index_cast %get3A_1013 : i32 to index
    %get3A_1015 = arith.constant 32 : index
    %get3A_1016 = tpu.vector_load %arg11[%get3A_1014, %get3A_1015] {strides = array<i32>} : memref<4x128xi32, #tpu.memory_space<vmem>>, vector<1x16xi32>,
    %get3A_1017 = vector.shape_cast %get3A_1016 : vector<1x16xi32> to vector<16xi32>
    %add3A_1018 = arith.addi %add3A_1012, %get3A_1017 : vector<16xi32>
    %swap3A_1019 = arith.constant 3 : i32
    %swap3A_1020 = arith.index_cast %swap3A_1019 : i32 to index
    %swap3A_1021 = arith.constant 32 : index
    %swap3A_1022 = tpu.vector_load %arg12[%swap3A_1020, %swap3A_1021] {strides = array<i32>} : memref<4x128xi32, #tpu.memory_space<vmem>>, vector<1x16xi32>,
    %swap3A_1023 = vector.shape_cast %swap3A_1022 : vector<1x16xi32> to vector<16xi32>
    %swap3A_1024 = vector.shape_cast %add3A_1018 : vector<16xi32> to vector<1x16xi32>
    tpu.vector_store %arg12[%swap3A_1020, %swap3A_1021], %swap3A_1024 {strides = array<i32>} : memref<4x128xi32, #tpu.memory_space<vmem>>, vector<1x16xi32>,
    %get3A_1025 = arith.constant 3 : i32
    %get3A_1026 = arith.index_cast %get3A_1025 : i32 to index
    %get3A_1027 = arith.constant 48 : index
    %get3A_1028 = tpu.vector_load %arg8[%get3A_1026, %get3A_1027] {strides = array<i32>} : memref<4x128xi32, #tpu.memory_space<vmem>>, vector<1x16xi32>,
    %get3A_1029 = vector.shape_cast %get3A_1028 : vector<1x16xi32> to vector<16xi32>
    %mul3A_1030 = arith.constant 12 : i32
    %mul3A_1031 = vector.broadcast %mul3A_1030 : i32 to vector<16xi32>
    %mul3A_1032 = arith.muli %get3A_1029, %mul3A_1031 : vector<16xi32>
    %get3A_1033 = arith.constant 3 : i32
    %get3A_1034 = arith.index_cast %get3A_1033 : i32 to index
    %get3A_1035 = arith.constant 48 : index
    %get3A_1036 = tpu.vector_load %arg9[%get3A_1034, %get3A_1035] {strides = array<i32>} : memref<4x128xi32, #tpu.memory_space<vmem>>, vector<1x16xi32>,
    %get3A_1037 = vector.shape_cast %get3A_1036 : vector<1x16xi32> to vector<16xi32>
    %add3A_1038 = arith.addi %mul3A_1032, %get3A_1037 : vector<16xi32>
    %mul3A_1039 = arith.constant 64 : i32
    %mul3A_1040 = vector.broadcast %mul3A_1039 : i32 to vector<16xi32>
    %mul3A_1041 = arith.muli %add3A_1038, %mul3A_1040 : vector<16xi32>
    %get3A_1042 = arith.constant 3 : i32
    %get3A_1043 = arith.index_cast %get3A_1042 : i32 to index
    %get3A_1044 = arith.constant 48 : index
    %get3A_1045 = tpu.vector_load %arg10[%get3A_1043, %get3A_1044] {strides = array<i32>} : memref<4x128xi32, #tpu.memory_space<vmem>>, vector<1x16xi32>,
    %get3A_1046 = vector.shape_cast %get3A_1045 : vector<1x16xi32> to vector<16xi32>
    %mul3A_1047 = arith.constant 8 : i32
    %mul3A_1048 = vector.broadcast %mul3A_1047 : i32 to vector<16xi32>
    %mul3A_1049 = arith.muli %get3A_1046, %mul3A_1048 : vector<16xi32>
    %add3A_1050 = arith.addi %mul3A_1041, %mul3A_1049 : vector<16xi32>
    %get3A_1051 = arith.constant 3 : i32
    %get3A_1052 = arith.index_cast %get3A_1051 : i32 to index
    %get3A_1053 = arith.constant 48 : index
    %get3A_1054 = tpu.vector_load %arg11[%get3A_1052, %get3A_1053] {strides = array<i32>} : memref<4x128xi32, #tpu.memory_space<vmem>>, vector<1x16xi32>,
    %get3A_1055 = vector.shape_cast %get3A_1054 : vector<1x16xi32> to vector<16xi32>
    %add3A_1056 = arith.addi %add3A_1050, %get3A_1055 : vector<16xi32>
    %swap3A_1057 = arith.constant 3 : i32
    %swap3A_1058 = arith.index_cast %swap3A_1057 : i32 to index
    %swap3A_1059 = arith.constant 48 : index
    %swap3A_1060 = tpu.vector_load %arg12[%swap3A_1058, %swap3A_1059] {strides = array<i32>} : memref<4x128xi32, #tpu.memory_space<vmem>>, vector<1x16xi32>,
    %swap3A_1061 = vector.shape_cast %swap3A_1060 : vector<1x16xi32> to vector<16xi32>
    %swap3A_1062 = vector.shape_cast %add3A_1056 : vector<16xi32> to vector<1x16xi32>
    tpu.vector_store %arg12[%swap3A_1058, %swap3A_1059], %swap3A_1062 {strides = array<i32>} : memref<4x128xi32, #tpu.memory_space<vmem>>, vector<1x16xi32>,
    %get3A_1063 = arith.constant 3 : i32
    %get3A_1064 = arith.index_cast %get3A_1063 : i32 to index
    %get3A_1065 = arith.constant 64 : index
    %get3A_1066 = tpu.vector_load %arg8[%get3A_1064, %get3A_1065] {strides = array<i32>} : memref<4x128xi32, #tpu.memory_space<vmem>>, vector<1x16xi32>,
    %get3A_1067 = vector.shape_cast %get3A_1066 : vector<1x16xi32> to vector<16xi32>
    %mul3A_1068 = arith.constant 12 : i32
    %mul3A_1069 = vector.broadcast %mul3A_1068 : i32 to vector<16xi32>
    %mul3A_1070 = arith.muli %get3A_1067, %mul3A_1069 : vector<16xi32>
    %get3A_1071 = arith.constant 3 : i32
    %get3A_1072 = arith.index_cast %get3A_1071 : i32 to index
    %get3A_1073 = arith.constant 64 : index
    %get3A_1074 = tpu.vector_load %arg9[%get3A_1072, %get3A_1073] {strides = array<i32>} : memref<4x128xi32, #tpu.memory_space<vmem>>, vector<1x16xi32>,
    %get3A_1075 = vector.shape_cast %get3A_1074 : vector<1x16xi32> to vector<16xi32>
    %add3A_1076 = arith.addi %mul3A_1070, %get3A_1075 : vector<16xi32>
    %mul3A_1077 = arith.constant 64 : i32
    %mul3A_1078 = vector.broadcast %mul3A_1077 : i32 to vector<16xi32>
    %mul3A_1079 = arith.muli %add3A_1076, %mul3A_1078 : vector<16xi32>
    %get3A_1080 = arith.constant 3 : i32
    %get3A_1081 = arith.index_cast %get3A_1080 : i32 to index
    %get3A_1082 = arith.constant 64 : index
    %get3A_1083 = tpu.vector_load %arg10[%get3A_1081, %get3A_1082] {strides = array<i32>} : memref<4x128xi32, #tpu.memory_space<vmem>>, vector<1x16xi32>,
    %get3A_1084 = vector.shape_cast %get3A_1083 : vector<1x16xi32> to vector<16xi32>
    %mul3A_1085 = arith.constant 8 : i32
    %mul3A_1086 = vector.broadcast %mul3A_1085 : i32 to vector<16xi32>
    %mul3A_1087 = arith.muli %get3A_1084, %mul3A_1086 : vector<16xi32>
    %add3A_1088 = arith.addi %mul3A_1079, %mul3A_1087 : vector<16xi32>
    %get3A_1089 = arith.constant 3 : i32
    %get3A_1090 = arith.index_cast %get3A_1089 : i32 to index
    %get3A_1091 = arith.constant 64 : index
    %get3A_1092 = tpu.vector_load %arg11[%get3A_1090, %get3A_1091] {strides = array<i32>} : memref<4x128xi32, #tpu.memory_space<vmem>>, vector<1x16xi32>,
    %get3A_1093 = vector.shape_cast %get3A_1092 : vector<1x16xi32> to vector<16xi32>
    %add3A_1094 = arith.addi %add3A_1088, %get3A_1093 : vector<16xi32>
    %swap3A_1095 = arith.constant 3 : i32
    %swap3A_1096 = arith.index_cast %swap3A_1095 : i32 to index
    %swap3A_1097 = arith.constant 64 : index
    %swap3A_1098 = tpu.vector_load %arg12[%swap3A_1096, %swap3A_1097] {strides = array<i32>} : memref<4x128xi32, #tpu.memory_space<vmem>>, vector<1x16xi32>,
    %swap3A_1099 = vector.shape_cast %swap3A_1098 : vector<1x16xi32> to vector<16xi32>
    %swap3A_1100 = vector.shape_cast %add3A_1094 : vector<16xi32> to vector<1x16xi32>
    tpu.vector_store %arg12[%swap3A_1096, %swap3A_1097], %swap3A_1100 {strides = array<i32>} : memref<4x128xi32, #tpu.memory_space<vmem>>, vector<1x16xi32>,
    %get3A_1101 = arith.constant 3 : i32
    %get3A_1102 = arith.index_cast %get3A_1101 : i32 to index
    %get3A_1103 = arith.constant 80 : index
    %get3A_1104 = tpu.vector_load %arg8[%get3A_1102, %get3A_1103] {strides = array<i32>} : memref<4x128xi32, #tpu.memory_space<vmem>>, vector<1x16xi32>,
    %get3A_1105 = vector.shape_cast %get3A_1104 : vector<1x16xi32> to vector<16xi32>
    %mul3A_1106 = arith.constant 12 : i32
    %mul3A_1107 = vector.broadcast %mul3A_1106 : i32 to vector<16xi32>
    %mul3A_1108 = arith.muli %get3A_1105, %mul3A_1107 : vector<16xi32>
    %get3A_1109 = arith.constant 3 : i32
    %get3A_1110 = arith.index_cast %get3A_1109 : i32 to index
    %get3A_1111 = arith.constant 80 : index
    %get3A_1112 = tpu.vector_load %arg9[%get3A_1110, %get3A_1111] {strides = array<i32>} : memref<4x128xi32, #tpu.memory_space<vmem>>, vector<1x16xi32>,
    %get3A_1113 = vector.shape_cast %get3A_1112 : vector<1x16xi32> to vector<16xi32>
    %add3A_1114 = arith.addi %mul3A_1108, %get3A_1113 : vector<16xi32>
    %mul3A_1115 = arith.constant 64 : i32
    %mul3A_1116 = vector.broadcast %mul3A_1115 : i32 to vector<16xi32>
    %mul3A_1117 = arith.muli %add3A_1114, %mul3A_1116 : vector<16xi32>
    %get3A_1118 = arith.constant 3 : i32
    %get3A_1119 = arith.index_cast %get3A_1118 : i32 to index
    %get3A_1120 = arith.constant 80 : index
    %get3A_1121 = tpu.vector_load %arg10[%get3A_1119, %get3A_1120] {strides = array<i32>} : memref<4x128xi32, #tpu.memory_space<vmem>>, vector<1x16xi32>,
    %get3A_1122 = vector.shape_cast %get3A_1121 : vector<1x16xi32> to vector<16xi32>
    %mul3A_1123 = arith.constant 8 : i32
    %mul3A_1124 = vector.broadcast %mul3A_1123 : i32 to vector<16xi32>
    %mul3A_1125 = arith.muli %get3A_1122, %mul3A_1124 : vector<16xi32>
    %add3A_1126 = arith.addi %mul3A_1117, %mul3A_1125 : vector<16xi32>
    %get3A_1127 = arith.constant 3 : i32
    %get3A_1128 = arith.index_cast %get3A_1127 : i32 to index
    %get3A_1129 = arith.constant 80 : index
    %get3A_1130 = tpu.vector_load %arg11[%get3A_1128, %get3A_1129] {strides = array<i32>} : memref<4x128xi32, #tpu.memory_space<vmem>>, vector<1x16xi32>,
    %get3A_1131 = vector.shape_cast %get3A_1130 : vector<1x16xi32> to vector<16xi32>
    %add3A_1132 = arith.addi %add3A_1126, %get3A_1131 : vector<16xi32>
    %swap3A_1133 = arith.constant 3 : i32
    %swap3A_1134 = arith.index_cast %swap3A_1133 : i32 to index
    %swap3A_1135 = arith.constant 80 : index
    %swap3A_1136 = tpu.vector_load %arg12[%swap3A_1134, %swap3A_1135] {strides = array<i32>} : memref<4x128xi32, #tpu.memory_space<vmem>>, vector<1x16xi32>,
    %swap3A_1137 = vector.shape_cast %swap3A_1136 : vector<1x16xi32> to vector<16xi32>
    %swap3A_1138 = vector.shape_cast %add3A_1132 : vector<16xi32> to vector<1x16xi32>
    tpu.vector_store %arg12[%swap3A_1134, %swap3A_1135], %swap3A_1138 {strides = array<i32>} : memref<4x128xi32, #tpu.memory_space<vmem>>, vector<1x16xi32>,
    %get3A_1139 = arith.constant 3 : i32
    %get3A_1140 = arith.index_cast %get3A_1139 : i32 to index
    %get3A_1141 = arith.constant 96 : index
    %get3A_1142 = tpu.vector_load %arg8[%get3A_1140, %get3A_1141] {strides = array<i32>} : memref<4x128xi32, #tpu.memory_space<vmem>>, vector<1x16xi32>,
    %get3A_1143 = vector.shape_cast %get3A_1142 : vector<1x16xi32> to vector<16xi32>
    %mul3A_1144 = arith.constant 12 : i32
    %mul3A_1145 = vector.broadcast %mul3A_1144 : i32 to vector<16xi32>
    %mul3A_1146 = arith.muli %get3A_1143, %mul3A_1145 : vector<16xi32>
    %get3A_1147 = arith.constant 3 : i32
    %get3A_1148 = arith.index_cast %get3A_1147 : i32 to index
    %get3A_1149 = arith.constant 96 : index
    %get3A_1150 = tpu.vector_load %arg9[%get3A_1148, %get3A_1149] {strides = array<i32>} : memref<4x128xi32, #tpu.memory_space<vmem>>, vector<1x16xi32>,
    %get3A_1151 = vector.shape_cast %get3A_1150 : vector<1x16xi32> to vector<16xi32>
    %add3A_1152 = arith.addi %mul3A_1146, %get3A_1151 : vector<16xi32>
    %mul3A_1153 = arith.constant 64 : i32
    %mul3A_1154 = vector.broadcast %mul3A_1153 : i32 to vector<16xi32>
    %mul3A_1155 = arith.muli %add3A_1152, %mul3A_1154 : vector<16xi32>
    %get3A_1156 = arith.constant 3 : i32
    %get3A_1157 = arith.index_cast %get3A_1156 : i32 to index
    %get3A_1158 = arith.constant 96 : index
    %get3A_1159 = tpu.vector_load %arg10[%get3A_1157, %get3A_1158] {strides = array<i32>} : memref<4x128xi32, #tpu.memory_space<vmem>>, vector<1x16xi32>,
    %get3A_1160 = vector.shape_cast %get3A_1159 : vector<1x16xi32> to vector<16xi32>
    %mul3A_1161 = arith.constant 8 : i32
    %mul3A_1162 = vector.broadcast %mul3A_1161 : i32 to vector<16xi32>
    %mul3A_1163 = arith.muli %get3A_1160, %mul3A_1162 : vector<16xi32>
    %add3A_1164 = arith.addi %mul3A_1155, %mul3A_1163 : vector<16xi32>
    %get3A_1165 = arith.constant 3 : i32
    %get3A_1166 = arith.index_cast %get3A_1165 : i32 to index
    %get3A_1167 = arith.constant 96 : index
    %get3A_1168 = tpu.vector_load %arg11[%get3A_1166, %get3A_1167] {strides = array<i32>} : memref<4x128xi32, #tpu.memory_space<vmem>>, vector<1x16xi32>,
    %get3A_1169 = vector.shape_cast %get3A_1168 : vector<1x16xi32> to vector<16xi32>
    %add3A_1170 = arith.addi %add3A_1164, %get3A_1169 : vector<16xi32>
    %swap3A_1171 = arith.constant 3 : i32
    %swap3A_1172 = arith.index_cast %swap3A_1171 : i32 to index
    %swap3A_1173 = arith.constant 96 : index
    %swap3A_1174 = tpu.vector_load %arg12[%swap3A_1172, %swap3A_1173] {strides = array<i32>} : memref<4x128xi32, #tpu.memory_space<vmem>>, vector<1x16xi32>,
    %swap3A_1175 = vector.shape_cast %swap3A_1174 : vector<1x16xi32> to vector<16xi32>
    %swap3A_1176 = vector.shape_cast %add3A_1170 : vector<16xi32> to vector<1x16xi32>
    tpu.vector_store %arg12[%swap3A_1172, %swap3A_1173], %swap3A_1176 {strides = array<i32>} : memref<4x128xi32, #tpu.memory_space<vmem>>, vector<1x16xi32>,
    %get3A_1177 = arith.constant 3 : i32
    %get3A_1178 = arith.index_cast %get3A_1177 : i32 to index
    %get3A_1179 = arith.constant 112 : index
    %get3A_1180 = tpu.vector_load %arg8[%get3A_1178, %get3A_1179] {strides = array<i32>} : memref<4x128xi32, #tpu.memory_space<vmem>>, vector<1x16xi32>,
    %get3A_1181 = vector.shape_cast %get3A_1180 : vector<1x16xi32> to vector<16xi32>
    %mul3A_1182 = arith.constant 12 : i32
    %mul3A_1183 = vector.broadcast %mul3A_1182 : i32 to vector<16xi32>
    %mul3A_1184 = arith.muli %get3A_1181, %mul3A_1183 : vector<16xi32>
    %get3A_1185 = arith.constant 3 : i32
    %get3A_1186 = arith.index_cast %get3A_1185 : i32 to index
    %get3A_1187 = arith.constant 112 : index
    %get3A_1188 = tpu.vector_load %arg9[%get3A_1186, %get3A_1187] {strides = array<i32>} : memref<4x128xi32, #tpu.memory_space<vmem>>, vector<1x16xi32>,
    %get3A_1189 = vector.shape_cast %get3A_1188 : vector<1x16xi32> to vector<16xi32>
    %add3A_1190 = arith.addi %mul3A_1184, %get3A_1189 : vector<16xi32>
    %mul3A_1191 = arith.constant 64 : i32
    %mul3A_1192 = vector.broadcast %mul3A_1191 : i32 to vector<16xi32>
    %mul3A_1193 = arith.muli %add3A_1190, %mul3A_1192 : vector<16xi32>
    %get3A_1194 = arith.constant 3 : i32
    %get3A_1195 = arith.index_cast %get3A_1194 : i32 to index
    %get3A_1196 = arith.constant 112 : index
    %get3A_1197 = tpu.vector_load %arg10[%get3A_1195, %get3A_1196] {strides = array<i32>} : memref<4x128xi32, #tpu.memory_space<vmem>>, vector<1x16xi32>,
    %get3A_1198 = vector.shape_cast %get3A_1197 : vector<1x16xi32> to vector<16xi32>
    %mul3A_1199 = arith.constant 8 : i32
    %mul3A_1200 = vector.broadcast %mul3A_1199 : i32 to vector<16xi32>
    %mul3A_1201 = arith.muli %get3A_1198, %mul3A_1200 : vector<16xi32>
    %add3A_1202 = arith.addi %mul3A_1193, %mul3A_1201 : vector<16xi32>
    %get3A_1203 = arith.constant 3 : i32
    %get3A_1204 = arith.index_cast %get3A_1203 : i32 to index
    %get3A_1205 = arith.constant 112 : index
    %get3A_1206 = tpu.vector_load %arg11[%get3A_1204, %get3A_1205] {strides = array<i32>} : memref<4x128xi32, #tpu.memory_space<vmem>>, vector<1x16xi32>,
    %get3A_1207 = vector.shape_cast %get3A_1206 : vector<1x16xi32> to vector<16xi32>
    %add3A_1208 = arith.addi %add3A_1202, %get3A_1207 : vector<16xi32>
    %swap3A_1209 = arith.constant 3 : i32
    %swap3A_1210 = arith.index_cast %swap3A_1209 : i32 to index
    %swap3A_1211 = arith.constant 112 : index
    %swap3A_1212 = tpu.vector_load %arg12[%swap3A_1210, %swap3A_1211] {strides = array<i32>} : memref<4x128xi32, #tpu.memory_space<vmem>>, vector<1x16xi32>,
    %swap3A_1213 = vector.shape_cast %swap3A_1212 : vector<1x16xi32> to vector<16xi32>
    %swap3A_1214 = vector.shape_cast %add3A_1208 : vector<16xi32> to vector<1x16xi32>
    tpu.vector_store %arg12[%swap3A_1210, %swap3A_1211], %swap3A_1214 {strides = array<i32>} : memref<4x128xi32, #tpu.memory_space<vmem>>, vector<1x16xi32>,
    %dma_start3A = arith.constant 0 : i32
    %dma_start3A_1215 = arith.constant 0 : i32
    %dma_start3A_1216 = arith.constant 0 : i32
    %dma_start3A_1217 = tpu.memref_slice %arg13[%dma_start3A_1215, %dma_start3A_1216] : memref<512x128xf32, #tpu.memory_space<vmem>> -> memref<128x128xf32, #tpu.memory_space<vmem>>
    %dma_start3A_1218 = arith.constant 0 : i32
    %dma_start3A_1219 = tpu.memref_slice %arg12[%dma_start3A, %dma_start3A_1218] : memref<4x128xi32, #tpu.memory_space<vmem>> -> memref<1x128xi32, #tpu.memory_space<vmem>>
    %dma_start3A_1220 = tpu.memref_squeeze %dma_start3A_1219 : memref<1x128xi32, #tpu.memory_space<vmem>> -> memref<128xi32, #tpu.memory_space<vmem>>
    %dma_start3A_1221 = arith.constant 0 : i32
    %dma_start3A_1222 = arith.constant 0 : i32
    %dma_start3A_1223 = tpu.memref_slice %arg6[%dma_start3A_1221, %dma_start3A_1222] : memref<5376x128xf32, #tpu.memory_space<hbm>> -> memref<5376x128xf32, #tpu.memory_space<hbm>>
    tpu.enqueue_indirect_dma source(%dma_start3A_1223 : memref<5376x128xf32, #tpu.memory_space<hbm>>) target(%dma_start3A_1217 : memref<128x128xf32, #tpu.memory_space<vmem>>) offsets(%dma_start3A_1220 : memref<128xi32, #tpu.memory_space<vmem>>) semaphore(%arg14 : memref<!tpu.dma_semaphore, #tpu.memory_space<semaphore_mem>>)
    %dma_start3A_1224 = arith.constant 1 : i32
    %dma_start3A_1225 = arith.constant 128 : i32
    %dma_start3A_1226 = arith.constant 0 : i32
    %dma_start3A_1227 = tpu.memref_slice %arg13[%dma_start3A_1225, %dma_start3A_1226] : memref<512x128xf32, #tpu.memory_space<vmem>> -> memref<128x128xf32, #tpu.memory_space<vmem>>
    %dma_start3A_1228 = arith.constant 0 : i32
    %dma_start3A_1229 = tpu.memref_slice %arg12[%dma_start3A_1224, %dma_start3A_1228] : memref<4x128xi32, #tpu.memory_space<vmem>> -> memref<1x128xi32, #tpu.memory_space<vmem>>
    %dma_start3A_1230 = tpu.memref_squeeze %dma_start3A_1229 : memref<1x128xi32, #tpu.memory_space<vmem>> -> memref<128xi32, #tpu.memory_space<vmem>>
    %dma_start3A_1231 = arith.constant 0 : i32
    %dma_start3A_1232 = arith.constant 0 : i32
    %dma_start3A_1233 = tpu.memref_slice %arg6[%dma_start3A_1231, %dma_start3A_1232] : memref<5376x128xf32, #tpu.memory_space<hbm>> -> memref<5376x128xf32, #tpu.memory_space<hbm>>
    tpu.enqueue_indirect_dma source(%dma_start3A_1233 : memref<5376x128xf32, #tpu.memory_space<hbm>>) target(%dma_start3A_1227 : memref<128x128xf32, #tpu.memory_space<vmem>>) offsets(%dma_start3A_1230 : memref<128xi32, #tpu.memory_space<vmem>>) semaphore(%arg14 : memref<!tpu.dma_semaphore, #tpu.memory_space<semaphore_mem>>)
    %dma_start3A_1234 = arith.constant 2 : i32
    %dma_start3A_1235 = arith.constant 256 : i32
    %dma_start3A_1236 = arith.constant 0 : i32
    %dma_start3A_1237 = tpu.memref_slice %arg13[%dma_start3A_1235, %dma_start3A_1236] : memref<512x128xf32, #tpu.memory_space<vmem>> -> memref<128x128xf32, #tpu.memory_space<vmem>>
    %dma_start3A_1238 = arith.constant 0 : i32
    %dma_start3A_1239 = tpu.memref_slice %arg12[%dma_start3A_1234, %dma_start3A_1238] : memref<4x128xi32, #tpu.memory_space<vmem>> -> memref<1x128xi32, #tpu.memory_space<vmem>>
    %dma_start3A_1240 = tpu.memref_squeeze %dma_start3A_1239 : memref<1x128xi32, #tpu.memory_space<vmem>> -> memref<128xi32, #tpu.memory_space<vmem>>
    %dma_start3A_1241 = arith.constant 0 : i32
    %dma_start3A_1242 = arith.constant 0 : i32
    %dma_start3A_1243 = tpu.memref_slice %arg6[%dma_start3A_1241, %dma_start3A_1242] : memref<5376x128xf32, #tpu.memory_space<hbm>> -> memref<5376x128xf32, #tpu.memory_space<hbm>>
    tpu.enqueue_indirect_dma source(%dma_start3A_1243 : memref<5376x128xf32, #tpu.memory_space<hbm>>) target(%dma_start3A_1237 : memref<128x128xf32, #tpu.memory_space<vmem>>) offsets(%dma_start3A_1240 : memref<128xi32, #tpu.memory_space<vmem>>) semaphore(%arg14 : memref<!tpu.dma_semaphore, #tpu.memory_space<semaphore_mem>>)
    %dma_start3A_1244 = arith.constant 3 : i32
    %dma_start3A_1245 = arith.constant 384 : i32
    %dma_start3A_1246 = arith.constant 0 : i32
    %dma_start3A_1247 = tpu.memref_slice %arg13[%dma_start3A_1245, %dma_start3A_1246] : memref<512x128xf32, #tpu.memory_space<vmem>> -> memref<128x128xf32, #tpu.memory_space<vmem>>
    %dma_start3A_1248 = arith.constant 0 : i32
    %dma_start3A_1249 = tpu.memref_slice %arg12[%dma_start3A_1244, %dma_start3A_1248] : memref<4x128xi32, #tpu.memory_space<vmem>> -> memref<1x128xi32, #tpu.memory_space<vmem>>
    %dma_start3A_1250 = tpu.memref_squeeze %dma_start3A_1249 : memref<1x128xi32, #tpu.memory_space<vmem>> -> memref<128xi32, #tpu.memory_space<vmem>>
    %dma_start3A_1251 = arith.constant 0 : i32
    %dma_start3A_1252 = arith.constant 0 : i32
    %dma_start3A_1253 = tpu.memref_slice %arg6[%dma_start3A_1251, %dma_start3A_1252] : memref<5376x128xf32, #tpu.memory_space<hbm>> -> memref<5376x128xf32, #tpu.memory_space<hbm>>
    tpu.enqueue_indirect_dma source(%dma_start3A_1253 : memref<5376x128xf32, #tpu.memory_space<hbm>>) target(%dma_start3A_1247 : memref<128x128xf32, #tpu.memory_space<vmem>>) offsets(%dma_start3A_1250 : memref<128xi32, #tpu.memory_space<vmem>>) semaphore(%arg14 : memref<!tpu.dma_semaphore, #tpu.memory_space<semaphore_mem>>)
    %dma_wait3A = arith.constant 0 : i32
    %dma_wait3A_1254 = arith.constant 0 : i32
    %dma_wait3A_1255 = arith.constant 0 : i32
    %dma_wait3A_1256 = tpu.memref_slice %arg13[%dma_wait3A_1254, %dma_wait3A_1255] : memref<512x128xf32, #tpu.memory_space<vmem>> -> memref<128x128xf32, #tpu.memory_space<vmem>>
    %dma_wait3A_1257 = arith.constant 0 : i32
    %dma_wait3A_1258 = tpu.memref_slice %arg12[%dma_wait3A, %dma_wait3A_1257] : memref<4x128xi32, #tpu.memory_space<vmem>> -> memref<1x128xi32, #tpu.memory_space<vmem>>
    %dma_wait3A_1259 = tpu.memref_squeeze %dma_wait3A_1258 : memref<1x128xi32, #tpu.memory_space<vmem>> -> memref<128xi32, #tpu.memory_space<vmem>>
    %dma_wait3A_1260 = arith.constant 0 : i32
    %dma_wait3A_1261 = arith.constant 0 : i32
    %dma_wait3A_1262 = tpu.memref_slice %arg6[%dma_wait3A_1260, %dma_wait3A_1261] : memref<5376x128xf32, #tpu.memory_space<hbm>> -> memref<5376x128xf32, #tpu.memory_space<hbm>>
    tpu.wait_indirect_dma semaphore(%arg14 : memref<!tpu.dma_semaphore, #tpu.memory_space<semaphore_mem>>) src(%dma_wait3A_1262 : memref<5376x128xf32, #tpu.memory_space<hbm>>) dst(%dma_wait3A_1256 : memref<128x128xf32, #tpu.memory_space<vmem>>)
    %dma_wait3A_1263 = arith.constant 1 : i32
    %dma_wait3A_1264 = arith.constant 128 : i32
    %dma_wait3A_1265 = arith.constant 0 : i32
    %dma_wait3A_1266 = tpu.memref_slice %arg13[%dma_wait3A_1264, %dma_wait3A_1265] : memref<512x128xf32, #tpu.memory_space<vmem>> -> memref<128x128xf32, #tpu.memory_space<vmem>>
    %dma_wait3A_1267 = arith.constant 0 : i32
    %dma_wait3A_1268 = tpu.memref_slice %arg12[%dma_wait3A_1263, %dma_wait3A_1267] : memref<4x128xi32, #tpu.memory_space<vmem>> -> memref<1x128xi32, #tpu.memory_space<vmem>>
    %dma_wait3A_1269 = tpu.memref_squeeze %dma_wait3A_1268 : memref<1x128xi32, #tpu.memory_space<vmem>> -> memref<128xi32, #tpu.memory_space<vmem>>
    %dma_wait3A_1270 = arith.constant 0 : i32
    %dma_wait3A_1271 = arith.constant 0 : i32
    %dma_wait3A_1272 = tpu.memref_slice %arg6[%dma_wait3A_1270, %dma_wait3A_1271] : memref<5376x128xf32, #tpu.memory_space<hbm>> -> memref<5376x128xf32, #tpu.memory_space<hbm>>
    tpu.wait_indirect_dma semaphore(%arg14 : memref<!tpu.dma_semaphore, #tpu.memory_space<semaphore_mem>>) src(%dma_wait3A_1272 : memref<5376x128xf32, #tpu.memory_space<hbm>>) dst(%dma_wait3A_1266 : memref<128x128xf32, #tpu.memory_space<vmem>>)
    %dma_wait3A_1273 = arith.constant 2 : i32
    %dma_wait3A_1274 = arith.constant 256 : i32
    %dma_wait3A_1275 = arith.constant 0 : i32
    %dma_wait3A_1276 = tpu.memref_slice %arg13[%dma_wait3A_1274, %dma_wait3A_1275] : memref<512x128xf32, #tpu.memory_space<vmem>> -> memref<128x128xf32, #tpu.memory_space<vmem>>
    %dma_wait3A_1277 = arith.constant 0 : i32
    %dma_wait3A_1278 = tpu.memref_slice %arg12[%dma_wait3A_1273, %dma_wait3A_1277] : memref<4x128xi32, #tpu.memory_space<vmem>> -> memref<1x128xi32, #tpu.memory_space<vmem>>
    %dma_wait3A_1279 = tpu.memref_squeeze %dma_wait3A_1278 : memref<1x128xi32, #tpu.memory_space<vmem>> -> memref<128xi32, #tpu.memory_space<vmem>>
    %dma_wait3A_1280 = arith.constant 0 : i32
    %dma_wait3A_1281 = arith.constant 0 : i32
    %dma_wait3A_1282 = tpu.memref_slice %arg6[%dma_wait3A_1280, %dma_wait3A_1281] : memref<5376x128xf32, #tpu.memory_space<hbm>> -> memref<5376x128xf32, #tpu.memory_space<hbm>>
    tpu.wait_indirect_dma semaphore(%arg14 : memref<!tpu.dma_semaphore, #tpu.memory_space<semaphore_mem>>) src(%dma_wait3A_1282 : memref<5376x128xf32, #tpu.memory_space<hbm>>) dst(%dma_wait3A_1276 : memref<128x128xf32, #tpu.memory_space<vmem>>)
    %dma_wait3A_1283 = arith.constant 3 : i32
    %dma_wait3A_1284 = arith.constant 384 : i32
    %dma_wait3A_1285 = arith.constant 0 : i32
    %dma_wait3A_1286 = tpu.memref_slice %arg13[%dma_wait3A_1284, %dma_wait3A_1285] : memref<512x128xf32, #tpu.memory_space<vmem>> -> memref<128x128xf32, #tpu.memory_space<vmem>>
    %dma_wait3A_1287 = arith.constant 0 : i32
    %dma_wait3A_1288 = tpu.memref_slice %arg12[%dma_wait3A_1283, %dma_wait3A_1287] : memref<4x128xi32, #tpu.memory_space<vmem>> -> memref<1x128xi32, #tpu.memory_space<vmem>>
    %dma_wait3A_1289 = tpu.memref_squeeze %dma_wait3A_1288 : memref<1x128xi32, #tpu.memory_space<vmem>> -> memref<128xi32, #tpu.memory_space<vmem>>
    %dma_wait3A_1290 = arith.constant 0 : i32
    %dma_wait3A_1291 = arith.constant 0 : i32
    %dma_wait3A_1292 = tpu.memref_slice %arg6[%dma_wait3A_1290, %dma_wait3A_1291] : memref<5376x128xf32, #tpu.memory_space<hbm>> -> memref<5376x128xf32, #tpu.memory_space<hbm>>
    tpu.wait_indirect_dma semaphore(%arg14 : memref<!tpu.dma_semaphore, #tpu.memory_space<semaphore_mem>>) src(%dma_wait3A_1292 : memref<5376x128xf32, #tpu.memory_space<hbm>>) dst(%dma_wait3A_1286 : memref<128x128xf32, #tpu.memory_space<vmem>>)
    %mul3A_1293 = arith.constant 512 : i32
    %mul3A_1294 = arith.muli %add3A, %mul3A_1293 : i32
    "tpu.region"() ({
      %run_scoped3A = tpu.sem_alloc : memref<!tpu.dma_semaphore, #tpu.memory_space<semaphore_mem>>
      %dma_start3A_1295 = arith.constant 0 : i32
      %dma_start3A_1296 = tpu.memref_slice %arg7[%mul3A_1294, %dma_start3A_1295] : memref<16384x128xf32, #tpu.memory_space<hbm>> -> memref<512x128xf32, #tpu.memory_space<hbm>>
      %dma_start3A_1297 = arith.constant 0 : i32
      %dma_start3A_1298 = tpu.memref_slice %arg7[%mul3A_1294, %dma_start3A_1297] : memref<16384x128xf32, #tpu.memory_space<hbm>> -> memref<512x128xf32, #tpu.memory_space<hbm>>
      tpu.enqueue_dma source(%arg13 : memref<512x128xf32, #tpu.memory_space<vmem>>) target(%dma_start3A_1298 : memref<512x128xf32, #tpu.memory_space<hbm>>) target_semaphore(%run_scoped3A : memref<!tpu.dma_semaphore, #tpu.memory_space<semaphore_mem>>)
      %dma_wait3A_1299 = arith.constant 0 : i32
      %dma_wait3A_1300 = tpu.memref_slice %arg7[%mul3A_1294, %dma_wait3A_1299] : memref<16384x128xf32, #tpu.memory_space<hbm>> -> memref<512x128xf32, #tpu.memory_space<hbm>>
      %dma_wait3A_1301 = arith.constant 0 : i32
      %dma_wait3A_1302 = tpu.memref_slice %arg7[%mul3A_1294, %dma_wait3A_1301] : memref<16384x128xf32, #tpu.memory_space<hbm>> -> memref<512x128xf32, #tpu.memory_space<hbm>>
      tpu.wait_dma2 semaphore(%run_scoped3A : memref<!tpu.dma_semaphore, #tpu.memory_space<semaphore_mem>>) src(%arg13 : memref<512x128xf32, #tpu.memory_space<vmem>>) dst(%dma_wait3A_1302 : memref<512x128xf32, #tpu.memory_space<hbm>>)
      tpu.yield
    }) : () -> ()
    return
  }
}

module attributes {stable_mosaic.version = 14 : i64} {
  func.func @_table_body(%arg0: memref<16x128xbf16, #tpu.memory_space<vmem>>, %arg1: memref<16x128xbf16, #tpu.memory_space<vmem>>, %arg2: memref<5376x128xf32, #tpu.memory_space<vmem>>) attributes {dimension_semantics = [], scalar_prefetch = 0 : i64, scratch_operands = 0 : i64, tpu.core_type = #tpu.core_type<tc>} {
    %iota3A = tpu.iota {dimensions = array<i32: 0>} : vector<84x1xi32>
    %jit3A = arith.constant 12 : i32
    %div3A = vector.broadcast %jit3A : i32 to vector<84x1xi32>
    %div3A_0 = arith.divsi %iota3A, %div3A : vector<84x1xi32>
    %sign3A = arith.constant 0 : i32
    %sign3A_1 = vector.broadcast %sign3A : i32 to vector<84x1xi32>
    %sign3A_2 = arith.cmpi sgt, %iota3A, %sign3A_1 : vector<84x1xi32>
    %sign3A_3 = arith.extui %sign3A_2 : vector<84x1xi1> to vector<84x1xi32>
    %sign3A_4 = arith.constant 0 : i32
    %sign3A_5 = vector.broadcast %sign3A_4 : i32 to vector<84x1xi32>
    %sign3A_6 = arith.cmpi slt, %iota3A, %sign3A_5 : vector<84x1xi32>
    %sign3A_7 = arith.extui %sign3A_6 : vector<84x1xi1> to vector<84x1xi32>
    %sign3A_8 = arith.subi %sign3A_3, %sign3A_7 : vector<84x1xi32>
    %sign3A_9 = arith.constant 0 : i32
    %sign3A_10 = arith.cmpi sgt, %jit3A, %sign3A_9 : i32
    %sign3A_11 = arith.extui %sign3A_10 : i1 to i32
    %sign3A_12 = arith.constant 0 : i32
    %sign3A_13 = arith.cmpi slt, %jit3A, %sign3A_12 : i32
    %sign3A_14 = arith.extui %sign3A_13 : i1 to i32
    %sign3A_15 = arith.subi %sign3A_11, %sign3A_14 : i32
    %ne3A = vector.broadcast %sign3A_15 : i32 to vector<84x1xi32>
    %ne3A_16 = arith.cmpi ne, %sign3A_8, %ne3A : vector<84x1xi32>
    %rem3A = vector.broadcast %jit3A : i32 to vector<84x1xi32>
    %rem3A_17 = arith.remsi %iota3A, %rem3A : vector<84x1xi32>
    %ne3A_18 = arith.constant 0 : i32
    %ne3A_19 = vector.broadcast %ne3A_18 : i32 to vector<84x1xi32>
    %ne3A_20 = arith.cmpi ne, %rem3A_17, %ne3A_19 : vector<84x1xi32>
    %and3A = arith.andi %ne3A_16, %ne3A_20 : vector<84x1xi1>
    %sub3A = arith.constant 1 : i32
    %sub3A_21 = vector.broadcast %sub3A : i32 to vector<84x1xi32>
    %sub3A_22 = arith.subi %div3A_0, %sub3A_21 : vector<84x1xi32>
    %select_n3A = arith.select %and3A, %sub3A_22, %div3A_0 : vector<84x1xi1>, vector<84x1xi32>
    %mul3A = arith.constant 12 : i32
    %mul3A_23 = vector.broadcast %mul3A : i32 to vector<84x1xi32>
    %mul3A_24 = arith.muli %select_n3A, %mul3A_23 : vector<84x1xi32>
    %sub3A_25 = arith.subi %iota3A, %mul3A_24 : vector<84x1xi32>
    %iota3A_26 = tpu.iota {dimensions = array<i32: 1>} : vector<1x16xi32>
    %eq3A = vector.broadcast %select_n3A : vector<84x1xi32> to vector<84x16xi32>
    %eq3A_27 = vector.broadcast %iota3A_26 : vector<1x16xi32> to vector<84x16xi32>
    %eq3A_28 = arith.cmpi eq, %eq3A, %eq3A_27 : vector<84x16xi32>
    %convert_element_type3A = arith.extui %eq3A_28 : vector<84x16xi1> to vector<84x16xi32>
    %convert_element_type3A_29 = arith.sitofp %convert_element_type3A : vector<84x16xi32> to vector<84x16xf32>
    %convert_element_type3A_30 = arith.truncf %convert_element_type3A_29 : vector<84x16xf32> to vector<84x16xbf16>
    %eq3A_31 = vector.broadcast %sub3A_25 : vector<84x1xi32> to vector<84x16xi32>
    %eq3A_32 = vector.broadcast %iota3A_26 : vector<1x16xi32> to vector<84x16xi32>
    %eq3A_33 = arith.cmpi eq, %eq3A_31, %eq3A_32 : vector<84x16xi32>
    %convert_element_type3A_34 = arith.extui %eq3A_33 : vector<84x16xi1> to vector<84x16xi32>
    %convert_element_type3A_35 = arith.sitofp %convert_element_type3A_34 : vector<84x16xi32> to vector<84x16xf32>
    %convert_element_type3A_36 = arith.truncf %convert_element_type3A_35 : vector<84x16xf32> to vector<84x16xbf16>
    %get3A = arith.constant 0 : index
    %get3A_37 = arith.constant 0 : index
    %get3A_38 = vector.load %arg0[%get3A, %get3A_37] : memref<16x128xbf16, #tpu.memory_space<vmem>>, vector<16x128xbf16>
    %dot_general3A = arith.constant dense<0.000000e+00> : vector<84x128xf32>
    %dot_general3A_39 = tpu.matmul %convert_element_type3A_30, %get3A_38, %dot_general3A {dimension_numbers = #tpu.dot_dimension_numbers<[1], [0], [0], [1], [0, 0, 1, 1], [], []>, transpose_lhs_hint = false} : vector<84x16xbf16>, vector<16x128xbf16>, vector<84x128xf32> -> vector<84x128xf32>
    %get3A_40 = arith.constant 0 : index
    %get3A_41 = arith.constant 0 : index
    %get3A_42 = vector.load %arg1[%get3A_40, %get3A_41] : memref<16x128xbf16, #tpu.memory_space<vmem>>, vector<16x128xbf16>
    %dot_general3A_43 = arith.constant dense<0.000000e+00> : vector<84x128xf32>
    %dot_general3A_44 = tpu.matmul %convert_element_type3A_36, %get3A_42, %dot_general3A_43 {dimension_numbers = #tpu.dot_dimension_numbers<[1], [0], [0], [1], [0, 0, 1, 1], [], []>, transpose_lhs_hint = false} : vector<84x16xbf16>, vector<16x128xbf16>, vector<84x128xf32> -> vector<84x128xf32>
    %add3A = arith.addf %dot_general3A_39, %dot_general3A_44 : vector<84x128xf32>
    %iota3A_45 = tpu.iota {dimensions = array<i32: 0>} : vector<64x1xi32>
    %shift_right_arithmetic3A = arith.constant 3 : i32
    %shift_right_arithmetic3A_46 = vector.broadcast %shift_right_arithmetic3A : i32 to vector<64x1xi32>
    %shift_right_arithmetic3A_47 = arith.shrsi %iota3A_45, %shift_right_arithmetic3A_46 : vector<64x1xi32>
    %convert_element_type3A_48 = arith.sitofp %shift_right_arithmetic3A_47 : vector<64x1xi32> to vector<64x1xf32>
    %and3A_49 = arith.constant 7 : i32
    %and3A_50 = vector.broadcast %and3A_49 : i32 to vector<64x1xi32>
    %and3A_51 = arith.andi %iota3A_45, %and3A_50 : vector<64x1xi32>
    %convert_element_type3A_52 = arith.sitofp %and3A_51 : vector<64x1xi32> to vector<64x1xf32>
    %iota3A_53 = tpu.iota {dimensions = array<i32: 1>} : vector<64x128xi32>
    %eq3A_54 = arith.constant 32 : i32
    %eq3A_55 = vector.broadcast %eq3A_54 : i32 to vector<64x128xi32>
    %eq3A_56 = arith.cmpi eq, %iota3A_53, %eq3A_55 : vector<64x128xi32>
    %jit3A_57 = arith.constant 0.000000e+00 : f32
    %broadcast_in_dim3A = vector.shape_cast %convert_element_type3A_48 : vector<64x1xf32> to vector<64x1xf32>
    %broadcast_in_dim3A_58 = vector.broadcast %broadcast_in_dim3A : vector<64x1xf32> to vector<64x128xf32>
    %broadcast_in_dim3A_59 = vector.broadcast %jit3A_57 : f32 to vector<64x128xf32>
    %select_n3A_60 = arith.select %eq3A_56, %broadcast_in_dim3A_58, %broadcast_in_dim3A_59 : vector<64x128xi1>, vector<64x128xf32>
    %eq3A_61 = arith.constant 33 : i32
    %eq3A_62 = vector.broadcast %eq3A_61 : i32 to vector<64x128xi32>
    %eq3A_63 = arith.cmpi eq, %iota3A_53, %eq3A_62 : vector<64x128xi32>
    %jit3A_64 = arith.constant 0.000000e+00 : f32
    %broadcast_in_dim3A_65 = vector.shape_cast %convert_element_type3A_52 : vector<64x1xf32> to vector<64x1xf32>
    %broadcast_in_dim3A_66 = vector.broadcast %broadcast_in_dim3A_65 : vector<64x1xf32> to vector<64x128xf32>
    %broadcast_in_dim3A_67 = vector.broadcast %jit3A_64 : f32 to vector<64x128xf32>
    %select_n3A_68 = arith.select %eq3A_63, %broadcast_in_dim3A_66, %broadcast_in_dim3A_67 : vector<64x128xi1>, vector<64x128xf32>
    %add3A_69 = arith.addf %select_n3A_60, %select_n3A_68 : vector<64x128xf32>
    %eq3A_70 = arith.constant 34 : i32
    %eq3A_71 = vector.broadcast %eq3A_70 : i32 to vector<64x128xi32>
    %eq3A_72 = arith.cmpi eq, %iota3A_53, %eq3A_71 : vector<64x128xi32>
    %jit3A_73 = arith.constant 1.000000e+00 : f32
    %jit3A_74 = arith.constant 0.000000e+00 : f32
    %broadcast_in_dim3A_75 = vector.broadcast %jit3A_73 : f32 to vector<64x128xf32>
    %broadcast_in_dim3A_76 = vector.broadcast %jit3A_74 : f32 to vector<64x128xf32>
    %select_n3A_77 = arith.select %eq3A_72, %broadcast_in_dim3A_75, %broadcast_in_dim3A_76 : vector<64x128xi1>, vector<64x128xf32>
    %add3A_78 = arith.addf %add3A_69, %select_n3A_77 : vector<64x128xf32>
    %slice3A = vector.extract_strided_slice %add3A {offsets = [0, 0], sizes = [1, 128], strides = [1, 1]} : vector<84x128xf32> to vector<1x128xf32>
    %add3A_79 = vector.broadcast %slice3A : vector<1x128xf32> to vector<64x128xf32>
    %add3A_80 = arith.addf %add3A_79, %add3A_78 : vector<64x128xf32>
    %swap3A = arith.constant 0 : index
    %swap3A_81 = arith.constant 0 : index
    %swap3A_82 = vector.load %arg2[%swap3A, %swap3A_81] : memref<5376x128xf32, #tpu.memory_space<vmem>>, vector<64x128xf32>
    tpu.vector_store %arg2[%swap3A, %swap3A_81], %add3A_80 {strides = array<i32>} : memref<5376x128xf32, #tpu.memory_space<vmem>>, vector<64x128xf32>,
    %slice3A_83 = vector.extract_strided_slice %add3A {offsets = [1, 0], sizes = [1, 128], strides = [1, 1]} : vector<84x128xf32> to vector<1x128xf32>
    %add3A_84 = vector.broadcast %slice3A_83 : vector<1x128xf32> to vector<64x128xf32>
    %add3A_85 = arith.addf %add3A_84, %add3A_78 : vector<64x128xf32>
    %swap3A_86 = arith.constant 64 : index
    %swap3A_87 = arith.constant 0 : index
    %swap3A_88 = vector.load %arg2[%swap3A_86, %swap3A_87] : memref<5376x128xf32, #tpu.memory_space<vmem>>, vector<64x128xf32>
    tpu.vector_store %arg2[%swap3A_86, %swap3A_87], %add3A_85 {strides = array<i32>} : memref<5376x128xf32, #tpu.memory_space<vmem>>, vector<64x128xf32>,
    %slice3A_89 = vector.extract_strided_slice %add3A {offsets = [2, 0], sizes = [1, 128], strides = [1, 1]} : vector<84x128xf32> to vector<1x128xf32>
    %add3A_90 = vector.broadcast %slice3A_89 : vector<1x128xf32> to vector<64x128xf32>
    %add3A_91 = arith.addf %add3A_90, %add3A_78 : vector<64x128xf32>
    %swap3A_92 = arith.constant 128 : index
    %swap3A_93 = arith.constant 0 : index
    %swap3A_94 = vector.load %arg2[%swap3A_92, %swap3A_93] : memref<5376x128xf32, #tpu.memory_space<vmem>>, vector<64x128xf32>
    tpu.vector_store %arg2[%swap3A_92, %swap3A_93], %add3A_91 {strides = array<i32>} : memref<5376x128xf32, #tpu.memory_space<vmem>>, vector<64x128xf32>,
    %slice3A_95 = vector.extract_strided_slice %add3A {offsets = [3, 0], sizes = [1, 128], strides = [1, 1]} : vector<84x128xf32> to vector<1x128xf32>
    %add3A_96 = vector.broadcast %slice3A_95 : vector<1x128xf32> to vector<64x128xf32>
    %add3A_97 = arith.addf %add3A_96, %add3A_78 : vector<64x128xf32>
    %swap3A_98 = arith.constant 192 : index
    %swap3A_99 = arith.constant 0 : index
    %swap3A_100 = vector.load %arg2[%swap3A_98, %swap3A_99] : memref<5376x128xf32, #tpu.memory_space<vmem>>, vector<64x128xf32>
    tpu.vector_store %arg2[%swap3A_98, %swap3A_99], %add3A_97 {strides = array<i32>} : memref<5376x128xf32, #tpu.memory_space<vmem>>, vector<64x128xf32>,
    %slice3A_101 = vector.extract_strided_slice %add3A {offsets = [4, 0], sizes = [1, 128], strides = [1, 1]} : vector<84x128xf32> to vector<1x128xf32>
    %add3A_102 = vector.broadcast %slice3A_101 : vector<1x128xf32> to vector<64x128xf32>
    %add3A_103 = arith.addf %add3A_102, %add3A_78 : vector<64x128xf32>
    %swap3A_104 = arith.constant 256 : index
    %swap3A_105 = arith.constant 0 : index
    %swap3A_106 = vector.load %arg2[%swap3A_104, %swap3A_105] : memref<5376x128xf32, #tpu.memory_space<vmem>>, vector<64x128xf32>
    tpu.vector_store %arg2[%swap3A_104, %swap3A_105], %add3A_103 {strides = array<i32>} : memref<5376x128xf32, #tpu.memory_space<vmem>>, vector<64x128xf32>,
    %slice3A_107 = vector.extract_strided_slice %add3A {offsets = [5, 0], sizes = [1, 128], strides = [1, 1]} : vector<84x128xf32> to vector<1x128xf32>
    %add3A_108 = vector.broadcast %slice3A_107 : vector<1x128xf32> to vector<64x128xf32>
    %add3A_109 = arith.addf %add3A_108, %add3A_78 : vector<64x128xf32>
    %swap3A_110 = arith.constant 320 : index
    %swap3A_111 = arith.constant 0 : index
    %swap3A_112 = vector.load %arg2[%swap3A_110, %swap3A_111] : memref<5376x128xf32, #tpu.memory_space<vmem>>, vector<64x128xf32>
    tpu.vector_store %arg2[%swap3A_110, %swap3A_111], %add3A_109 {strides = array<i32>} : memref<5376x128xf32, #tpu.memory_space<vmem>>, vector<64x128xf32>,
    %slice3A_113 = vector.extract_strided_slice %add3A {offsets = [6, 0], sizes = [1, 128], strides = [1, 1]} : vector<84x128xf32> to vector<1x128xf32>
    %add3A_114 = vector.broadcast %slice3A_113 : vector<1x128xf32> to vector<64x128xf32>
    %add3A_115 = arith.addf %add3A_114, %add3A_78 : vector<64x128xf32>
    %swap3A_116 = arith.constant 384 : index
    %swap3A_117 = arith.constant 0 : index
    %swap3A_118 = vector.load %arg2[%swap3A_116, %swap3A_117] : memref<5376x128xf32, #tpu.memory_space<vmem>>, vector<64x128xf32>
    tpu.vector_store %arg2[%swap3A_116, %swap3A_117], %add3A_115 {strides = array<i32>} : memref<5376x128xf32, #tpu.memory_space<vmem>>, vector<64x128xf32>,
    %slice3A_119 = vector.extract_strided_slice %add3A {offsets = [7, 0], sizes = [1, 128], strides = [1, 1]} : vector<84x128xf32> to vector<1x128xf32>
    %add3A_120 = vector.broadcast %slice3A_119 : vector<1x128xf32> to vector<64x128xf32>
    %add3A_121 = arith.addf %add3A_120, %add3A_78 : vector<64x128xf32>
    %swap3A_122 = arith.constant 448 : index
    %swap3A_123 = arith.constant 0 : index
    %swap3A_124 = vector.load %arg2[%swap3A_122, %swap3A_123] : memref<5376x128xf32, #tpu.memory_space<vmem>>, vector<64x128xf32>
    tpu.vector_store %arg2[%swap3A_122, %swap3A_123], %add3A_121 {strides = array<i32>} : memref<5376x128xf32, #tpu.memory_space<vmem>>, vector<64x128xf32>,
    %slice3A_125 = vector.extract_strided_slice %add3A {offsets = [8, 0], sizes = [1, 128], strides = [1, 1]} : vector<84x128xf32> to vector<1x128xf32>
    %add3A_126 = vector.broadcast %slice3A_125 : vector<1x128xf32> to vector<64x128xf32>
    %add3A_127 = arith.addf %add3A_126, %add3A_78 : vector<64x128xf32>
    %swap3A_128 = arith.constant 512 : index
    %swap3A_129 = arith.constant 0 : index
    %swap3A_130 = vector.load %arg2[%swap3A_128, %swap3A_129] : memref<5376x128xf32, #tpu.memory_space<vmem>>, vector<64x128xf32>
    tpu.vector_store %arg2[%swap3A_128, %swap3A_129], %add3A_127 {strides = array<i32>} : memref<5376x128xf32, #tpu.memory_space<vmem>>, vector<64x128xf32>,
    %slice3A_131 = vector.extract_strided_slice %add3A {offsets = [9, 0], sizes = [1, 128], strides = [1, 1]} : vector<84x128xf32> to vector<1x128xf32>
    %add3A_132 = vector.broadcast %slice3A_131 : vector<1x128xf32> to vector<64x128xf32>
    %add3A_133 = arith.addf %add3A_132, %add3A_78 : vector<64x128xf32>
    %swap3A_134 = arith.constant 576 : index
    %swap3A_135 = arith.constant 0 : index
    %swap3A_136 = vector.load %arg2[%swap3A_134, %swap3A_135] : memref<5376x128xf32, #tpu.memory_space<vmem>>, vector<64x128xf32>
    tpu.vector_store %arg2[%swap3A_134, %swap3A_135], %add3A_133 {strides = array<i32>} : memref<5376x128xf32, #tpu.memory_space<vmem>>, vector<64x128xf32>,
    %slice3A_137 = vector.extract_strided_slice %add3A {offsets = [10, 0], sizes = [1, 128], strides = [1, 1]} : vector<84x128xf32> to vector<1x128xf32>
    %add3A_138 = vector.broadcast %slice3A_137 : vector<1x128xf32> to vector<64x128xf32>
    %add3A_139 = arith.addf %add3A_138, %add3A_78 : vector<64x128xf32>
    %swap3A_140 = arith.constant 640 : index
    %swap3A_141 = arith.constant 0 : index
    %swap3A_142 = vector.load %arg2[%swap3A_140, %swap3A_141] : memref<5376x128xf32, #tpu.memory_space<vmem>>, vector<64x128xf32>
    tpu.vector_store %arg2[%swap3A_140, %swap3A_141], %add3A_139 {strides = array<i32>} : memref<5376x128xf32, #tpu.memory_space<vmem>>, vector<64x128xf32>,
    %slice3A_143 = vector.extract_strided_slice %add3A {offsets = [11, 0], sizes = [1, 128], strides = [1, 1]} : vector<84x128xf32> to vector<1x128xf32>
    %add3A_144 = vector.broadcast %slice3A_143 : vector<1x128xf32> to vector<64x128xf32>
    %add3A_145 = arith.addf %add3A_144, %add3A_78 : vector<64x128xf32>
    %swap3A_146 = arith.constant 704 : index
    %swap3A_147 = arith.constant 0 : index
    %swap3A_148 = vector.load %arg2[%swap3A_146, %swap3A_147] : memref<5376x128xf32, #tpu.memory_space<vmem>>, vector<64x128xf32>
    tpu.vector_store %arg2[%swap3A_146, %swap3A_147], %add3A_145 {strides = array<i32>} : memref<5376x128xf32, #tpu.memory_space<vmem>>, vector<64x128xf32>,
    %slice3A_149 = vector.extract_strided_slice %add3A {offsets = [12, 0], sizes = [1, 128], strides = [1, 1]} : vector<84x128xf32> to vector<1x128xf32>
    %add3A_150 = vector.broadcast %slice3A_149 : vector<1x128xf32> to vector<64x128xf32>
    %add3A_151 = arith.addf %add3A_150, %add3A_78 : vector<64x128xf32>
    %swap3A_152 = arith.constant 768 : index
    %swap3A_153 = arith.constant 0 : index
    %swap3A_154 = vector.load %arg2[%swap3A_152, %swap3A_153] : memref<5376x128xf32, #tpu.memory_space<vmem>>, vector<64x128xf32>
    tpu.vector_store %arg2[%swap3A_152, %swap3A_153], %add3A_151 {strides = array<i32>} : memref<5376x128xf32, #tpu.memory_space<vmem>>, vector<64x128xf32>,
    %slice3A_155 = vector.extract_strided_slice %add3A {offsets = [13, 0], sizes = [1, 128], strides = [1, 1]} : vector<84x128xf32> to vector<1x128xf32>
    %add3A_156 = vector.broadcast %slice3A_155 : vector<1x128xf32> to vector<64x128xf32>
    %add3A_157 = arith.addf %add3A_156, %add3A_78 : vector<64x128xf32>
    %swap3A_158 = arith.constant 832 : index
    %swap3A_159 = arith.constant 0 : index
    %swap3A_160 = vector.load %arg2[%swap3A_158, %swap3A_159] : memref<5376x128xf32, #tpu.memory_space<vmem>>, vector<64x128xf32>
    tpu.vector_store %arg2[%swap3A_158, %swap3A_159], %add3A_157 {strides = array<i32>} : memref<5376x128xf32, #tpu.memory_space<vmem>>, vector<64x128xf32>,
    %slice3A_161 = vector.extract_strided_slice %add3A {offsets = [14, 0], sizes = [1, 128], strides = [1, 1]} : vector<84x128xf32> to vector<1x128xf32>
    %add3A_162 = vector.broadcast %slice3A_161 : vector<1x128xf32> to vector<64x128xf32>
    %add3A_163 = arith.addf %add3A_162, %add3A_78 : vector<64x128xf32>
    %swap3A_164 = arith.constant 896 : index
    %swap3A_165 = arith.constant 0 : index
    %swap3A_166 = vector.load %arg2[%swap3A_164, %swap3A_165] : memref<5376x128xf32, #tpu.memory_space<vmem>>, vector<64x128xf32>
    tpu.vector_store %arg2[%swap3A_164, %swap3A_165], %add3A_163 {strides = array<i32>} : memref<5376x128xf32, #tpu.memory_space<vmem>>, vector<64x128xf32>,
    %slice3A_167 = vector.extract_strided_slice %add3A {offsets = [15, 0], sizes = [1, 128], strides = [1, 1]} : vector<84x128xf32> to vector<1x128xf32>
    %add3A_168 = vector.broadcast %slice3A_167 : vector<1x128xf32> to vector<64x128xf32>
    %add3A_169 = arith.addf %add3A_168, %add3A_78 : vector<64x128xf32>
    %swap3A_170 = arith.constant 960 : index
    %swap3A_171 = arith.constant 0 : index
    %swap3A_172 = vector.load %arg2[%swap3A_170, %swap3A_171] : memref<5376x128xf32, #tpu.memory_space<vmem>>, vector<64x128xf32>
    tpu.vector_store %arg2[%swap3A_170, %swap3A_171], %add3A_169 {strides = array<i32>} : memref<5376x128xf32, #tpu.memory_space<vmem>>, vector<64x128xf32>,
    %slice3A_173 = vector.extract_strided_slice %add3A {offsets = [16, 0], sizes = [1, 128], strides = [1, 1]} : vector<84x128xf32> to vector<1x128xf32>
    %add3A_174 = vector.broadcast %slice3A_173 : vector<1x128xf32> to vector<64x128xf32>
    %add3A_175 = arith.addf %add3A_174, %add3A_78 : vector<64x128xf32>
    %swap3A_176 = arith.constant 1024 : index
    %swap3A_177 = arith.constant 0 : index
    %swap3A_178 = vector.load %arg2[%swap3A_176, %swap3A_177] : memref<5376x128xf32, #tpu.memory_space<vmem>>, vector<64x128xf32>
    tpu.vector_store %arg2[%swap3A_176, %swap3A_177], %add3A_175 {strides = array<i32>} : memref<5376x128xf32, #tpu.memory_space<vmem>>, vector<64x128xf32>,
    %slice3A_179 = vector.extract_strided_slice %add3A {offsets = [17, 0], sizes = [1, 128], strides = [1, 1]} : vector<84x128xf32> to vector<1x128xf32>
    %add3A_180 = vector.broadcast %slice3A_179 : vector<1x128xf32> to vector<64x128xf32>
    %add3A_181 = arith.addf %add3A_180, %add3A_78 : vector<64x128xf32>
    %swap3A_182 = arith.constant 1088 : index
    %swap3A_183 = arith.constant 0 : index
    %swap3A_184 = vector.load %arg2[%swap3A_182, %swap3A_183] : memref<5376x128xf32, #tpu.memory_space<vmem>>, vector<64x128xf32>
    tpu.vector_store %arg2[%swap3A_182, %swap3A_183], %add3A_181 {strides = array<i32>} : memref<5376x128xf32, #tpu.memory_space<vmem>>, vector<64x128xf32>,
    %slice3A_185 = vector.extract_strided_slice %add3A {offsets = [18, 0], sizes = [1, 128], strides = [1, 1]} : vector<84x128xf32> to vector<1x128xf32>
    %add3A_186 = vector.broadcast %slice3A_185 : vector<1x128xf32> to vector<64x128xf32>
    %add3A_187 = arith.addf %add3A_186, %add3A_78 : vector<64x128xf32>
    %swap3A_188 = arith.constant 1152 : index
    %swap3A_189 = arith.constant 0 : index
    %swap3A_190 = vector.load %arg2[%swap3A_188, %swap3A_189] : memref<5376x128xf32, #tpu.memory_space<vmem>>, vector<64x128xf32>
    tpu.vector_store %arg2[%swap3A_188, %swap3A_189], %add3A_187 {strides = array<i32>} : memref<5376x128xf32, #tpu.memory_space<vmem>>, vector<64x128xf32>,
    %slice3A_191 = vector.extract_strided_slice %add3A {offsets = [19, 0], sizes = [1, 128], strides = [1, 1]} : vector<84x128xf32> to vector<1x128xf32>
    %add3A_192 = vector.broadcast %slice3A_191 : vector<1x128xf32> to vector<64x128xf32>
    %add3A_193 = arith.addf %add3A_192, %add3A_78 : vector<64x128xf32>
    %swap3A_194 = arith.constant 1216 : index
    %swap3A_195 = arith.constant 0 : index
    %swap3A_196 = vector.load %arg2[%swap3A_194, %swap3A_195] : memref<5376x128xf32, #tpu.memory_space<vmem>>, vector<64x128xf32>
    tpu.vector_store %arg2[%swap3A_194, %swap3A_195], %add3A_193 {strides = array<i32>} : memref<5376x128xf32, #tpu.memory_space<vmem>>, vector<64x128xf32>,
    %slice3A_197 = vector.extract_strided_slice %add3A {offsets = [20, 0], sizes = [1, 128], strides = [1, 1]} : vector<84x128xf32> to vector<1x128xf32>
    %add3A_198 = vector.broadcast %slice3A_197 : vector<1x128xf32> to vector<64x128xf32>
    %add3A_199 = arith.addf %add3A_198, %add3A_78 : vector<64x128xf32>
    %swap3A_200 = arith.constant 1280 : index
    %swap3A_201 = arith.constant 0 : index
    %swap3A_202 = vector.load %arg2[%swap3A_200, %swap3A_201] : memref<5376x128xf32, #tpu.memory_space<vmem>>, vector<64x128xf32>
    tpu.vector_store %arg2[%swap3A_200, %swap3A_201], %add3A_199 {strides = array<i32>} : memref<5376x128xf32, #tpu.memory_space<vmem>>, vector<64x128xf32>,
    %slice3A_203 = vector.extract_strided_slice %add3A {offsets = [21, 0], sizes = [1, 128], strides = [1, 1]} : vector<84x128xf32> to vector<1x128xf32>
    %add3A_204 = vector.broadcast %slice3A_203 : vector<1x128xf32> to vector<64x128xf32>
    %add3A_205 = arith.addf %add3A_204, %add3A_78 : vector<64x128xf32>
    %swap3A_206 = arith.constant 1344 : index
    %swap3A_207 = arith.constant 0 : index
    %swap3A_208 = vector.load %arg2[%swap3A_206, %swap3A_207] : memref<5376x128xf32, #tpu.memory_space<vmem>>, vector<64x128xf32>
    tpu.vector_store %arg2[%swap3A_206, %swap3A_207], %add3A_205 {strides = array<i32>} : memref<5376x128xf32, #tpu.memory_space<vmem>>, vector<64x128xf32>,
    %slice3A_209 = vector.extract_strided_slice %add3A {offsets = [22, 0], sizes = [1, 128], strides = [1, 1]} : vector<84x128xf32> to vector<1x128xf32>
    %add3A_210 = vector.broadcast %slice3A_209 : vector<1x128xf32> to vector<64x128xf32>
    %add3A_211 = arith.addf %add3A_210, %add3A_78 : vector<64x128xf32>
    %swap3A_212 = arith.constant 1408 : index
    %swap3A_213 = arith.constant 0 : index
    %swap3A_214 = vector.load %arg2[%swap3A_212, %swap3A_213] : memref<5376x128xf32, #tpu.memory_space<vmem>>, vector<64x128xf32>
    tpu.vector_store %arg2[%swap3A_212, %swap3A_213], %add3A_211 {strides = array<i32>} : memref<5376x128xf32, #tpu.memory_space<vmem>>, vector<64x128xf32>,
    %slice3A_215 = vector.extract_strided_slice %add3A {offsets = [23, 0], sizes = [1, 128], strides = [1, 1]} : vector<84x128xf32> to vector<1x128xf32>
    %add3A_216 = vector.broadcast %slice3A_215 : vector<1x128xf32> to vector<64x128xf32>
    %add3A_217 = arith.addf %add3A_216, %add3A_78 : vector<64x128xf32>
    %swap3A_218 = arith.constant 1472 : index
    %swap3A_219 = arith.constant 0 : index
    %swap3A_220 = vector.load %arg2[%swap3A_218, %swap3A_219] : memref<5376x128xf32, #tpu.memory_space<vmem>>, vector<64x128xf32>
    tpu.vector_store %arg2[%swap3A_218, %swap3A_219], %add3A_217 {strides = array<i32>} : memref<5376x128xf32, #tpu.memory_space<vmem>>, vector<64x128xf32>,
    %slice3A_221 = vector.extract_strided_slice %add3A {offsets = [24, 0], sizes = [1, 128], strides = [1, 1]} : vector<84x128xf32> to vector<1x128xf32>
    %add3A_222 = vector.broadcast %slice3A_221 : vector<1x128xf32> to vector<64x128xf32>
    %add3A_223 = arith.addf %add3A_222, %add3A_78 : vector<64x128xf32>
    %swap3A_224 = arith.constant 1536 : index
    %swap3A_225 = arith.constant 0 : index
    %swap3A_226 = vector.load %arg2[%swap3A_224, %swap3A_225] : memref<5376x128xf32, #tpu.memory_space<vmem>>, vector<64x128xf32>
    tpu.vector_store %arg2[%swap3A_224, %swap3A_225], %add3A_223 {strides = array<i32>} : memref<5376x128xf32, #tpu.memory_space<vmem>>, vector<64x128xf32>,
    %slice3A_227 = vector.extract_strided_slice %add3A {offsets = [25, 0], sizes = [1, 128], strides = [1, 1]} : vector<84x128xf32> to vector<1x128xf32>
    %add3A_228 = vector.broadcast %slice3A_227 : vector<1x128xf32> to vector<64x128xf32>
    %add3A_229 = arith.addf %add3A_228, %add3A_78 : vector<64x128xf32>
    %swap3A_230 = arith.constant 1600 : index
    %swap3A_231 = arith.constant 0 : index
    %swap3A_232 = vector.load %arg2[%swap3A_230, %swap3A_231] : memref<5376x128xf32, #tpu.memory_space<vmem>>, vector<64x128xf32>
    tpu.vector_store %arg2[%swap3A_230, %swap3A_231], %add3A_229 {strides = array<i32>} : memref<5376x128xf32, #tpu.memory_space<vmem>>, vector<64x128xf32>,
    %slice3A_233 = vector.extract_strided_slice %add3A {offsets = [26, 0], sizes = [1, 128], strides = [1, 1]} : vector<84x128xf32> to vector<1x128xf32>
    %add3A_234 = vector.broadcast %slice3A_233 : vector<1x128xf32> to vector<64x128xf32>
    %add3A_235 = arith.addf %add3A_234, %add3A_78 : vector<64x128xf32>
    %swap3A_236 = arith.constant 1664 : index
    %swap3A_237 = arith.constant 0 : index
    %swap3A_238 = vector.load %arg2[%swap3A_236, %swap3A_237] : memref<5376x128xf32, #tpu.memory_space<vmem>>, vector<64x128xf32>
    tpu.vector_store %arg2[%swap3A_236, %swap3A_237], %add3A_235 {strides = array<i32>} : memref<5376x128xf32, #tpu.memory_space<vmem>>, vector<64x128xf32>,
    %slice3A_239 = vector.extract_strided_slice %add3A {offsets = [27, 0], sizes = [1, 128], strides = [1, 1]} : vector<84x128xf32> to vector<1x128xf32>
    %add3A_240 = vector.broadcast %slice3A_239 : vector<1x128xf32> to vector<64x128xf32>
    %add3A_241 = arith.addf %add3A_240, %add3A_78 : vector<64x128xf32>
    %swap3A_242 = arith.constant 1728 : index
    %swap3A_243 = arith.constant 0 : index
    %swap3A_244 = vector.load %arg2[%swap3A_242, %swap3A_243] : memref<5376x128xf32, #tpu.memory_space<vmem>>, vector<64x128xf32>
    tpu.vector_store %arg2[%swap3A_242, %swap3A_243], %add3A_241 {strides = array<i32>} : memref<5376x128xf32, #tpu.memory_space<vmem>>, vector<64x128xf32>,
    %slice3A_245 = vector.extract_strided_slice %add3A {offsets = [28, 0], sizes = [1, 128], strides = [1, 1]} : vector<84x128xf32> to vector<1x128xf32>
    %add3A_246 = vector.broadcast %slice3A_245 : vector<1x128xf32> to vector<64x128xf32>
    %add3A_247 = arith.addf %add3A_246, %add3A_78 : vector<64x128xf32>
    %swap3A_248 = arith.constant 1792 : index
    %swap3A_249 = arith.constant 0 : index
    %swap3A_250 = vector.load %arg2[%swap3A_248, %swap3A_249] : memref<5376x128xf32, #tpu.memory_space<vmem>>, vector<64x128xf32>
    tpu.vector_store %arg2[%swap3A_248, %swap3A_249], %add3A_247 {strides = array<i32>} : memref<5376x128xf32, #tpu.memory_space<vmem>>, vector<64x128xf32>,
    %slice3A_251 = vector.extract_strided_slice %add3A {offsets = [29, 0], sizes = [1, 128], strides = [1, 1]} : vector<84x128xf32> to vector<1x128xf32>
    %add3A_252 = vector.broadcast %slice3A_251 : vector<1x128xf32> to vector<64x128xf32>
    %add3A_253 = arith.addf %add3A_252, %add3A_78 : vector<64x128xf32>
    %swap3A_254 = arith.constant 1856 : index
    %swap3A_255 = arith.constant 0 : index
    %swap3A_256 = vector.load %arg2[%swap3A_254, %swap3A_255] : memref<5376x128xf32, #tpu.memory_space<vmem>>, vector<64x128xf32>
    tpu.vector_store %arg2[%swap3A_254, %swap3A_255], %add3A_253 {strides = array<i32>} : memref<5376x128xf32, #tpu.memory_space<vmem>>, vector<64x128xf32>,
    %slice3A_257 = vector.extract_strided_slice %add3A {offsets = [30, 0], sizes = [1, 128], strides = [1, 1]} : vector<84x128xf32> to vector<1x128xf32>
    %add3A_258 = vector.broadcast %slice3A_257 : vector<1x128xf32> to vector<64x128xf32>
    %add3A_259 = arith.addf %add3A_258, %add3A_78 : vector<64x128xf32>
    %swap3A_260 = arith.constant 1920 : index
    %swap3A_261 = arith.constant 0 : index
    %swap3A_262 = vector.load %arg2[%swap3A_260, %swap3A_261] : memref<5376x128xf32, #tpu.memory_space<vmem>>, vector<64x128xf32>
    tpu.vector_store %arg2[%swap3A_260, %swap3A_261], %add3A_259 {strides = array<i32>} : memref<5376x128xf32, #tpu.memory_space<vmem>>, vector<64x128xf32>,
    %slice3A_263 = vector.extract_strided_slice %add3A {offsets = [31, 0], sizes = [1, 128], strides = [1, 1]} : vector<84x128xf32> to vector<1x128xf32>
    %add3A_264 = vector.broadcast %slice3A_263 : vector<1x128xf32> to vector<64x128xf32>
    %add3A_265 = arith.addf %add3A_264, %add3A_78 : vector<64x128xf32>
    %swap3A_266 = arith.constant 1984 : index
    %swap3A_267 = arith.constant 0 : index
    %swap3A_268 = vector.load %arg2[%swap3A_266, %swap3A_267] : memref<5376x128xf32, #tpu.memory_space<vmem>>, vector<64x128xf32>
    tpu.vector_store %arg2[%swap3A_266, %swap3A_267], %add3A_265 {strides = array<i32>} : memref<5376x128xf32, #tpu.memory_space<vmem>>, vector<64x128xf32>,
    %slice3A_269 = vector.extract_strided_slice %add3A {offsets = [32, 0], sizes = [1, 128], strides = [1, 1]} : vector<84x128xf32> to vector<1x128xf32>
    %add3A_270 = vector.broadcast %slice3A_269 : vector<1x128xf32> to vector<64x128xf32>
    %add3A_271 = arith.addf %add3A_270, %add3A_78 : vector<64x128xf32>
    %swap3A_272 = arith.constant 2048 : index
    %swap3A_273 = arith.constant 0 : index
    %swap3A_274 = vector.load %arg2[%swap3A_272, %swap3A_273] : memref<5376x128xf32, #tpu.memory_space<vmem>>, vector<64x128xf32>
    tpu.vector_store %arg2[%swap3A_272, %swap3A_273], %add3A_271 {strides = array<i32>} : memref<5376x128xf32, #tpu.memory_space<vmem>>, vector<64x128xf32>,
    %slice3A_275 = vector.extract_strided_slice %add3A {offsets = [33, 0], sizes = [1, 128], strides = [1, 1]} : vector<84x128xf32> to vector<1x128xf32>
    %add3A_276 = vector.broadcast %slice3A_275 : vector<1x128xf32> to vector<64x128xf32>
    %add3A_277 = arith.addf %add3A_276, %add3A_78 : vector<64x128xf32>
    %swap3A_278 = arith.constant 2112 : index
    %swap3A_279 = arith.constant 0 : index
    %swap3A_280 = vector.load %arg2[%swap3A_278, %swap3A_279] : memref<5376x128xf32, #tpu.memory_space<vmem>>, vector<64x128xf32>
    tpu.vector_store %arg2[%swap3A_278, %swap3A_279], %add3A_277 {strides = array<i32>} : memref<5376x128xf32, #tpu.memory_space<vmem>>, vector<64x128xf32>,
    %slice3A_281 = vector.extract_strided_slice %add3A {offsets = [34, 0], sizes = [1, 128], strides = [1, 1]} : vector<84x128xf32> to vector<1x128xf32>
    %add3A_282 = vector.broadcast %slice3A_281 : vector<1x128xf32> to vector<64x128xf32>
    %add3A_283 = arith.addf %add3A_282, %add3A_78 : vector<64x128xf32>
    %swap3A_284 = arith.constant 2176 : index
    %swap3A_285 = arith.constant 0 : index
    %swap3A_286 = vector.load %arg2[%swap3A_284, %swap3A_285] : memref<5376x128xf32, #tpu.memory_space<vmem>>, vector<64x128xf32>
    tpu.vector_store %arg2[%swap3A_284, %swap3A_285], %add3A_283 {strides = array<i32>} : memref<5376x128xf32, #tpu.memory_space<vmem>>, vector<64x128xf32>,
    %slice3A_287 = vector.extract_strided_slice %add3A {offsets = [35, 0], sizes = [1, 128], strides = [1, 1]} : vector<84x128xf32> to vector<1x128xf32>
    %add3A_288 = vector.broadcast %slice3A_287 : vector<1x128xf32> to vector<64x128xf32>
    %add3A_289 = arith.addf %add3A_288, %add3A_78 : vector<64x128xf32>
    %swap3A_290 = arith.constant 2240 : index
    %swap3A_291 = arith.constant 0 : index
    %swap3A_292 = vector.load %arg2[%swap3A_290, %swap3A_291] : memref<5376x128xf32, #tpu.memory_space<vmem>>, vector<64x128xf32>
    tpu.vector_store %arg2[%swap3A_290, %swap3A_291], %add3A_289 {strides = array<i32>} : memref<5376x128xf32, #tpu.memory_space<vmem>>, vector<64x128xf32>,
    %slice3A_293 = vector.extract_strided_slice %add3A {offsets = [36, 0], sizes = [1, 128], strides = [1, 1]} : vector<84x128xf32> to vector<1x128xf32>
    %add3A_294 = vector.broadcast %slice3A_293 : vector<1x128xf32> to vector<64x128xf32>
    %add3A_295 = arith.addf %add3A_294, %add3A_78 : vector<64x128xf32>
    %swap3A_296 = arith.constant 2304 : index
    %swap3A_297 = arith.constant 0 : index
    %swap3A_298 = vector.load %arg2[%swap3A_296, %swap3A_297] : memref<5376x128xf32, #tpu.memory_space<vmem>>, vector<64x128xf32>
    tpu.vector_store %arg2[%swap3A_296, %swap3A_297], %add3A_295 {strides = array<i32>} : memref<5376x128xf32, #tpu.memory_space<vmem>>, vector<64x128xf32>,
    %slice3A_299 = vector.extract_strided_slice %add3A {offsets = [37, 0], sizes = [1, 128], strides = [1, 1]} : vector<84x128xf32> to vector<1x128xf32>
    %add3A_300 = vector.broadcast %slice3A_299 : vector<1x128xf32> to vector<64x128xf32>
    %add3A_301 = arith.addf %add3A_300, %add3A_78 : vector<64x128xf32>
    %swap3A_302 = arith.constant 2368 : index
    %swap3A_303 = arith.constant 0 : index
    %swap3A_304 = vector.load %arg2[%swap3A_302, %swap3A_303] : memref<5376x128xf32, #tpu.memory_space<vmem>>, vector<64x128xf32>
    tpu.vector_store %arg2[%swap3A_302, %swap3A_303], %add3A_301 {strides = array<i32>} : memref<5376x128xf32, #tpu.memory_space<vmem>>, vector<64x128xf32>,
    %slice3A_305 = vector.extract_strided_slice %add3A {offsets = [38, 0], sizes = [1, 128], strides = [1, 1]} : vector<84x128xf32> to vector<1x128xf32>
    %add3A_306 = vector.broadcast %slice3A_305 : vector<1x128xf32> to vector<64x128xf32>
    %add3A_307 = arith.addf %add3A_306, %add3A_78 : vector<64x128xf32>
    %swap3A_308 = arith.constant 2432 : index
    %swap3A_309 = arith.constant 0 : index
    %swap3A_310 = vector.load %arg2[%swap3A_308, %swap3A_309] : memref<5376x128xf32, #tpu.memory_space<vmem>>, vector<64x128xf32>
    tpu.vector_store %arg2[%swap3A_308, %swap3A_309], %add3A_307 {strides = array<i32>} : memref<5376x128xf32, #tpu.memory_space<vmem>>, vector<64x128xf32>,
    %slice3A_311 = vector.extract_strided_slice %add3A {offsets = [39, 0], sizes = [1, 128], strides = [1, 1]} : vector<84x128xf32> to vector<1x128xf32>
    %add3A_312 = vector.broadcast %slice3A_311 : vector<1x128xf32> to vector<64x128xf32>
    %add3A_313 = arith.addf %add3A_312, %add3A_78 : vector<64x128xf32>
    %swap3A_314 = arith.constant 2496 : index
    %swap3A_315 = arith.constant 0 : index
    %swap3A_316 = vector.load %arg2[%swap3A_314, %swap3A_315] : memref<5376x128xf32, #tpu.memory_space<vmem>>, vector<64x128xf32>
    tpu.vector_store %arg2[%swap3A_314, %swap3A_315], %add3A_313 {strides = array<i32>} : memref<5376x128xf32, #tpu.memory_space<vmem>>, vector<64x128xf32>,
    %slice3A_317 = vector.extract_strided_slice %add3A {offsets = [40, 0], sizes = [1, 128], strides = [1, 1]} : vector<84x128xf32> to vector<1x128xf32>
    %add3A_318 = vector.broadcast %slice3A_317 : vector<1x128xf32> to vector<64x128xf32>
    %add3A_319 = arith.addf %add3A_318, %add3A_78 : vector<64x128xf32>
    %swap3A_320 = arith.constant 2560 : index
    %swap3A_321 = arith.constant 0 : index
    %swap3A_322 = vector.load %arg2[%swap3A_320, %swap3A_321] : memref<5376x128xf32, #tpu.memory_space<vmem>>, vector<64x128xf32>
    tpu.vector_store %arg2[%swap3A_320, %swap3A_321], %add3A_319 {strides = array<i32>} : memref<5376x128xf32, #tpu.memory_space<vmem>>, vector<64x128xf32>,
    %slice3A_323 = vector.extract_strided_slice %add3A {offsets = [41, 0], sizes = [1, 128], strides = [1, 1]} : vector<84x128xf32> to vector<1x128xf32>
    %add3A_324 = vector.broadcast %slice3A_323 : vector<1x128xf32> to vector<64x128xf32>
    %add3A_325 = arith.addf %add3A_324, %add3A_78 : vector<64x128xf32>
    %swap3A_326 = arith.constant 2624 : index
    %swap3A_327 = arith.constant 0 : index
    %swap3A_328 = vector.load %arg2[%swap3A_326, %swap3A_327] : memref<5376x128xf32, #tpu.memory_space<vmem>>, vector<64x128xf32>
    tpu.vector_store %arg2[%swap3A_326, %swap3A_327], %add3A_325 {strides = array<i32>} : memref<5376x128xf32, #tpu.memory_space<vmem>>, vector<64x128xf32>,
    %slice3A_329 = vector.extract_strided_slice %add3A {offsets = [42, 0], sizes = [1, 128], strides = [1, 1]} : vector<84x128xf32> to vector<1x128xf32>
    %add3A_330 = vector.broadcast %slice3A_329 : vector<1x128xf32> to vector<64x128xf32>
    %add3A_331 = arith.addf %add3A_330, %add3A_78 : vector<64x128xf32>
    %swap3A_332 = arith.constant 2688 : index
    %swap3A_333 = arith.constant 0 : index
    %swap3A_334 = vector.load %arg2[%swap3A_332, %swap3A_333] : memref<5376x128xf32, #tpu.memory_space<vmem>>, vector<64x128xf32>
    tpu.vector_store %arg2[%swap3A_332, %swap3A_333], %add3A_331 {strides = array<i32>} : memref<5376x128xf32, #tpu.memory_space<vmem>>, vector<64x128xf32>,
    %slice3A_335 = vector.extract_strided_slice %add3A {offsets = [43, 0], sizes = [1, 128], strides = [1, 1]} : vector<84x128xf32> to vector<1x128xf32>
    %add3A_336 = vector.broadcast %slice3A_335 : vector<1x128xf32> to vector<64x128xf32>
    %add3A_337 = arith.addf %add3A_336, %add3A_78 : vector<64x128xf32>
    %swap3A_338 = arith.constant 2752 : index
    %swap3A_339 = arith.constant 0 : index
    %swap3A_340 = vector.load %arg2[%swap3A_338, %swap3A_339] : memref<5376x128xf32, #tpu.memory_space<vmem>>, vector<64x128xf32>
    tpu.vector_store %arg2[%swap3A_338, %swap3A_339], %add3A_337 {strides = array<i32>} : memref<5376x128xf32, #tpu.memory_space<vmem>>, vector<64x128xf32>,
    %slice3A_341 = vector.extract_strided_slice %add3A {offsets = [44, 0], sizes = [1, 128], strides = [1, 1]} : vector<84x128xf32> to vector<1x128xf32>
    %add3A_342 = vector.broadcast %slice3A_341 : vector<1x128xf32> to vector<64x128xf32>
    %add3A_343 = arith.addf %add3A_342, %add3A_78 : vector<64x128xf32>
    %swap3A_344 = arith.constant 2816 : index
    %swap3A_345 = arith.constant 0 : index
    %swap3A_346 = vector.load %arg2[%swap3A_344, %swap3A_345] : memref<5376x128xf32, #tpu.memory_space<vmem>>, vector<64x128xf32>
    tpu.vector_store %arg2[%swap3A_344, %swap3A_345], %add3A_343 {strides = array<i32>} : memref<5376x128xf32, #tpu.memory_space<vmem>>, vector<64x128xf32>,
    %slice3A_347 = vector.extract_strided_slice %add3A {offsets = [45, 0], sizes = [1, 128], strides = [1, 1]} : vector<84x128xf32> to vector<1x128xf32>
    %add3A_348 = vector.broadcast %slice3A_347 : vector<1x128xf32> to vector<64x128xf32>
    %add3A_349 = arith.addf %add3A_348, %add3A_78 : vector<64x128xf32>
    %swap3A_350 = arith.constant 2880 : index
    %swap3A_351 = arith.constant 0 : index
    %swap3A_352 = vector.load %arg2[%swap3A_350, %swap3A_351] : memref<5376x128xf32, #tpu.memory_space<vmem>>, vector<64x128xf32>
    tpu.vector_store %arg2[%swap3A_350, %swap3A_351], %add3A_349 {strides = array<i32>} : memref<5376x128xf32, #tpu.memory_space<vmem>>, vector<64x128xf32>,
    %slice3A_353 = vector.extract_strided_slice %add3A {offsets = [46, 0], sizes = [1, 128], strides = [1, 1]} : vector<84x128xf32> to vector<1x128xf32>
    %add3A_354 = vector.broadcast %slice3A_353 : vector<1x128xf32> to vector<64x128xf32>
    %add3A_355 = arith.addf %add3A_354, %add3A_78 : vector<64x128xf32>
    %swap3A_356 = arith.constant 2944 : index
    %swap3A_357 = arith.constant 0 : index
    %swap3A_358 = vector.load %arg2[%swap3A_356, %swap3A_357] : memref<5376x128xf32, #tpu.memory_space<vmem>>, vector<64x128xf32>
    tpu.vector_store %arg2[%swap3A_356, %swap3A_357], %add3A_355 {strides = array<i32>} : memref<5376x128xf32, #tpu.memory_space<vmem>>, vector<64x128xf32>,
    %slice3A_359 = vector.extract_strided_slice %add3A {offsets = [47, 0], sizes = [1, 128], strides = [1, 1]} : vector<84x128xf32> to vector<1x128xf32>
    %add3A_360 = vector.broadcast %slice3A_359 : vector<1x128xf32> to vector<64x128xf32>
    %add3A_361 = arith.addf %add3A_360, %add3A_78 : vector<64x128xf32>
    %swap3A_362 = arith.constant 3008 : index
    %swap3A_363 = arith.constant 0 : index
    %swap3A_364 = vector.load %arg2[%swap3A_362, %swap3A_363] : memref<5376x128xf32, #tpu.memory_space<vmem>>, vector<64x128xf32>
    tpu.vector_store %arg2[%swap3A_362, %swap3A_363], %add3A_361 {strides = array<i32>} : memref<5376x128xf32, #tpu.memory_space<vmem>>, vector<64x128xf32>,
    %slice3A_365 = vector.extract_strided_slice %add3A {offsets = [48, 0], sizes = [1, 128], strides = [1, 1]} : vector<84x128xf32> to vector<1x128xf32>
    %add3A_366 = vector.broadcast %slice3A_365 : vector<1x128xf32> to vector<64x128xf32>
    %add3A_367 = arith.addf %add3A_366, %add3A_78 : vector<64x128xf32>
    %swap3A_368 = arith.constant 3072 : index
    %swap3A_369 = arith.constant 0 : index
    %swap3A_370 = vector.load %arg2[%swap3A_368, %swap3A_369] : memref<5376x128xf32, #tpu.memory_space<vmem>>, vector<64x128xf32>
    tpu.vector_store %arg2[%swap3A_368, %swap3A_369], %add3A_367 {strides = array<i32>} : memref<5376x128xf32, #tpu.memory_space<vmem>>, vector<64x128xf32>,
    %slice3A_371 = vector.extract_strided_slice %add3A {offsets = [49, 0], sizes = [1, 128], strides = [1, 1]} : vector<84x128xf32> to vector<1x128xf32>
    %add3A_372 = vector.broadcast %slice3A_371 : vector<1x128xf32> to vector<64x128xf32>
    %add3A_373 = arith.addf %add3A_372, %add3A_78 : vector<64x128xf32>
    %swap3A_374 = arith.constant 3136 : index
    %swap3A_375 = arith.constant 0 : index
    %swap3A_376 = vector.load %arg2[%swap3A_374, %swap3A_375] : memref<5376x128xf32, #tpu.memory_space<vmem>>, vector<64x128xf32>
    tpu.vector_store %arg2[%swap3A_374, %swap3A_375], %add3A_373 {strides = array<i32>} : memref<5376x128xf32, #tpu.memory_space<vmem>>, vector<64x128xf32>,
    %slice3A_377 = vector.extract_strided_slice %add3A {offsets = [50, 0], sizes = [1, 128], strides = [1, 1]} : vector<84x128xf32> to vector<1x128xf32>
    %add3A_378 = vector.broadcast %slice3A_377 : vector<1x128xf32> to vector<64x128xf32>
    %add3A_379 = arith.addf %add3A_378, %add3A_78 : vector<64x128xf32>
    %swap3A_380 = arith.constant 3200 : index
    %swap3A_381 = arith.constant 0 : index
    %swap3A_382 = vector.load %arg2[%swap3A_380, %swap3A_381] : memref<5376x128xf32, #tpu.memory_space<vmem>>, vector<64x128xf32>
    tpu.vector_store %arg2[%swap3A_380, %swap3A_381], %add3A_379 {strides = array<i32>} : memref<5376x128xf32, #tpu.memory_space<vmem>>, vector<64x128xf32>,
    %slice3A_383 = vector.extract_strided_slice %add3A {offsets = [51, 0], sizes = [1, 128], strides = [1, 1]} : vector<84x128xf32> to vector<1x128xf32>
    %add3A_384 = vector.broadcast %slice3A_383 : vector<1x128xf32> to vector<64x128xf32>
    %add3A_385 = arith.addf %add3A_384, %add3A_78 : vector<64x128xf32>
    %swap3A_386 = arith.constant 3264 : index
    %swap3A_387 = arith.constant 0 : index
    %swap3A_388 = vector.load %arg2[%swap3A_386, %swap3A_387] : memref<5376x128xf32, #tpu.memory_space<vmem>>, vector<64x128xf32>
    tpu.vector_store %arg2[%swap3A_386, %swap3A_387], %add3A_385 {strides = array<i32>} : memref<5376x128xf32, #tpu.memory_space<vmem>>, vector<64x128xf32>,
    %slice3A_389 = vector.extract_strided_slice %add3A {offsets = [52, 0], sizes = [1, 128], strides = [1, 1]} : vector<84x128xf32> to vector<1x128xf32>
    %add3A_390 = vector.broadcast %slice3A_389 : vector<1x128xf32> to vector<64x128xf32>
    %add3A_391 = arith.addf %add3A_390, %add3A_78 : vector<64x128xf32>
    %swap3A_392 = arith.constant 3328 : index
    %swap3A_393 = arith.constant 0 : index
    %swap3A_394 = vector.load %arg2[%swap3A_392, %swap3A_393] : memref<5376x128xf32, #tpu.memory_space<vmem>>, vector<64x128xf32>
    tpu.vector_store %arg2[%swap3A_392, %swap3A_393], %add3A_391 {strides = array<i32>} : memref<5376x128xf32, #tpu.memory_space<vmem>>, vector<64x128xf32>,
    %slice3A_395 = vector.extract_strided_slice %add3A {offsets = [53, 0], sizes = [1, 128], strides = [1, 1]} : vector<84x128xf32> to vector<1x128xf32>
    %add3A_396 = vector.broadcast %slice3A_395 : vector<1x128xf32> to vector<64x128xf32>
    %add3A_397 = arith.addf %add3A_396, %add3A_78 : vector<64x128xf32>
    %swap3A_398 = arith.constant 3392 : index
    %swap3A_399 = arith.constant 0 : index
    %swap3A_400 = vector.load %arg2[%swap3A_398, %swap3A_399] : memref<5376x128xf32, #tpu.memory_space<vmem>>, vector<64x128xf32>
    tpu.vector_store %arg2[%swap3A_398, %swap3A_399], %add3A_397 {strides = array<i32>} : memref<5376x128xf32, #tpu.memory_space<vmem>>, vector<64x128xf32>,
    %slice3A_401 = vector.extract_strided_slice %add3A {offsets = [54, 0], sizes = [1, 128], strides = [1, 1]} : vector<84x128xf32> to vector<1x128xf32>
    %add3A_402 = vector.broadcast %slice3A_401 : vector<1x128xf32> to vector<64x128xf32>
    %add3A_403 = arith.addf %add3A_402, %add3A_78 : vector<64x128xf32>
    %swap3A_404 = arith.constant 3456 : index
    %swap3A_405 = arith.constant 0 : index
    %swap3A_406 = vector.load %arg2[%swap3A_404, %swap3A_405] : memref<5376x128xf32, #tpu.memory_space<vmem>>, vector<64x128xf32>
    tpu.vector_store %arg2[%swap3A_404, %swap3A_405], %add3A_403 {strides = array<i32>} : memref<5376x128xf32, #tpu.memory_space<vmem>>, vector<64x128xf32>,
    %slice3A_407 = vector.extract_strided_slice %add3A {offsets = [55, 0], sizes = [1, 128], strides = [1, 1]} : vector<84x128xf32> to vector<1x128xf32>
    %add3A_408 = vector.broadcast %slice3A_407 : vector<1x128xf32> to vector<64x128xf32>
    %add3A_409 = arith.addf %add3A_408, %add3A_78 : vector<64x128xf32>
    %swap3A_410 = arith.constant 3520 : index
    %swap3A_411 = arith.constant 0 : index
    %swap3A_412 = vector.load %arg2[%swap3A_410, %swap3A_411] : memref<5376x128xf32, #tpu.memory_space<vmem>>, vector<64x128xf32>
    tpu.vector_store %arg2[%swap3A_410, %swap3A_411], %add3A_409 {strides = array<i32>} : memref<5376x128xf32, #tpu.memory_space<vmem>>, vector<64x128xf32>,
    %slice3A_413 = vector.extract_strided_slice %add3A {offsets = [56, 0], sizes = [1, 128], strides = [1, 1]} : vector<84x128xf32> to vector<1x128xf32>
    %add3A_414 = vector.broadcast %slice3A_413 : vector<1x128xf32> to vector<64x128xf32>
    %add3A_415 = arith.addf %add3A_414, %add3A_78 : vector<64x128xf32>
    %swap3A_416 = arith.constant 3584 : index
    %swap3A_417 = arith.constant 0 : index
    %swap3A_418 = vector.load %arg2[%swap3A_416, %swap3A_417] : memref<5376x128xf32, #tpu.memory_space<vmem>>, vector<64x128xf32>
    tpu.vector_store %arg2[%swap3A_416, %swap3A_417], %add3A_415 {strides = array<i32>} : memref<5376x128xf32, #tpu.memory_space<vmem>>, vector<64x128xf32>,
    %slice3A_419 = vector.extract_strided_slice %add3A {offsets = [57, 0], sizes = [1, 128], strides = [1, 1]} : vector<84x128xf32> to vector<1x128xf32>
    %add3A_420 = vector.broadcast %slice3A_419 : vector<1x128xf32> to vector<64x128xf32>
    %add3A_421 = arith.addf %add3A_420, %add3A_78 : vector<64x128xf32>
    %swap3A_422 = arith.constant 3648 : index
    %swap3A_423 = arith.constant 0 : index
    %swap3A_424 = vector.load %arg2[%swap3A_422, %swap3A_423] : memref<5376x128xf32, #tpu.memory_space<vmem>>, vector<64x128xf32>
    tpu.vector_store %arg2[%swap3A_422, %swap3A_423], %add3A_421 {strides = array<i32>} : memref<5376x128xf32, #tpu.memory_space<vmem>>, vector<64x128xf32>,
    %slice3A_425 = vector.extract_strided_slice %add3A {offsets = [58, 0], sizes = [1, 128], strides = [1, 1]} : vector<84x128xf32> to vector<1x128xf32>
    %add3A_426 = vector.broadcast %slice3A_425 : vector<1x128xf32> to vector<64x128xf32>
    %add3A_427 = arith.addf %add3A_426, %add3A_78 : vector<64x128xf32>
    %swap3A_428 = arith.constant 3712 : index
    %swap3A_429 = arith.constant 0 : index
    %swap3A_430 = vector.load %arg2[%swap3A_428, %swap3A_429] : memref<5376x128xf32, #tpu.memory_space<vmem>>, vector<64x128xf32>
    tpu.vector_store %arg2[%swap3A_428, %swap3A_429], %add3A_427 {strides = array<i32>} : memref<5376x128xf32, #tpu.memory_space<vmem>>, vector<64x128xf32>,
    %slice3A_431 = vector.extract_strided_slice %add3A {offsets = [59, 0], sizes = [1, 128], strides = [1, 1]} : vector<84x128xf32> to vector<1x128xf32>
    %add3A_432 = vector.broadcast %slice3A_431 : vector<1x128xf32> to vector<64x128xf32>
    %add3A_433 = arith.addf %add3A_432, %add3A_78 : vector<64x128xf32>
    %swap3A_434 = arith.constant 3776 : index
    %swap3A_435 = arith.constant 0 : index
    %swap3A_436 = vector.load %arg2[%swap3A_434, %swap3A_435] : memref<5376x128xf32, #tpu.memory_space<vmem>>, vector<64x128xf32>
    tpu.vector_store %arg2[%swap3A_434, %swap3A_435], %add3A_433 {strides = array<i32>} : memref<5376x128xf32, #tpu.memory_space<vmem>>, vector<64x128xf32>,
    %slice3A_437 = vector.extract_strided_slice %add3A {offsets = [60, 0], sizes = [1, 128], strides = [1, 1]} : vector<84x128xf32> to vector<1x128xf32>
    %add3A_438 = vector.broadcast %slice3A_437 : vector<1x128xf32> to vector<64x128xf32>
    %add3A_439 = arith.addf %add3A_438, %add3A_78 : vector<64x128xf32>
    %swap3A_440 = arith.constant 3840 : index
    %swap3A_441 = arith.constant 0 : index
    %swap3A_442 = vector.load %arg2[%swap3A_440, %swap3A_441] : memref<5376x128xf32, #tpu.memory_space<vmem>>, vector<64x128xf32>
    tpu.vector_store %arg2[%swap3A_440, %swap3A_441], %add3A_439 {strides = array<i32>} : memref<5376x128xf32, #tpu.memory_space<vmem>>, vector<64x128xf32>,
    %slice3A_443 = vector.extract_strided_slice %add3A {offsets = [61, 0], sizes = [1, 128], strides = [1, 1]} : vector<84x128xf32> to vector<1x128xf32>
    %add3A_444 = vector.broadcast %slice3A_443 : vector<1x128xf32> to vector<64x128xf32>
    %add3A_445 = arith.addf %add3A_444, %add3A_78 : vector<64x128xf32>
    %swap3A_446 = arith.constant 3904 : index
    %swap3A_447 = arith.constant 0 : index
    %swap3A_448 = vector.load %arg2[%swap3A_446, %swap3A_447] : memref<5376x128xf32, #tpu.memory_space<vmem>>, vector<64x128xf32>
    tpu.vector_store %arg2[%swap3A_446, %swap3A_447], %add3A_445 {strides = array<i32>} : memref<5376x128xf32, #tpu.memory_space<vmem>>, vector<64x128xf32>,
    %slice3A_449 = vector.extract_strided_slice %add3A {offsets = [62, 0], sizes = [1, 128], strides = [1, 1]} : vector<84x128xf32> to vector<1x128xf32>
    %add3A_450 = vector.broadcast %slice3A_449 : vector<1x128xf32> to vector<64x128xf32>
    %add3A_451 = arith.addf %add3A_450, %add3A_78 : vector<64x128xf32>
    %swap3A_452 = arith.constant 3968 : index
    %swap3A_453 = arith.constant 0 : index
    %swap3A_454 = vector.load %arg2[%swap3A_452, %swap3A_453] : memref<5376x128xf32, #tpu.memory_space<vmem>>, vector<64x128xf32>
    tpu.vector_store %arg2[%swap3A_452, %swap3A_453], %add3A_451 {strides = array<i32>} : memref<5376x128xf32, #tpu.memory_space<vmem>>, vector<64x128xf32>,
    %slice3A_455 = vector.extract_strided_slice %add3A {offsets = [63, 0], sizes = [1, 128], strides = [1, 1]} : vector<84x128xf32> to vector<1x128xf32>
    %add3A_456 = vector.broadcast %slice3A_455 : vector<1x128xf32> to vector<64x128xf32>
    %add3A_457 = arith.addf %add3A_456, %add3A_78 : vector<64x128xf32>
    %swap3A_458 = arith.constant 4032 : index
    %swap3A_459 = arith.constant 0 : index
    %swap3A_460 = vector.load %arg2[%swap3A_458, %swap3A_459] : memref<5376x128xf32, #tpu.memory_space<vmem>>, vector<64x128xf32>
    tpu.vector_store %arg2[%swap3A_458, %swap3A_459], %add3A_457 {strides = array<i32>} : memref<5376x128xf32, #tpu.memory_space<vmem>>, vector<64x128xf32>,
    %slice3A_461 = vector.extract_strided_slice %add3A {offsets = [64, 0], sizes = [1, 128], strides = [1, 1]} : vector<84x128xf32> to vector<1x128xf32>
    %add3A_462 = vector.broadcast %slice3A_461 : vector<1x128xf32> to vector<64x128xf32>
    %add3A_463 = arith.addf %add3A_462, %add3A_78 : vector<64x128xf32>
    %swap3A_464 = arith.constant 4096 : index
    %swap3A_465 = arith.constant 0 : index
    %swap3A_466 = vector.load %arg2[%swap3A_464, %swap3A_465] : memref<5376x128xf32, #tpu.memory_space<vmem>>, vector<64x128xf32>
    tpu.vector_store %arg2[%swap3A_464, %swap3A_465], %add3A_463 {strides = array<i32>} : memref<5376x128xf32, #tpu.memory_space<vmem>>, vector<64x128xf32>,
    %slice3A_467 = vector.extract_strided_slice %add3A {offsets = [65, 0], sizes = [1, 128], strides = [1, 1]} : vector<84x128xf32> to vector<1x128xf32>
    %add3A_468 = vector.broadcast %slice3A_467 : vector<1x128xf32> to vector<64x128xf32>
    %add3A_469 = arith.addf %add3A_468, %add3A_78 : vector<64x128xf32>
    %swap3A_470 = arith.constant 4160 : index
    %swap3A_471 = arith.constant 0 : index
    %swap3A_472 = vector.load %arg2[%swap3A_470, %swap3A_471] : memref<5376x128xf32, #tpu.memory_space<vmem>>, vector<64x128xf32>
    tpu.vector_store %arg2[%swap3A_470, %swap3A_471], %add3A_469 {strides = array<i32>} : memref<5376x128xf32, #tpu.memory_space<vmem>>, vector<64x128xf32>,
    %slice3A_473 = vector.extract_strided_slice %add3A {offsets = [66, 0], sizes = [1, 128], strides = [1, 1]} : vector<84x128xf32> to vector<1x128xf32>
    %add3A_474 = vector.broadcast %slice3A_473 : vector<1x128xf32> to vector<64x128xf32>
    %add3A_475 = arith.addf %add3A_474, %add3A_78 : vector<64x128xf32>
    %swap3A_476 = arith.constant 4224 : index
    %swap3A_477 = arith.constant 0 : index
    %swap3A_478 = vector.load %arg2[%swap3A_476, %swap3A_477] : memref<5376x128xf32, #tpu.memory_space<vmem>>, vector<64x128xf32>
    tpu.vector_store %arg2[%swap3A_476, %swap3A_477], %add3A_475 {strides = array<i32>} : memref<5376x128xf32, #tpu.memory_space<vmem>>, vector<64x128xf32>,
    %slice3A_479 = vector.extract_strided_slice %add3A {offsets = [67, 0], sizes = [1, 128], strides = [1, 1]} : vector<84x128xf32> to vector<1x128xf32>
    %add3A_480 = vector.broadcast %slice3A_479 : vector<1x128xf32> to vector<64x128xf32>
    %add3A_481 = arith.addf %add3A_480, %add3A_78 : vector<64x128xf32>
    %swap3A_482 = arith.constant 4288 : index
    %swap3A_483 = arith.constant 0 : index
    %swap3A_484 = vector.load %arg2[%swap3A_482, %swap3A_483] : memref<5376x128xf32, #tpu.memory_space<vmem>>, vector<64x128xf32>
    tpu.vector_store %arg2[%swap3A_482, %swap3A_483], %add3A_481 {strides = array<i32>} : memref<5376x128xf32, #tpu.memory_space<vmem>>, vector<64x128xf32>,
    %slice3A_485 = vector.extract_strided_slice %add3A {offsets = [68, 0], sizes = [1, 128], strides = [1, 1]} : vector<84x128xf32> to vector<1x128xf32>
    %add3A_486 = vector.broadcast %slice3A_485 : vector<1x128xf32> to vector<64x128xf32>
    %add3A_487 = arith.addf %add3A_486, %add3A_78 : vector<64x128xf32>
    %swap3A_488 = arith.constant 4352 : index
    %swap3A_489 = arith.constant 0 : index
    %swap3A_490 = vector.load %arg2[%swap3A_488, %swap3A_489] : memref<5376x128xf32, #tpu.memory_space<vmem>>, vector<64x128xf32>
    tpu.vector_store %arg2[%swap3A_488, %swap3A_489], %add3A_487 {strides = array<i32>} : memref<5376x128xf32, #tpu.memory_space<vmem>>, vector<64x128xf32>,
    %slice3A_491 = vector.extract_strided_slice %add3A {offsets = [69, 0], sizes = [1, 128], strides = [1, 1]} : vector<84x128xf32> to vector<1x128xf32>
    %add3A_492 = vector.broadcast %slice3A_491 : vector<1x128xf32> to vector<64x128xf32>
    %add3A_493 = arith.addf %add3A_492, %add3A_78 : vector<64x128xf32>
    %swap3A_494 = arith.constant 4416 : index
    %swap3A_495 = arith.constant 0 : index
    %swap3A_496 = vector.load %arg2[%swap3A_494, %swap3A_495] : memref<5376x128xf32, #tpu.memory_space<vmem>>, vector<64x128xf32>
    tpu.vector_store %arg2[%swap3A_494, %swap3A_495], %add3A_493 {strides = array<i32>} : memref<5376x128xf32, #tpu.memory_space<vmem>>, vector<64x128xf32>,
    %slice3A_497 = vector.extract_strided_slice %add3A {offsets = [70, 0], sizes = [1, 128], strides = [1, 1]} : vector<84x128xf32> to vector<1x128xf32>
    %add3A_498 = vector.broadcast %slice3A_497 : vector<1x128xf32> to vector<64x128xf32>
    %add3A_499 = arith.addf %add3A_498, %add3A_78 : vector<64x128xf32>
    %swap3A_500 = arith.constant 4480 : index
    %swap3A_501 = arith.constant 0 : index
    %swap3A_502 = vector.load %arg2[%swap3A_500, %swap3A_501] : memref<5376x128xf32, #tpu.memory_space<vmem>>, vector<64x128xf32>
    tpu.vector_store %arg2[%swap3A_500, %swap3A_501], %add3A_499 {strides = array<i32>} : memref<5376x128xf32, #tpu.memory_space<vmem>>, vector<64x128xf32>,
    %slice3A_503 = vector.extract_strided_slice %add3A {offsets = [71, 0], sizes = [1, 128], strides = [1, 1]} : vector<84x128xf32> to vector<1x128xf32>
    %add3A_504 = vector.broadcast %slice3A_503 : vector<1x128xf32> to vector<64x128xf32>
    %add3A_505 = arith.addf %add3A_504, %add3A_78 : vector<64x128xf32>
    %swap3A_506 = arith.constant 4544 : index
    %swap3A_507 = arith.constant 0 : index
    %swap3A_508 = vector.load %arg2[%swap3A_506, %swap3A_507] : memref<5376x128xf32, #tpu.memory_space<vmem>>, vector<64x128xf32>
    tpu.vector_store %arg2[%swap3A_506, %swap3A_507], %add3A_505 {strides = array<i32>} : memref<5376x128xf32, #tpu.memory_space<vmem>>, vector<64x128xf32>,
    %slice3A_509 = vector.extract_strided_slice %add3A {offsets = [72, 0], sizes = [1, 128], strides = [1, 1]} : vector<84x128xf32> to vector<1x128xf32>
    %add3A_510 = vector.broadcast %slice3A_509 : vector<1x128xf32> to vector<64x128xf32>
    %add3A_511 = arith.addf %add3A_510, %add3A_78 : vector<64x128xf32>
    %swap3A_512 = arith.constant 4608 : index
    %swap3A_513 = arith.constant 0 : index
    %swap3A_514 = vector.load %arg2[%swap3A_512, %swap3A_513] : memref<5376x128xf32, #tpu.memory_space<vmem>>, vector<64x128xf32>
    tpu.vector_store %arg2[%swap3A_512, %swap3A_513], %add3A_511 {strides = array<i32>} : memref<5376x128xf32, #tpu.memory_space<vmem>>, vector<64x128xf32>,
    %slice3A_515 = vector.extract_strided_slice %add3A {offsets = [73, 0], sizes = [1, 128], strides = [1, 1]} : vector<84x128xf32> to vector<1x128xf32>
    %add3A_516 = vector.broadcast %slice3A_515 : vector<1x128xf32> to vector<64x128xf32>
    %add3A_517 = arith.addf %add3A_516, %add3A_78 : vector<64x128xf32>
    %swap3A_518 = arith.constant 4672 : index
    %swap3A_519 = arith.constant 0 : index
    %swap3A_520 = vector.load %arg2[%swap3A_518, %swap3A_519] : memref<5376x128xf32, #tpu.memory_space<vmem>>, vector<64x128xf32>
    tpu.vector_store %arg2[%swap3A_518, %swap3A_519], %add3A_517 {strides = array<i32>} : memref<5376x128xf32, #tpu.memory_space<vmem>>, vector<64x128xf32>,
    %slice3A_521 = vector.extract_strided_slice %add3A {offsets = [74, 0], sizes = [1, 128], strides = [1, 1]} : vector<84x128xf32> to vector<1x128xf32>
    %add3A_522 = vector.broadcast %slice3A_521 : vector<1x128xf32> to vector<64x128xf32>
    %add3A_523 = arith.addf %add3A_522, %add3A_78 : vector<64x128xf32>
    %swap3A_524 = arith.constant 4736 : index
    %swap3A_525 = arith.constant 0 : index
    %swap3A_526 = vector.load %arg2[%swap3A_524, %swap3A_525] : memref<5376x128xf32, #tpu.memory_space<vmem>>, vector<64x128xf32>
    tpu.vector_store %arg2[%swap3A_524, %swap3A_525], %add3A_523 {strides = array<i32>} : memref<5376x128xf32, #tpu.memory_space<vmem>>, vector<64x128xf32>,
    %slice3A_527 = vector.extract_strided_slice %add3A {offsets = [75, 0], sizes = [1, 128], strides = [1, 1]} : vector<84x128xf32> to vector<1x128xf32>
    %add3A_528 = vector.broadcast %slice3A_527 : vector<1x128xf32> to vector<64x128xf32>
    %add3A_529 = arith.addf %add3A_528, %add3A_78 : vector<64x128xf32>
    %swap3A_530 = arith.constant 4800 : index
    %swap3A_531 = arith.constant 0 : index
    %swap3A_532 = vector.load %arg2[%swap3A_530, %swap3A_531] : memref<5376x128xf32, #tpu.memory_space<vmem>>, vector<64x128xf32>
    tpu.vector_store %arg2[%swap3A_530, %swap3A_531], %add3A_529 {strides = array<i32>} : memref<5376x128xf32, #tpu.memory_space<vmem>>, vector<64x128xf32>,
    %slice3A_533 = vector.extract_strided_slice %add3A {offsets = [76, 0], sizes = [1, 128], strides = [1, 1]} : vector<84x128xf32> to vector<1x128xf32>
    %add3A_534 = vector.broadcast %slice3A_533 : vector<1x128xf32> to vector<64x128xf32>
    %add3A_535 = arith.addf %add3A_534, %add3A_78 : vector<64x128xf32>
    %swap3A_536 = arith.constant 4864 : index
    %swap3A_537 = arith.constant 0 : index
    %swap3A_538 = vector.load %arg2[%swap3A_536, %swap3A_537] : memref<5376x128xf32, #tpu.memory_space<vmem>>, vector<64x128xf32>
    tpu.vector_store %arg2[%swap3A_536, %swap3A_537], %add3A_535 {strides = array<i32>} : memref<5376x128xf32, #tpu.memory_space<vmem>>, vector<64x128xf32>,
    %slice3A_539 = vector.extract_strided_slice %add3A {offsets = [77, 0], sizes = [1, 128], strides = [1, 1]} : vector<84x128xf32> to vector<1x128xf32>
    %add3A_540 = vector.broadcast %slice3A_539 : vector<1x128xf32> to vector<64x128xf32>
    %add3A_541 = arith.addf %add3A_540, %add3A_78 : vector<64x128xf32>
    %swap3A_542 = arith.constant 4928 : index
    %swap3A_543 = arith.constant 0 : index
    %swap3A_544 = vector.load %arg2[%swap3A_542, %swap3A_543] : memref<5376x128xf32, #tpu.memory_space<vmem>>, vector<64x128xf32>
    tpu.vector_store %arg2[%swap3A_542, %swap3A_543], %add3A_541 {strides = array<i32>} : memref<5376x128xf32, #tpu.memory_space<vmem>>, vector<64x128xf32>,
    %slice3A_545 = vector.extract_strided_slice %add3A {offsets = [78, 0], sizes = [1, 128], strides = [1, 1]} : vector<84x128xf32> to vector<1x128xf32>
    %add3A_546 = vector.broadcast %slice3A_545 : vector<1x128xf32> to vector<64x128xf32>
    %add3A_547 = arith.addf %add3A_546, %add3A_78 : vector<64x128xf32>
    %swap3A_548 = arith.constant 4992 : index
    %swap3A_549 = arith.constant 0 : index
    %swap3A_550 = vector.load %arg2[%swap3A_548, %swap3A_549] : memref<5376x128xf32, #tpu.memory_space<vmem>>, vector<64x128xf32>
    tpu.vector_store %arg2[%swap3A_548, %swap3A_549], %add3A_547 {strides = array<i32>} : memref<5376x128xf32, #tpu.memory_space<vmem>>, vector<64x128xf32>,
    %slice3A_551 = vector.extract_strided_slice %add3A {offsets = [79, 0], sizes = [1, 128], strides = [1, 1]} : vector<84x128xf32> to vector<1x128xf32>
    %add3A_552 = vector.broadcast %slice3A_551 : vector<1x128xf32> to vector<64x128xf32>
    %add3A_553 = arith.addf %add3A_552, %add3A_78 : vector<64x128xf32>
    %swap3A_554 = arith.constant 5056 : index
    %swap3A_555 = arith.constant 0 : index
    %swap3A_556 = vector.load %arg2[%swap3A_554, %swap3A_555] : memref<5376x128xf32, #tpu.memory_space<vmem>>, vector<64x128xf32>
    tpu.vector_store %arg2[%swap3A_554, %swap3A_555], %add3A_553 {strides = array<i32>} : memref<5376x128xf32, #tpu.memory_space<vmem>>, vector<64x128xf32>,
    %slice3A_557 = vector.extract_strided_slice %add3A {offsets = [80, 0], sizes = [1, 128], strides = [1, 1]} : vector<84x128xf32> to vector<1x128xf32>
    %add3A_558 = vector.broadcast %slice3A_557 : vector<1x128xf32> to vector<64x128xf32>
    %add3A_559 = arith.addf %add3A_558, %add3A_78 : vector<64x128xf32>
    %swap3A_560 = arith.constant 5120 : index
    %swap3A_561 = arith.constant 0 : index
    %swap3A_562 = vector.load %arg2[%swap3A_560, %swap3A_561] : memref<5376x128xf32, #tpu.memory_space<vmem>>, vector<64x128xf32>
    tpu.vector_store %arg2[%swap3A_560, %swap3A_561], %add3A_559 {strides = array<i32>} : memref<5376x128xf32, #tpu.memory_space<vmem>>, vector<64x128xf32>,
    %slice3A_563 = vector.extract_strided_slice %add3A {offsets = [81, 0], sizes = [1, 128], strides = [1, 1]} : vector<84x128xf32> to vector<1x128xf32>
    %add3A_564 = vector.broadcast %slice3A_563 : vector<1x128xf32> to vector<64x128xf32>
    %add3A_565 = arith.addf %add3A_564, %add3A_78 : vector<64x128xf32>
    %swap3A_566 = arith.constant 5184 : index
    %swap3A_567 = arith.constant 0 : index
    %swap3A_568 = vector.load %arg2[%swap3A_566, %swap3A_567] : memref<5376x128xf32, #tpu.memory_space<vmem>>, vector<64x128xf32>
    tpu.vector_store %arg2[%swap3A_566, %swap3A_567], %add3A_565 {strides = array<i32>} : memref<5376x128xf32, #tpu.memory_space<vmem>>, vector<64x128xf32>,
    %slice3A_569 = vector.extract_strided_slice %add3A {offsets = [82, 0], sizes = [1, 128], strides = [1, 1]} : vector<84x128xf32> to vector<1x128xf32>
    %add3A_570 = vector.broadcast %slice3A_569 : vector<1x128xf32> to vector<64x128xf32>
    %add3A_571 = arith.addf %add3A_570, %add3A_78 : vector<64x128xf32>
    %swap3A_572 = arith.constant 5248 : index
    %swap3A_573 = arith.constant 0 : index
    %swap3A_574 = vector.load %arg2[%swap3A_572, %swap3A_573] : memref<5376x128xf32, #tpu.memory_space<vmem>>, vector<64x128xf32>
    tpu.vector_store %arg2[%swap3A_572, %swap3A_573], %add3A_571 {strides = array<i32>} : memref<5376x128xf32, #tpu.memory_space<vmem>>, vector<64x128xf32>,
    %slice3A_575 = vector.extract_strided_slice %add3A {offsets = [83, 0], sizes = [1, 128], strides = [1, 1]} : vector<84x128xf32> to vector<1x128xf32>
    %add3A_576 = vector.broadcast %slice3A_575 : vector<1x128xf32> to vector<64x128xf32>
    %add3A_577 = arith.addf %add3A_576, %add3A_78 : vector<64x128xf32>
    %swap3A_578 = arith.constant 5312 : index
    %swap3A_579 = arith.constant 0 : index
    %swap3A_580 = vector.load %arg2[%swap3A_578, %swap3A_579] : memref<5376x128xf32, #tpu.memory_space<vmem>>, vector<64x128xf32>
    tpu.vector_store %arg2[%swap3A_578, %swap3A_579], %add3A_577 {strides = array<i32>} : memref<5376x128xf32, #tpu.memory_space<vmem>>, vector<64x128xf32>,
    return
  }
}

module attributes {stable_mosaic.version = 14 : i64} {
  func.func @_mlp_body(%arg0: i32, %arg1: memref<1024x128xf32, #tpu.memory_space<vmem>>, %arg2: memref<128x1024xbf16, #tpu.memory_space<vmem>>, %arg3: memref<1024x1024xbf16, #tpu.memory_space<vmem>>, %arg4: memref<1x1024xf32, #tpu.memory_space<vmem>>, %arg5: memref<1024x1024xf32, #tpu.memory_space<vmem>>) attributes {dimension_semantics = [#tpu.dimension_semantics<arbitrary>], iteration_bounds = array<i64: 16>, scalar_prefetch = 0 : i64, scratch_operands = 0 : i64, tpu.core_type = #tpu.core_type<tc>, window_params = [{transform_indices = @transform_0, window_bounds = array<i64: 1024, 128>}, {pipeline_mode = #tpu.pipeline_mode<synchronous>, transform_indices = @transform_1, window_bounds = array<i64: 128, 1024>}, {pipeline_mode = #tpu.pipeline_mode<synchronous>, transform_indices = @transform_2, window_bounds = array<i64: 1024, 1024>}, {pipeline_mode = #tpu.pipeline_mode<synchronous>, transform_indices = @transform_3, window_bounds = array<i64: 1, 1024>}, {transform_indices = @transform_4, window_bounds = array<i64: 1024, 1024>}]} {
    %get3A = arith.constant 0 : index
    %get3A_0 = arith.constant 0 : index
    %get3A_1 = vector.load %arg1[%get3A, %get3A_0] : memref<1024x128xf32, #tpu.memory_space<vmem>>, vector<1024x128xf32>
    %convert_element_type3A = arith.truncf %get3A_1 : vector<1024x128xf32> to vector<1024x128xbf16>
    %get3A_2 = arith.constant 0 : index
    %get3A_3 = arith.constant 0 : index
    %get3A_4 = vector.load %arg2[%get3A_2, %get3A_3] : memref<128x1024xbf16, #tpu.memory_space<vmem>>, vector<128x1024xbf16>
    %dot_general3A = arith.constant dense<0.000000e+00> : vector<1024x1024xf32>
    %dot_general3A_5 = tpu.matmul %convert_element_type3A, %get3A_4, %dot_general3A {dimension_numbers = #tpu.dot_dimension_numbers<[1], [0], [0], [1], [0, 0, 1, 1], [], []>, transpose_lhs_hint = false} : vector<1024x128xbf16>, vector<128x1024xbf16>, vector<1024x1024xf32> -> vector<1024x1024xf32>
    %mul3A = arith.constant 5.000000e-01 : f32
    %mul3A_6 = vector.broadcast %mul3A : f32 to vector<1024x1024xf32>
    %mul3A_7 = arith.mulf %mul3A_6, %dot_general3A_5 : vector<1024x1024xf32>
    %mul3A_8 = arith.constant 5.000000e-01 : f32
    %mul3A_9 = vector.broadcast %mul3A_8 : f32 to vector<1024x1024xf32>
    %mul3A_10 = arith.mulf %mul3A_9, %dot_general3A_5 : vector<1024x1024xf32>
    %tanh3A = math.tanh %mul3A_10 : vector<1024x1024xf32>
    %add3A = arith.constant 1.000000e+00 : f32
    %add3A_11 = vector.broadcast %add3A : f32 to vector<1024x1024xf32>
    %add3A_12 = arith.addf %add3A_11, %tanh3A : vector<1024x1024xf32>
    %mul3A_13 = arith.mulf %mul3A_7, %add3A_12 : vector<1024x1024xf32>
    %convert_element_type3A_14 = arith.truncf %mul3A_13 : vector<1024x1024xf32> to vector<1024x1024xbf16>
    %get3A_15 = arith.constant 0 : index
    %get3A_16 = arith.constant 0 : index
    %get3A_17 = vector.load %arg3[%get3A_15, %get3A_16] : memref<1024x1024xbf16, #tpu.memory_space<vmem>>, vector<1024x1024xbf16>
    %dot_general3A_18 = arith.constant dense<0.000000e+00> : vector<1024x1024xf32>
    %dot_general3A_19 = tpu.matmul %convert_element_type3A_14, %get3A_17, %dot_general3A_18 {dimension_numbers = #tpu.dot_dimension_numbers<[1], [0], [0], [1], [0, 0, 1, 1], [], []>, transpose_lhs_hint = false} : vector<1024x1024xbf16>, vector<1024x1024xbf16>, vector<1024x1024xf32> -> vector<1024x1024xf32>
    %get3A_20 = arith.constant 0 : index
    %get3A_21 = arith.constant 0 : index
    %get3A_22 = vector.load %arg4[%get3A_20, %get3A_21] : memref<1x1024xf32, #tpu.memory_space<vmem>>, vector<1x1024xf32>
    %add3A_23 = vector.broadcast %get3A_22 : vector<1x1024xf32> to vector<1024x1024xf32>
    %add3A_24 = arith.addf %dot_general3A_19, %add3A_23 : vector<1024x1024xf32>
    %swap3A = arith.constant 0 : index
    %swap3A_25 = arith.constant 0 : index
    %swap3A_26 = vector.load %arg5[%swap3A, %swap3A_25] : memref<1024x1024xf32, #tpu.memory_space<vmem>>, vector<1024x1024xf32>
    tpu.vector_store %arg5[%swap3A, %swap3A_25], %add3A_24 {strides = array<i32>} : memref<1024x1024xf32, #tpu.memory_space<vmem>>, vector<1024x1024xf32>,
    return
  }
  func.func @transform_0(%arg0: i32) -> (i32, i32) {
    %c0_i32 = arith.constant 0 : i32
    %c0_i32_0 = arith.constant 0 : i32
    return %arg0, %c0_i32 : i32, i32
  }
  func.func @transform_1(%arg0: i32) -> (i32, i32) {
    %c0_i32 = arith.constant 0 : i32
    %c0_i32_0 = arith.constant 0 : i32
    %c0_i32_1 = arith.constant 0 : i32
    return %c0_i32, %c0_i32_0 : i32, i32
  }
  func.func @transform_2(%arg0: i32) -> (i32, i32) {
    %c0_i32 = arith.constant 0 : i32
    %c0_i32_0 = arith.constant 0 : i32
    %c0_i32_1 = arith.constant 0 : i32
    return %c0_i32, %c0_i32_0 : i32, i32
  }
  func.func @transform_3(%arg0: i32) -> (i32, i32) {
    %c0_i32 = arith.constant 0 : i32
    %c0_i32_0 = arith.constant 0 : i32
    %c0_i32_1 = arith.constant 0 : i32
    return %c0_i32, %c0_i32_0 : i32, i32
  }
  func.func @transform_4(%arg0: i32) -> (i32, i32) {
    %add3A = arith.constant 0 : i32
    %add3A_0 = arith.addi %arg0, %add3A : i32
    %c0_i32 = arith.constant 0 : i32
    %c0_i32_1 = arith.constant 0 : i32
    return %add3A_0, %c0_i32 : i32, i32
  }
}

</mosaic_0001>

<sc_bundles>
// kernel: kernel.5.cloned.1.call-start
scs
__scs_entry_jumppad:
0x0: {  	(pc) =	sbr.rel $0x88, $3  }
0x1: {  	(tag) =	ssettag $0x0;
	lr =	simm.s32 $0x1  }
0x2: {  	[smem:$0x3F9A] =	sst lr;
	_ =	strace $0xD0000000  }
0x3: {  	_ = 	snop  }
0x4: {  	_ = 	snop  }
0x5: {  	_ = 	snop  }
0x6: {  	_ = 	snop  }
0x7: {  	_ = 	snop  }
__scs_overlays_trampoline_lowered:
0x8: {  	[smem:$0x3FA9] =	sst s0  }
0x9: {  	[smem:$0x3FAA] =	sst s1  }
0xa: {  	[smem:$0x3FAB] =	sst s2  }
0xb: {  	[smem:$0x3FAC] =	sst s3  }
0xc: {  	[smem:$0x3FAD] =	sst s4  }
0xd: {  	[smem:$0x3FAE] =	sst s5  }
0xe: {  	[smem:$0x3FAF] =	sst s6  }
0xf: {  	[smem:$0x3FB0] =	sst s7  }
0x10: {  	[smem:$0x3FB1] =	sst s8  }
0x11: {  	[smem:$0x3FB2] =	sst s9;
	s0 =	simm.s32 @!p0 $0x0  }
0x12: {  	s1 =	sld [smem:$0x3F98];
	s0 =	simm.s32 @p0 $0x1  }
0x13: {  	[smem:$0x3FB3] =	sst s0;
	s0 =	simm.s32 @!p1 $0x0  }
0x14: {  	s2 =	sld [smem:$0x3F97];
	s0 =	simm.s32 @p1 $0x1  }
0x15: {  	[smem:$0x3FB4] =	sst s0;
	s0 =	simm.s32 @!p2 $0x0  }
0x16: {  	s3 =	sld [smem:$0x3FDB];
	s0 =	simm.s32 @p2 $0x1  }
0x17: {  	s4 =	simm.s32 $0x1BF5;
	[smem:$0x3FB6] =	sst s0  }
0x18: {  	s0 =	sld [smem:$0x3F99];
	_ =	swait.ge [sflag:s4], $0x0  }
0x19: {  	s7 =	sld [smem:$0x3F9A]  }
0x1a: {  	s8 =	sadd.s32 $0xFFFFE003, lr  }
0x1b: {  	s9 =	sadd.s32 $0xFFFFFEF7, lr;
	s5 =	simm.s32 $0xFFFFFFFF;
	p2 =	slt.u32 s8, $0xFFFFF086  }
0x1c: {  	p1 =	slt.u32 s9, $0xF7A;
	s5 =	simm.s32 @!p2 $0x0  }
0x1d: {  	s5 =	simm.s32 @p1 $0x1;
	p0 =	seq.s32 s7, s2  }
0x1e: {  	s7 =	smul.u32 @!p0 $0xF7A, s2;
	p2 =	seq.s32 @!p0 s5, $0x0  }
0x1f: {  	s9 =	smul.u32 $0xF7A, s1;
	s8 =	simm.s32 @!p0 $0x1BF5;
	p2 =	por !p2, p0  }
0x20: {  	[sflag:s8] =	ssyncset.s32 @!p0 $0xFFFFF086;
	s6 =	sadd.s32 @!p0 s3, s7;
	s7 =	simm.s32 @!p0 $0x108  }
0x21: {  	s3 =	sadd.s32 s3, s9;
	s6 =	sadd.s32 @!p0 $0x88, s6;
	s7 =	simm.s32 @p2 $0x1082  }
0x22: {  	[simem:s7], [sflag:s8] =	dma.local @!p0 [hbm:s6], $0xF7A  }
0x23: {  	s9 =	sor.u32 $0xD0000000, s2;
	s6 =	simm.s32 $0x108;
	_ =	swait.ge @!p0 [sflag:s8], $0x0  }
0x24: {  	s3 =	sadd.s32 $0x88, s3;
	s6 =	simm.s32 @!p1 $0x1082;
	[sflag:s4] =	ssyncset.s32 $0xFFFFF086  }
0x25: {  	[simem:s6], [sflag:s4] =	dma.local [hbm:s3], $0xF7A  }
0x26: {  	[smem:$0x3F9A] =	sst s1;
	(tag) =	ssettag s2;
	_ =	strace s9  }
0x27: {  	s1 =	sld [smem:$0x3FAA]  }
0x28: {  	s2 =	sld [smem:$0x3FAB]  }
0x29: {  	s4 =	sld [smem:$0x3FAD]  }
0x2a: {  	p0 =	seq.s32 s5, $0x0;
	s5 =	sld [smem:$0x3FAE]  }
0x2b: {  	s6 =	sld [smem:$0x3FAF]  }
0x2c: {  	s7 =	sld [smem:$0x3FB0]  }
0x2d: {  	s3 =	simm.s32 $0x108;
	s8 =	sld [smem:$0x3FB1]  }
0x2e: {  	s3 =	simm.s32 @!p0 $0x1082;
	s9 =	sld [smem:$0x3FB2]  }
0x2f: {  	lr =	sadd.s32 s0, s3;
	s0 =	sld [smem:$0x3FA9]  }
0x30: {  	s3 =	sld [smem:$0x3FAC]  }
0x31: {  	[smem:$0x3FB5] =	sst s10  }
0x32: {  	s10 =	sld [smem:$0x3FB3];
	_ =	sdelay $0x3  }
0x33: {  	p0 =	seq.s32 s10, $0x1;
	s10 =	sld [smem:$0x3FB5];
	_ =	sdelay $0x3  }
0x34: {  	[smem:$0x3FB5] =	sst s10  }
0x35: {  	s10 =	sld [smem:$0x3FB4];
	_ =	sdelay $0x3  }
0x36: {  	p1 =	seq.s32 s10, $0x1;
	s10 =	sld [smem:$0x3FB5];
	_ =	sdelay $0x3  }
0x37: {  	[smem:$0x3FB5] =	sst s10  }
0x38: {  	s10 =	sld [smem:$0x3FB6]  }
0x39: {  	_ = 	snop;
	(pc) =	sbr.ind lr, $3  }
0x3a: {  	_ = 	snop  }
0x3b: {  	_ = 	snop  }
0x3c: {  	p2 =	seq.s32 s10, $0x1;
	s10 =	sld [smem:$0x3FB5]  }
0x3d: {  	_ =	shalt  }
0x3e: {  	_ =	shalt  }
0x3f: {  	_ =	shalt  }
0x40: {  	_ =	shalt  }
0x41: {  	_ =	shalt  }
0x42: {  	_ =	shalt  }
0x43: {  	_ =	shalt  }
0x44: {  	_ =	shalt  }
0x45: {  	_ =	shalt  }
0x46: {  	_ =	shalt  }
0x47: {  	_ =	shalt  }
0x48: {  	_ =	shalt  }
0x49: {  	_ =	shalt  }
0x4a: {  	_ =	shalt  }
0x4b: {  	_ =	shalt  }
0x4c: {  	_ =	shalt  }
0x4d: {  	_ =	shalt  }
0x4e: {  	_ =	shalt  }
0x4f: {  	_ =	shalt  }
0x50: {  	_ =	shalt  }
0x51: {  	_ =	shalt  }
0x52: {  	_ =	shalt  }
0x53: {  	_ =	shalt  }
0x54: {  	_ =	shalt  }
0x55: {  	_ =	shalt  }
0x56: {  	_ =	shalt  }
0x57: {  	_ =	shalt  }
0x58: {  	_ =	shalt  }
0x59: {  	_ =	shalt  }
0x5a: {  	_ =	shalt  }
0x5b: {  	_ =	shalt  }
0x5c: {  	_ =	shalt  }
0x5d: {  	_ =	shalt  }
0x5e: {  	_ =	shalt  }
0x5f: {  	_ =	shalt  }
0x60: {  	_ =	shalt  }
0x61: {  	_ =	shalt  }
0x62: {  	_ =	shalt  }
0x63: {  	_ =	shalt  }
0x64: {  	_ =	shalt  }
0x65: {  	_ =	shalt  }
0x66: {  	_ =	shalt  }
0x67: {  	_ =	shalt  }
0x68: {  	_ =	shalt  }
0x69: {  	_ =	shalt  }
0x6a: {  	_ =	shalt  }
0x6b: {  	_ =	shalt  }
0x6c: {  	_ =	shalt  }
0x6d: {  	_ =	shalt  }
0x6e: {  	_ =	shalt  }
0x6f: {  	_ =	shalt  }
0x70: {  	_ =	shalt  }
0x71: {  	_ =	shalt  }
0x72: {  	_ =	shalt  }
0x73: {  	_ =	shalt  }
0x74: {  	_ =	shalt  }
0x75: {  	_ =	shalt  }
0x76: {  	_ =	shalt  }
0x77: {  	_ =	shalt  }
0x78: {  	_ =	shalt  }
0x79: {  	_ =	shalt  }
0x7a: {  	_ =	shalt  }
0x7b: {  	_ =	shalt  }
0x7c: {  	_ =	shalt  }
0x7d: {  	_ =	shalt  }
0x7e: {  	_ =	shalt  }
0x7f: {  	_ =	shalt  }
0x80: {  	_ =	shalt  }
0x81: {  	_ =	shalt  }
0x82: {  	_ =	shalt  }
0x83: {  	_ =	shalt  }
0x84: {  	_ =	shalt  }
0x85: {  	_ =	shalt  }
0x86: {  	_ =	shalt  }
0x87: {  	_ =	shalt  }
.Lfunc_end0:
.L_simem_size_0:
called_computation_lowered:
.L_overlay_start_0:
0x88: {  	s2 =	sld [smem:$0x3FD9]  }
0x89: {  	s3 =	sld [smem:$0x3FFE];
	_ =	sdelay $0x1  }
0x8a: {  	s1 =	srdreg.scid  }
0x8b: {  	s0 =	sand.u32 $0x1, s1  }
0x8c: {  	s17 =	sshll.u32 s0, $0xA;
	s2 =	sadd.s32 s3, s2  }
0x8d: {  	s2 =	sadd.s32 s2, s17  }
0x8e: {  	[smem:$0x3FC1] =	sst s2  }
0x8f: {  	_ = 	snop  }
0x90: {  	s2 =	sld [smem:$0x3FD0];
	(tm) =	ssettm $0x1  }
0x91: {  	s18 =	sld [smem:$0x3FFB];
	_ =	sdelay $0x3  }
0x92: {  	_ =	strace s18  }
0x93: {  	s3 =	sld [smem:$0x3FFC];
	_ =	sdelay $0x3  }
0x94: {  	_ =	strace s3  }
0x95: {  	s3 =	sld [smem:$0x3FFD];
	_ =	sdelay $0x3  }
0x96: {  	_ =	strace s3  }
0x97: {  	_ =	strace $0x8FFFFFFF  }
0x98: {  	s19 =	sld [smem:$0x3FDB];
	_ =	sdelay $0x1  }
0x99: {  	s4 =	simm.s32 $_scs_section_size  }
0x9a: {  	s5 =	simm.s32 $_size__tile_overlayer_lowered;
	s6 =	simm.s32 $_tile_overlayer_lowered  }
0x9b: {  	s22 =	simm.s32 $0x1BFF;
	s21 =	sshll.u32 s6, $0x1;
	s3 =	sadd.s32 s4, s19  }
0x9c: {  	s7 =	simm.s32 $0x0;
	s20 =	sshll.u32 s5, $0x1;
	s5 =	sadd.s32 s21, s3  }
0x9d: {  	[timem:s7], [sflag:s22] =	dma.local [hbm:s5], s20  }
0x9e: {  	_ =	swait.ge [sflag:s22], s20  }
0x9f: {  	s4 =	ssub.s32 $0x0, s20;
	[sflag:s22] =	ssyncset.done $0x0  }
0xa0: {  	[sflag:s22] =	ssyncadd.s32 s4;
	_ =	sdelay $0x1  }
0xa1: {  	s23 =	simm.s32 $0x1B8B  }
0xa2: {  	_ =	swait.ge [sflag:s23], $0x1  }
0xa3: {  	[sflag:s23] =	ssyncset.done $0x0  }
0xa4: {  	s25 =	simm.s32 $0x1B8E;
	s24 =	sld [smem:$0x3FFE];
	[sflag:s23] =	ssyncadd.s32 $0xFFFFFFFF  }
0xa5: {  	s26 =	simm.s32 $execute0_lowered;
	[smem:$0x3FD2] =	sst s25  }
0xa6: {  	s5 =	sshll.u32 s26, $0x1;
	_ =	strace $0x80000046;
	[dreg:$0x1] =	wrdreg $0xFFFFFFFF  }
0xa7: {  	s28 =	simm.s32 $_size_execute0_lowered;
	s3 =	sadd.s32 s3, s5;
	[dreg:$0x0] =	wrdreg $0x0  }
0xa8: {  	s5 =	sshll.u32 s28, $0x1;
	[dreg:$0x2] =	wrdreg s3  }
0xa9: {  	[dreg:$0x3] =	wrdreg s5  }
0xaa: {  	[dreg:$0x4] =	wrdreg $0xC0  }
0xab: {  	_ =	task [dreg:s7], $0x5FFFF  }
0xac: {  	[dreg:$0x1] =	wrdreg $0xFFFFFFFF  }
0xad: {  	[dreg:$0x0] =	wrdreg $0x60  }
0xae: {  	[dreg:$0x2] =	wrdreg s24  }
0xaf: {  	[dreg:$0x3] =	wrdreg s2  }
0xb0: {  	[dreg:$0x4] =	wrdreg $0x9  }
0xb1: {  	_ =	task.clear_ibuf [dreg:s7], $0x5FFFF;
	_ =	strace $0x90000046  }
0xb2: {  	s29 =	simm.s32 $0x9;
	_ =	strace $0x80000048  }
0xb3: {  	_ =	swait.ge [sflag:s29], $0x1  }
0xb4: {  	[sflag:s29] =	ssyncadd.s32 $0xFFFFFFFF  }
0xb5: {  	_ =	strace $0x90000048  }
0xb6: {  	_ =	sfence  }
0xb7: {  	s30 =	sld [smem:$0x0];
	_ =	sdelay $0x2  }
0xb8: {  	s31 =	sshll.u32 s1, $0xD;
	s1 =	sshrl.u32 s1, $0x2  }
0xb9: {  	s3 =	sand.u32 $0x4000, s31;
	s1 =	sadd.s32 s1, s30  }
0xba: {  	s0 =	sor.u32 s3, s0;
	s1 =	sshll.u32 s1, $0x11  }
0xbb: {  	s0 =	sor.u32 s1, s0  }
0xbc: {  	s0 =	sadd.s32 $0x8F2B, s0  }
0xbd: {  	[sflag:s0] =	ssyncadd.remote.s32 $0x1  }
0xbe: {  	_ =	sfence.sel $0xFFFF  }
0xbf: {  	[dreg:$0x0] =	wrdreg $0xFFFFFFFF;
	(pc) =	sbr.abs _section_cstart, $3  }
0xc0: {  	[dreg:$0x1] =	wrdreg $0xFFFFFFFF  }
0xc1: {  	_ =	task.clear_ibuf [dreg:s7], $0x2FFFF;
	_ =	strace $0x9FFFFFFF  }
0xc2: {  	(tm) =	ssettm $0x7FFFFFFF  }
0xc3: {  	_ =	shalt  }
tec
execute0_lowered:
.L_overlay_start_1:
0x0: {  	(tag) =	ssettag $0x1  }
0x1: {  	s3 =	rddreg [dreg:$0x0]  }
0x2: {  	s8 =	rddreg [dreg:$0x1];
	s2 =	srdreg.scid  }
0x3: {  	s0 =	rddreg [dreg:$0x2];
	s1 =	stileid.u32;
	s12 =	simm.s32 $0x400  }
0x4: {  	s13 =	simm.s32 $0x600;
	s14 =	simm.s32 $0x80;
	s15 =	simm.s32 $0x800  }
0x5: {  	s16 =	simm.s32 $0xA00;
	s17 =	simm.s32 $0x880;
	s18 =	simm.s32 $0x4A00  }
0x6: {  	s19 =	simm.s32 $0x900;
	s20 =	simm.s32 $0x8A00;
	s21 =	simm.s32 $0x980  }
0x7: {  	s22 =	simm.s32 $0xCA00;
	s23 =	simm.s32 $0x1;
	s4 =	sand.u32 $0x1, s2  }
0x8: {  	s2 =	simm.s32 $0x0;
	s5 =	sshll.u32 s1, $0xA;
	s6 =	sshll.u32 s4, $0x9  }
0x9: {  	[smem:$0x7FF] =	sst s2;
	s4 =	ssub.s32 $0x2, s4;
	s6 =	sor.u32 s6, s5  }
0xa: {  	_ =	strace $0x80000047;
	s7 =	sshrl.u32 s4, $0x1;
	s5 =	sshrl.u32 s6, $0x3  }
0xb: {  	s10 =	ssub.s32 s4, s7;
	s11 =	sshll.u32 s6, $0x4;
	s9 =	sadd.s32 s5, s3  }
0xc: {  	s3 =	sadd.s32 $0x3200, s3;
	s8 =	sadd.s32 s8, s11;
	s11 =	simm.s32 $0x200  }
0xd: {  	s4 =	sadd.s32 $0x2A00, s9;
	s5 =	sadd.s32 $0x2200, s9;
	s6 =	sadd.s32 $0x1A00, s9  }
0xe: {  	s7 =	sadd.s32 $0x1200, s9;
	s9 =	smax.u32 s10, $0x1;
	s10 =	simm.s32 $0x2  }
.LBB2_1:
0xf: {  	[tilespmem:s2], [sflag:$0x2] =	stream.linear.gather [hbm4b:s4+s2], $0x200, $0x38;
	[tilespmem:$0x10A00] =	vst v63  }
0x10: {  	_ =	swait.ge [sflag:s10], $0x200  }
0x11: {  	[sflag:s10] =	ssyncset.done $0x0  }
0x12: {  	[sflag:s10] =	ssyncadd.s32 $0xFFFFFE00  }
0x13: {  	[tilespmem:s11], [sflag:$0x2] =	stream.linear.gather [hbm4b:s5+s2], $0x200, $0x38;
	[tilespmem:$0x10A00] =	vst v63  }
0x14: {  	_ =	swait.ge [sflag:s10], $0x200  }
0x15: {  	[sflag:s10] =	ssyncset.done $0x0  }
0x16: {  	[sflag:s10] =	ssyncadd.s32 $0xFFFFFE00  }
0x17: {  	[tilespmem:s12], [sflag:$0x2] =	stream.linear.gather [hbm4b:s6+s2], $0x200, $0x38;
	[tilespmem:$0x10A00] =	vst v63  }
0x18: {  	_ =	swait.ge [sflag:s10], $0x200  }
0x19: {  	[sflag:s10] =	ssyncset.done $0x0  }
0x1a: {  	[sflag:s10] =	ssyncadd.s32 $0xFFFFFE00  }
0x1b: {  	[tilespmem:s13], [sflag:$0x2] =	stream.linear.gather [hbm4b:s7+s2], $0x200, $0x38;
	[tilespmem:$0x10A00] =	vst v63  }
0x1c: {  	_ =	swait.ge [sflag:s10], $0x200  }
0x1d: {  	[sflag:s10] =	ssyncset.done $0x0  }
0x1e: {  	[sflag:s10] =	ssyncadd.s32 $0xFFFFFE00  }
0x1f: {  	v0 =	vld [tilespmem:$0x0]  }
0x20: {  	v2 =	vld [tilespmem:$0x200]  }
0x21: {  	v6 =	vld [tilespmem:$0x400]  }
0x22: {  	v8 =	vld [tilespmem:$0x600]  }
0x23: {  	v9 =	vld [tilespmem:$0x10]  }
0x24: {  	v10 =	vld [tilespmem:$0x210]  }
0x25: {  	v11 =	vld [tilespmem:$0x410]  }
0x26: {  	v12 =	vld [tilespmem:$0x610]  }
0x27: {  	v13 =	vld [tilespmem:$0x20]  }
0x28: {  	v14 =	vld [tilespmem:$0x220]  }
0x29: {  	v15 =	vld [tilespmem:$0x420]  }
0x2a: {  	v16 =	vld [tilespmem:$0x620]  }
0x2b: {  	v17 =	vld [tilespmem:$0x30]  }
0x2c: {  	v18 =	vld [tilespmem:$0x230]  }
0x2d: {  	v19 =	vld [tilespmem:$0x430]  }
0x2e: {  	v20 =	vld [tilespmem:$0x630]  }
0x2f: {  	v21 =	vld [tilespmem:$0x40]  }
0x30: {  	v22 =	vld [tilespmem:$0x240]  }
0x31: {  	v23 =	vld [tilespmem:$0x440]  }
0x32: {  	v24 =	vld [tilespmem:$0x640]  }
0x33: {  	v25 =	vld [tilespmem:$0x50]  }
0x34: {  	v26 =	vld [tilespmem:$0x250]  }
0x35: {  	v27 =	vld [tilespmem:$0x450]  }
0x36: {  	v28 =	vld [tilespmem:$0x650]  }
0x37: {  	v29 =	vld [tilespmem:$0x60]  }
0x38: {  	v30 =	vld [tilespmem:$0x260]  }
0x39: {  	v31 =	vld [tilespmem:$0x460]  }
0x3a: {  	v32 =	vld [tilespmem:$0x660]  }
0x3b: {  	v33 =	vld [tilespmem:$0x70]  }
0x3c: {  	v34 =	vld [tilespmem:$0x270]  }
0x3d: {  	v35 =	vld [tilespmem:$0x470]  }
0x3e: {  	v36 =	vld [tilespmem:$0x670]  }
0x3f: {  	v37 =	vld [tilespmem:$0x80]  }
0x40: {  	v38 =	vld [tilespmem:$0x280]  }
0x41: {  	v39 =	vld [tilespmem:$0x480]  }
0x42: {  	v40 =	vld [tilespmem:$0x680]  }
0x43: {  	v41 =	vld [tilespmem:$0x90]  }
0x44: {  	v42 =	vld [tilespmem:$0x290]  }
0x45: {  	v43 =	vld [tilespmem:$0x490]  }
0x46: {  	v44 =	vld [tilespmem:$0x690]  }
0x47: {  	v45 =	vld [tilespmem:$0xA0]  }
0x48: {  	v46 =	vld [tilespmem:$0x2A0]  }
0x49: {  	v47 =	vld [tilespmem:$0x4A0]  }
0x4a: {  	v48 =	vld [tilespmem:$0x6A0]  }
0x4b: {  	v49 =	vld [tilespmem:$0xB0]  }
0x4c: {  	v50 =	vld [tilespmem:$0x2B0]  }
0x4d: {  	v51 =	vld [tilespmem:$0x4B0]  }
0x4e: {  	v52 =	vld [tilespmem:$0x6B0]  }
0x4f: {  	v53 =	vld [tilespmem:$0xC0]  }
0x50: {  	v54 =	vld [tilespmem:$0x2C0]  }
0x51: {  	v55 =	vld [tilespmem:$0x4C0]  }
0x52: {  	v1 =	vld [tilespmem:$0x6C0]  }
0x53: {  	v56 =	vld [tilespmem:$0xD0]  }
0x54: {  	v57 =	vld [tilespmem:$0x2D0]  }
0x55: {  	v58 =	vld [tilespmem:$0x4D0]  }
0x56: {  	v59 =	vld [tilespmem:$0x6D0]  }
0x57: {  	v60 =	vld [tilespmem:$0xE0]  }
0x58: {  	v61 =	vld [tilespmem:$0x2E0]  }
0x59: {  	v62 =	vld [tilespmem:$0x4E0]  }
0x5a: {  	v7 =	vld [tilespmem:$0x300]  }
0x5b: {  	v63 =	vld [tilespmem:$0x6E0]  }
0x5c: {  	v4 =	vld [tilespmem:$0x6F0]  }
0x5d: {  	v3 =	vld [tilespmem:$0x2F0]  }
0x5e: {  	v5 =	vld [tilespmem:$0x4F0]  }
0x5f: {  	[tilespmem:$0x1FFE0] =	vst v7;
	v0 =	vmul.u32 $0xC, v0;
	v7 =	vld [tilespmem:$0x500]  }
0x60: {  	[tilespmem:$0x1FFC0] =	vst v63;
	v63 =	vld [tilespmem:$0xF0]  }
0x61: {  	[tilespmem:$0x1FFD0] =	vst v4;
	v4 =	vld [tilespmem:$0x100];
	v0 =	vadd.s32 v2, v0  }
0x62: {  	v6 =	vshll.u32 v6, $0x3;
	v2 =	vld [tilespmem:$0x110];
	v0 =	vshll.u32 v0, $0x6  }
0x63: {  	v0 =	vadd.s32 v6, v0;
	v6 =	vld [tilespmem:$0x710]  }
0x64: {  	[tilespmem:$0x1FFF0] =	vst v7;
	v7 =	vmul.u32 $0xC, v9;
	v9 =	vld [tilespmem:$0x700];
	v8 =	vadd.s32 v8, v0  }
0x65: {  	[tilespmem:$0x800] =	vst v8;
	v8 =	vld [tilespmem:$0x1A0]  }
0x66: {  	[tilespmem:$0x1FFB0] =	vst v1;
	v13 =	vmul.u32 $0xC, v13;
	v1 =	vadd.s32 v10, v7;
	v10 =	vld [tilespmem:$0x310]  }
0x67: {  	v11 =	vshll.u32 v11, $0x3;
	v7 =	vld [tilespmem:$0x510];
	v1 =	vshll.u32 v1, $0x6  }
0x68: {  	v1 =	vadd.s32 v11, v1;
	v11 =	vmul.u32 $0xC, v17;
	v17 =	vadd.s32 v14, v13;
	v14 =	vld [tilespmem:$0x320]  }
0x69: {  	v1 =	vadd.s32 v12, v1;
	v12 =	vld [tilespmem:$0x120];
	v0 =	vshll.u32 v17, $0x6  }
0x6a: {  	v17 =	vmul.u32 $0xC, v21;
	v21 =	vmul.u32 $0xC, v25;
	v25 =	vshll.u32 v23, $0x3;
	v23 =	vld [tilespmem:$0x530]  }
0x6b: {  	v13 =	vshll.u32 v15, $0x3;
	v11 =	vadd.s32 v18, v11;
	v18 =	vld [tilespmem:$0x520]  }
0x6c: {  	v2 =	vmul.u32 $0xC, v2;
	v13 =	vadd.s32 v13, v0;
	v0 =	vld [tilespmem:$0x720]  }
0x6d: {  	v22 =	vadd.s32 v22, v17;
	v17 =	vld [tilespmem:$0x130]  }
0x6e: {  	v15 =	vshll.u32 v19, $0x3;
	v11 =	vshll.u32 v11, $0x6;
	v2 =	vadd.s32 v10, v2;
	v10 =	vld [tilespmem:$0x390]  }
0x6f: {  	v13 =	vadd.s32 v16, v13;
	v11 =	vadd.s32 v15, v11;
	v15 =	vadd.s32 v26, v21;
	v21 =	vld [tilespmem:$0x730]  }
0x70: {  	v7 =	vshll.u32 v7, $0x3;
	v16 =	vshll.u32 v22, $0x6;
	[tilespmem:$0x820] =	vst v13;
	v13 =	vld [tilespmem:$0x7A0]  }
0x71: {  	v26 =	vshll.u32 v27, $0x3;
	v2 =	vshll.u32 v2, $0x6;
	v11 =	vadd.s32 v20, v11;
	v20 =	vld [tilespmem:$0x330]  }
0x72: {  	v27 =	vmul.u32 $0xC, v29;
	v16 =	vadd.s32 v25, v16;
	v2 =	vadd.s32 v7, v2;
	v7 =	vld [tilespmem:$0x790]  }
0x73: {  	v29 =	vmul.u32 $0xC, v33;
	v15 =	vshll.u32 v15, $0x6;
	v16 =	vadd.s32 v24, v16;
	v24 =	vld [tilespmem:$0x140]  }
0x74: {  	v15 =	vadd.s32 v26, v15;
	v26 =	vld [tilespmem:$0x340]  }
0x75: {  	v19 =	vadd.s32 v34, v29;
	v29 =	vld [tilespmem:$0x540]  }
0x76: {  	v58 =	vshll.u32 v58, $0x3;
	v22 =	vadd.s32 v30, v27;
	v27 =	vld [tilespmem:$0x740]  }
0x77: {  	v60 =	vmul.u32 $0xC, v60;
	v5 =	vshll.u32 v5, $0x3;
	v34 =	vshll.u32 v35, $0x3;
	v30 =	vld [tilespmem:$0x150]  }
0x78: {  	v35 =	vmul.u32 $0xC, v37;
	v37 =	vmul.u32 $0xC, v41;
	v41 =	vshll.u32 v39, $0x3;
	v39 =	vld [tilespmem:$0x760]  }
0x79: {  	v4 =	vmul.u32 $0xC, v4;
	v8 =	vmul.u32 $0xC, v8;
	v33 =	vshll.u32 v31, $0x3;
	[tilespmem:$0x830] =	vst v11;
	v11 =	vld [tilespmem:$0x3A0]  }
0x7a: {  	v2 =	vadd.s32 v6, v2;
	v15 =	vadd.s32 v28, v15;
	v22 =	vshll.u32 v22, $0x6;
	[tilespmem:$0x840] =	vst v16;
	v16 =	vld [tilespmem:$0x5A0]  }
0x7b: {  	v19 =	vshll.u32 v19, $0x6;
	v22 =	vadd.s32 v33, v22;
	v28 =	vadd.s32 v38, v35;
	v35 =	vld [tilespmem:$0x550]  }
0x7c: {  	v19 =	vadd.s32 v34, v19;
	v25 =	vadd.s32 v42, v37;
	v42 =	vshll.u32 v43, $0x3;
	v33 =	vld [tilespmem:$0x750]  }
0x7d: {  	v43 =	vmul.u32 $0xC, v45;
	v45 =	vmul.u32 $0xC, v49;
	v49 =	vshll.u32 v47, $0x3;
	v38 =	vld [tilespmem:$0x360]  }
0x7e: {  	v47 =	vld [tilespmem:$0x570];
	v22 =	vadd.s32 v32, v22;
	v28 =	vshll.u32 v28, $0x6;
	v25 =	vshll.u32 v25, $0x6  }
0x7f: {  	v19 =	vadd.s32 v36, v19;
	v32 =	vld [tilespmem:$0x350];
	v28 =	vadd.s32 v41, v28;
	v25 =	vadd.s32 v42, v25  }
0x80: {  	v36 =	vld [tilespmem:$0x160];
	v34 =	vadd.s32 v46, v43;
	v31 =	vadd.s32 v50, v45;
	v50 =	vshll.u32 v51, $0x3  }
0x81: {  	v51 =	vmul.u32 $0xC, v53;
	v41 =	vld [tilespmem:$0x560];
	v53 =	vmul.u32 $0xC, v56;
	v56 =	vshll.u32 v55, $0x3  }
0x82: {  	v42 =	vld [tilespmem:$0x170];
	v46 =	vadd.s32 v61, v60;
	v61 =	vmul.u32 $0xC, v17;
	v28 =	vadd.s32 v40, v28  }
0x83: {  	v45 =	vld [tilespmem:$0x770];
	v25 =	vadd.s32 v44, v25;
	v34 =	vshll.u32 v34, $0x6;
	v31 =	vshll.u32 v31, $0x6  }
0x84: {  	v43 =	vld [tilespmem:$0x380];
	v46 =	vshll.u32 v46, $0x6;
	v34 =	vadd.s32 v49, v34;
	v31 =	vadd.s32 v50, v31  }
0x85: {  	v55 =	vld [tilespmem:$0x1FFC0];
	v40 =	vadd.s32 v54, v51;
	v37 =	vadd.s32 v57, v53;
	v54 =	vshll.u32 v62, $0x3  }
0x86: {  	v44 =	vld [tilespmem:$0x370];
	v34 =	vadd.s32 v48, v34;
	v31 =	vadd.s32 v52, v31;
	v40 =	vshll.u32 v40, $0x6  }
0x87: {  	v53 =	vld [tilespmem:$0x1FFB0];
	v37 =	vshll.u32 v37, $0x6;
	v52 =	vmul.u32 $0xC, v63;
	v46 =	vadd.s32 v54, v46  }
0x88: {  	v57 =	vld [tilespmem:$0x1FFE0];
	v63 =	vshll.u32 v18, $0x3;
	v35 =	vshll.u32 v35, $0x3;
	v37 =	vadd.s32 v58, v37  }
0x89: {  	v50 =	vld [tilespmem:$0x580];
	v40 =	vadd.s32 v56, v40;
	v36 =	vmul.u32 $0xC, v36;
	v37 =	vadd.s32 v59, v37  }
0x8a: {  	v54 =	vld [tilespmem:$0x1C0];
	v3 =	vadd.s32 v3, v52;
	v46 =	vadd.s32 v55, v46;
	v59 =	vmul.u32 $0xC, v12  }
0x8b: {  	[tilespmem:$0x870] =	vst v19;
	v56 =	vld [tilespmem:$0x1FFD0];
	v52 =	vmul.u32 $0xC, v42;
	v55 =	vshll.u32 v41, $0x3;
	v3 =	vshll.u32 v3, $0x6  }
0x8c: {  	v58 =	vld [tilespmem:$0x1FFF0];
	v19 =	vadd.s32 v38, v36;
	[tilespmem:$0x8D0] =	vst v37;
	v37 =	vadd.s32 v11, v8;
	v40 =	vadd.s32 v53, v40  }
0x8d: {  	[tilespmem:$0x910] =	vst v2;
	v48 =	vld [tilespmem:$0x180];
	v3 =	vadd.s32 v5, v3;
	v4 =	vadd.s32 v57, v4;
	v62 =	vadd.s32 v14, v59  }
0x8e: {  	[tilespmem:$0x850] =	vst v15;
	v17 =	vld [tilespmem:$0x3B0];
	v19 =	vshll.u32 v19, $0x6;
	v15 =	vadd.s32 v44, v52;
	v57 =	vshll.u32 v47, $0x3  }
0x8f: {  	v49 =	vld [tilespmem:$0x190];
	[tilespmem:$0x880] =	vst v28;
	v28 =	vshll.u32 v50, $0x3;
	v2 =	vshll.u32 v37, $0x6;
	v4 =	vshll.u32 v4, $0x6  }
0x90: {  	v12 =	vld [tilespmem:$0x590];
	v6 =	vshll.u32 v62, $0x6;
	v15 =	vshll.u32 v15, $0x6;
	v19 =	vadd.s32 v55, v19  }
0x91: {  	v38 =	vld [tilespmem:$0x1E0];
	v42 =	vmul.u32 $0xC, v54;
	v3 =	vadd.s32 v56, v3;
	v51 =	vshll.u32 v58, $0x3  }
0x92: {  	v5 =	vld [tilespmem:$0x780];
	v6 =	vadd.s32 v63, v6;
	v58 =	vmul.u32 $0xC, v48;
	v15 =	vadd.s32 v57, v15  }
0x93: {  	[tilespmem:$0x810] =	vst v1;
	v14 =	vld [tilespmem:$0x1B0];
	v19 =	vadd.s32 v39, v19;
	v39 =	vshll.u32 v16, $0x3;
	v60 =	vadd.s32 v51, v4  }
0x94: {  	[tilespmem:$0x860] =	vst v22;
	v53 =	vld [tilespmem:$0x7B0];
	v4 =	vadd.s32 v20, v61;
	v20 =	vshll.u32 v23, $0x3;
	v23 =	vmul.u32 $0xC, v24  }
0x95: {  	[tilespmem:$0x890] =	vst v25;
	v59 =	vld [tilespmem:$0x5C0];
	v24 =	vmul.u32 $0xC, v30;
	v0 =	vadd.s32 v0, v6;
	v30 =	vshll.u32 v29, $0x3  }
0x96: {  	[tilespmem:$0x8B0] =	vst v31;
	v62 =	vld [tilespmem:$0x1D0];
	v15 =	vadd.s32 v45, v15;
	v31 =	vshll.u32 v12, $0x3;
	v2 =	vadd.s32 v39, v2  }
0x97: {  	[tilespmem:$0x8C0] =	vst v40;
	v40 =	vld [tilespmem:$0x3E0];
	v1 =	vadd.s32 v9, v60;
	v4 =	vshll.u32 v4, $0x6;
	v60 =	vmul.u32 $0xC, v49  }
0x98: {  	[tilespmem:$0x8A0] =	vst v34;
	v56 =	vld [tilespmem:$0x3C0];
	v25 =	vadd.s32 v43, v58;
	v2 =	vadd.s32 v13, v2;
	v4 =	vadd.s32 v20, v4  }
0x99: {  	[tilespmem:$0x8E0] =	vst v46;
	v48 =	vld [tilespmem:$0x5F0];
	v26 =	vadd.s32 v26, v23;
	v9 =	vadd.s32 v32, v24;
	v63 =	vshll.u32 v25, $0x6  }
0x9a: {  	v51 =	vld [tilespmem:$0x5B0];
	[tilespmem:$0x8F0] =	vst v3;
	v34 =	vmul.u32 $0xC, v14;
	v47 =	vshll.u32 v59, $0x3;
	v4 =	vadd.s32 v21, v4  }
0x9b: {  	v29 =	vld [tilespmem:$0x3D0];
	[tilespmem:$0x960] =	vst v19;
	v6 =	vshll.u32 v26, $0x6;
	v9 =	vshll.u32 v9, $0x6;
	v10 =	vadd.s32 v10, v60  }
0x9c: {  	v45 =	vld [tilespmem:$0x5E0];
	[tilespmem:$0x920] =	vst v0;
	v44 =	vmul.u32 $0xC, v62;
	v6 =	vadd.s32 v30, v6;
	v9 =	vadd.s32 v35, v9  }
0x9d: {  	v61 =	vld [tilespmem:$0x7C0];
	[tilespmem:$0x970] =	vst v15;
	v30 =	vshll.u32 v10, $0x6;
	v3 =	vadd.s32 v17, v34;
	v8 =	vadd.s32 v56, v42  }
0x9e: {  	v43 =	vld [tilespmem:$0x1F0];
	[tilespmem:$0x900] =	vst v1;
	v60 =	vshll.u32 v48, $0x3;
	v6 =	vadd.s32 v27, v6;
	v9 =	vadd.s32 v33, v9  }
0x9f: {  	v32 =	vld [tilespmem:$0x5D0];
	[tilespmem:$0x9A0] =	vst v2;
	v33 =	vadd.s32 v28, v63;
	v1 =	vadd.s32 v31, v30;
	v3 =	vshll.u32 v3, $0x6  }
0xa0: {  	v46 =	vld [tilespmem:$0x3F0];
	[tilespmem:$0x930] =	vst v4;
	v41 =	vshll.u32 v51, $0x3;
	v8 =	vshll.u32 v8, $0x6;
	v4 =	vadd.s32 v29, v44  }
0xa1: {  	v35 =	vld [tilespmem:$0x7D0];
	v57 =	vshll.u32 v45, $0x3;
	v36 =	vadd.s32 v5, v33;
	v1 =	vadd.s32 v7, v1;
	[tilespmem:$0x940] =	vst v6  }
0xa2: {  	v51 =	vld [tilespmem:$0x7E0];
	[tilespmem:$0x950] =	vst v9;
	v3 =	vadd.s32 v41, v3;
	v49 =	vshll.u32 v4, $0x6;
	v5 =	vmul.u32 $0xC, v38  }
0xa3: {  	v54 =	vld [tilespmem:$0x7F0];
	v52 =	vadd.s32 v47, v8;
	v3 =	vadd.s32 v53, v3;
	[tilespmem:$0x980] =	vst v36;
	v53 =	vmul.u32 $0xC, v43  }
0xa4: {  	v50 =	vshll.u32 v32, $0x3;
	[tilespmem:$0x990] =	vst v1;
	v1 =	vadd.s32 v61, v52;
	v55 =	vadd.s32 v40, v5  }
0xa5: {  	v0 =	vadd.s32 v50, v49;
	[tilespmem:$0x9B0] =	vst v3;
	v56 =	vadd.s32 v46, v53;
	v2 =	vshll.u32 v55, $0x6  }
0xa6: {  	[tilespmem:$0x9C0] =	vst v1;
	v0 =	vadd.s32 v35, v0;
	v58 =	vadd.s32 v57, v2;
	v59 =	vshll.u32 v56, $0x6  }
0xa7: {  	[tilespmem:$0x9D0] =	vst v0;
	v61 =	vadd.s32 v51, v58;
	v62 =	vadd.s32 v60, v59  }
0xa8: {  	[tilespmem:$0x9E0] =	vst v61;
	v63 =	vadd.s32 v54, v62  }
0xa9: {  	[tilespmem:$0x9F0] =	vst v63  }
0xaa: {  	[tilespmem:s16], [sflag:$0x1] =	stream.indirect.gather [hbm4b:s3+s14], $0x80, s15, s14, $0xb8;
	[tilespmem:$0x10A00] =	vst v63  }
0xab: {  	_ = 	snop  }
0xac: {  	[tilespmem:s18], [sflag:$0x1] =	stream.indirect.gather [hbm4b:s3+s14], $0x80, s17, s14, $0xb8;
	[tilespmem:$0x10A00] =	vst v63  }
0xad: {  	_ = 	snop  }
0xae: {  	[tilespmem:s20], [sflag:$0x1] =	stream.indirect.gather [hbm4b:s3+s14], $0x80, s19, s14, $0xb8;
	[tilespmem:$0x10A00] =	vst v63  }
0xaf: {  	_ = 	snop  }
0xb0: {  	[tilespmem:s22], [sflag:$0x1] =	stream.indirect.gather [hbm4b:s3+s14], $0x80, s21, s14, $0xb8;
	[tilespmem:$0x10A00] =	vst v63  }
0xb1: {  	_ =	swait.ge [sflag:s23], $0x4000  }
0xb2: {  	[sflag:s23] =	ssyncset.done $0x0  }
0xb3: {  	[sflag:s23] =	ssyncadd.s32 $0xFFFFC000  }
0xb4: {  	_ =	swait.ge [sflag:s23], $0x4000  }
0xb5: {  	[sflag:s23] =	ssyncset.done $0x0  }
0xb6: {  	[sflag:s23] =	ssyncadd.s32 $0xFFFFC000  }
0xb7: {  	_ =	swait.ge [sflag:s23], $0x4000  }
0xb8: {  	[sflag:s23] =	ssyncset.done $0x0  }
0xb9: {  	[sflag:s23] =	ssyncadd.s32 $0xFFFFC000  }
0xba: {  	_ =	swait.ge [sflag:s23], $0x4000  }
0xbb: {  	p0 =	sne.s32 s9, $0x1;
	[sflag:s23] =	ssyncset.done $0x0  }
.Ltmp0:
0xbc: {  	[sflag:s23] =	ssyncadd.s32 $0xFFFFC000;
	(pc) =	sbr.rel @p0 .LBB2_1-.Ltmp0, $4  }
0xbd: {  	[hbm4b:s8+s2] =	stream.linear.scatter [tilespmem:s16], [sflag:$0x2], $0x10000, $0x38;
	[tilespmem:$0x10A00] =	vst v63  }
0xbe: {  	_ =	swait.ge [sflag:s10], $0x10000  }
0xbf: {  	[sflag:s10] =	ssyncset.done $0x0  }
0xc0: {  	s9 =	sadd.s32 $0xFFFFFFFF, s9;
	[sflag:s10] =	ssyncadd.s32 $0xFFFF0000  }
0xc1: {  	_ =	sfence.sel $0x180000  }
0xc2: {  	[bflag:$0x0] =	sbarrier.arrive $0xFFFF  }
0xc3: {  	p0 =	sne.s32 s1, $0x0;
	_ =	strace $0x90000047  }
0xc4: {  	s0 =	sadd.s32 @!p0 $0x100000, s0;
	[bflag:$0x2] =	sbarrier.arrive $0xFFFF  }
0xc5: {  	[sflag:s0] =	ssyncadd.tile.s32 @!p0 $0x1;
	_ =	shalt  }
.Lfunc_end2:
_tile_overlayer_lowered:
.L_overlay_start_2:
0xc6: {  	(tag) =	ssettag $0x2  }
0xc7: {  	s0 =	rddreg [dreg:$0x0];
	s2 =	stileid.u32  }
0xc8: {  	s1 =	rddreg [dreg:$0x1];
	p0 =	sne.s32 s2, $0x0  }
0xc9: {  	s3 =	rddreg [dreg:$0x2];
	[bflag:$0x3] =	sbarrier.arrive $0xFFFF;
	s2 =	simm.s32 @!p0 $0x1C02  }
0xca: {  	[timem:s3], [sflag:s2] =	dma.local @!p0 [hbm:s0], s1  }
0xcb: {  	s0 =	simm.s32 @!p0 $0x2  }
0xcc: {  	_ =	swait.ge @!p0 [sflag:s0], s1  }
0xcd: {  	s1 =	ssub.s32 @!p0 $0x0, s1;
	[sflag:s0] =	ssyncset.done @!p0 $0x0  }
0xce: {  	[sflag:s0] =	ssyncadd.s32 @!p0 s1  }
0xcf: {  	[bflag:$0x3] =	sbarrier.arrive $0xFFFF  }
0xd0: {  	_ =	shalt  }

</sc_bundles>
